<compile_context>
chip_gen: v7x
topology: tpu7x:2x2x1
jax: 0.10.2.dev20260603
libtpu: 0.0.44.dev20260713+nightly
codegen_flags: <defaults>
</compile_context>

<pallas_src>
import functools

import jax
import jax.numpy as jnp
from jax import lax
from jax.experimental import pallas as pl
from jax.experimental.pallas import tpu as pltpu
from jax.experimental.pallas import tpu_sc as plsc

H = 512
W = 512
HW = H * W
DUMMY = HW

NC = 2
NS = 16
NWK = NC * NS
NB = 4
WPB = NWK // NB
PIX = HW // WPB

TCH = 2048
SCH = 4096
PCH = 256
GCH = 128
HUGE = 0x7FFFFFFF
LANES = 16


def _trunc(v):
    return jnp.where(v < 0, jnp.ceil(v), jnp.floor(v))


def _project_body(pts_ref, R_ref, T_ref, fcl_ref, prp_ref, pid_ref, z_ref,
                  *, n, chunk):
    ci = pl.program_id(1)
    pts = pts_ref[0]
    bf = lambda v: v.astype(jnp.bfloat16).astype(jnp.float32)
    X = bf(pts[0:1, :])
    Y = bf(pts[1:2, :])
    Z = bf(pts[2:3, :])
    r = lambda j, k: bf(R_ref[0, j, k])
    cam = lambda k: (X * r(0, k) + (Y * r(1, k) + Z * r(2, k)))
    cx = cam(0) + T_ref[0, 0, 0]
    cy = cam(1) + T_ref[0, 0, 1]
    cz = cam(2) + T_ref[0, 0, 2]
    x = fcl_ref[0, 0, 0] * cx / cz + prp_ref[0, 0, 0]
    y = fcl_ref[0, 0, 1] * cy / cz + prp_ref[0, 0, 1]
    s = (min(H, W) - 1) / 2.0
    ccx = -(W - 1) / 2.0
    ccy = -(H - 1) / 2.0
    sx = -(s * x + ccx)
    sy = -(s * y + ccy)
    fpx = _trunc(sx - 1e-06 + 0.5)
    fpy = _trunc(sy - 1e-06 + 0.5)
    inb = (fpx >= 0) & (fpx < W) & (fpy >= 0) & (fpy < H)
    vmask = cz > 0
    gidx = ci * chunk + lax.broadcasted_iota(jnp.int32, (1, chunk), 1)
    valid = inb & vmask & (gidx < n)
    fpx_c = jnp.clip(fpx, 0.0, W - 1.0)
    fpy_c = jnp.clip(fpy, 0.0, H - 1.0)
    pid = (fpy_c * W + fpx_c).astype(jnp.int32)
    pid_ref[...] = jnp.where(valid, pid, DUMMY)[None]
    z_ref[...] = cz[None]


def _raster_body(pid_hbm, z_hbm, feat_hbm, bg_hbm, out_hbm,
                 zmin, winner, pidb, zb, idxb0, idxb1, rows0, rows1,
                 outb0, outb1, bgv, gsem0, gsem1, osem0, osem1,
                 *, n, np_, d):
    cid = lax.axis_index("c")
    sid = lax.axis_index("s")
    wid = sid * NC + cid
    bi = wid // WPB
    base = (wid % WPB) * PIX
    nch = np_ // SCH
    dd = d + 1

    pltpu.sync_copy(bg_hbm, bgv)

    iota = lax.iota(jnp.int32, LANES)
    inf16 = jnp.full((LANES,), jnp.inf, jnp.float32)
    huge16 = jnp.full((LANES,), HUGE, jnp.int32)

    if True:
        def init_body(i, _):
            o = i * LANES
            zmin[pl.ds(o, LANES)] = inf16
            winner[pl.ds(o, LANES)] = huge16
            return 0
        lax.fori_loop(0, PIX // LANES, init_body, 0)

        def chAB(c, _):
            off = pl.multiple_of(c * SCH, SCH)
            pltpu.sync_copy(pid_hbm.at[bi, pl.ds(off, SCH)], pidb)
            pltpu.sync_copy(z_hbm.at[bi, pl.ds(off, SCH)], zb)
            row0 = bi * n + off

            def vec(i, _):
                pv = pidb[pl.ds(i * LANES, LANES)]
                zv = zb[pl.ds(i * LANES, LANES)]
                li = pv - base
                m = (li >= 0) & (li < PIX)
                lis = jnp.where(m, li, 0)
                iv = row0 + i * LANES + iota
                cur = plsc.load_gather(zmin, [lis], mask=m)
                wcur = plsc.load_gather(winner, [lis], mask=m)
                want = m & ((zv < cur) | ((zv == cur) & (iv < wcur)))

                def wbody(wnt):
                    plsc.store_scatter(zmin, [lis], zv, mask=wnt)
                    plsc.store_scatter(winner, [lis], iv, mask=wnt)
                    c2 = plsc.load_gather(zmin, [lis], mask=wnt)
                    w2 = plsc.load_gather(winner, [lis], mask=wnt)
                    return wnt & ((zv < c2) | ((zv == c2) & (iv < w2)))

                lax.while_loop(jnp.any, wbody, want)
                return 0
            lax.fori_loop(0, SCH // LANES, vec, 0)
            return 0
        lax.fori_loop(0, nch, chAB, 0)

        idxbs = (idxb0, idxb1)
        rowss = (rows0, rows1)
        outbs = (outb0, outb1)
        gsems = (gsem0, gsem1)
        osems = (osem0, osem1)

        def build_idx(c, idxb):
            pbase = c * PCH

            def g_idx(g, _):
                o = g * LANES
                wv = winner[pl.ds(pbase + o, LANES)]
                has = wv != HUGE
                spread = base + pbase + o + iota
                idxb[pl.ds(o, LANES)] = jnp.where(has, wv, spread)
                return 0
            lax.fori_loop(0, PCH // LANES, g_idx, 0)

        def fire_gathers(idxb, rows, gsem):
            return [
                pltpu.async_copy(
                    feat_hbm.at[idxb.at[pl.ds(j * GCH, GCH)]],
                    rows.at[pl.ds(j * GCH, GCH)], gsem)
                for j in range(PCH // GCH)
            ]

        def assemble(c, rows, outb):
            pbase = c * PCH

            def g_emit(g, _):
                o = g * LANES
                wv = winner[pl.ds(pbase + o, LANES)]
                has = wv != HUGE
                rloc = o + iota
                for cc in range(d):
                    col = jnp.full((LANES,), cc, jnp.int32)
                    v = plsc.load_gather(rows, [rloc, col], mask=has)
                    bgcc = bgv[cc, pl.ds(0, LANES)]
                    outb[cc, pl.ds(o, LANES)] = jnp.where(has, v, bgcc)
                ones = jnp.where(has, 1.0, 0.0).astype(jnp.float32)
                outb[d, pl.ds(o, LANES)] = ones
                return 0
            lax.fori_loop(0, PCH // LANES, g_emit, 0)

        def out_dma(c, outb, osem):
            return pltpu.async_copy(
                outb, out_hbm.at[bi, :, pl.ds(base + c * PCH, PCH)], osem)

        def chC2(s, _):
            cs = (2 * s, 2 * s + 1)
            descs = []
            for p in (0, 1):
                build_idx(cs[p], idxbs[p])
                descs.append(fire_gathers(idxbs[p], rowss[p], gsems[p]))
            for p in (0, 1):
                @pl.when(s > 0)
                def _():
                    pltpu.make_async_copy(
                        outbs[p],
                        out_hbm.at[bi, :, pl.ds(base, PCH)],
                        osems[p]).wait()
                for cp in descs[p]:
                    cp.wait()
                assemble(cs[p], rowss[p], outbs[p])
                out_dma(cs[p], outbs[p], osems[p])
            return 0
        lax.fori_loop(0, PIX // PCH // 2, chC2, 0)
        for p in (0, 1):
            pltpu.make_async_copy(
                outbs[p], out_hbm.at[bi, :, pl.ds(base, PCH)], osems[p]).wait()


def kernel(points, features, R_row, T, fcl_ndc, prp_ndc, image_height,
           image_width, bg_feature):
    b, n, _ = points.shape
    d = features.shape[-1]
    chunk = TCH
    np_ = -(-n // SCH) * SCH
    nch = np_ // chunk

    pts_t = jnp.transpose(points, (0, 2, 1))
    pts_t = jnp.pad(pts_t, ((0, 0), (0, 0), (0, np_ - n)))

    proj = pl.pallas_call(
        functools.partial(_project_body, n=n, chunk=chunk),
        grid=(b, nch),
        in_specs=[
            pl.BlockSpec((1, 3, chunk), lambda bi, ci: (bi, 0, ci)),
            pl.BlockSpec((1, 3, 3), lambda bi, ci: (bi, 0, 0)),
            pl.BlockSpec((1, 1, 3), lambda bi, ci: (bi, 0, 0)),
            pl.BlockSpec((1, 1, 2), lambda bi, ci: (bi, 0, 0)),
            pl.BlockSpec((1, 1, 2), lambda bi, ci: (bi, 0, 0)),
        ],
        out_specs=[
            pl.BlockSpec((1, 1, chunk), lambda bi, ci: (bi * nch + ci, 0, 0)),
            pl.BlockSpec((1, 1, chunk), lambda bi, ci: (bi * nch + ci, 0, 0)),
        ],
        out_shape=[
            jax.ShapeDtypeStruct((b * nch, 1, chunk), jnp.int32),
            jax.ShapeDtypeStruct((b * nch, 1, chunk), jnp.float32),
        ],
    )
    pid, z = proj(pts_t, R_row, T[:, None, :], fcl_ndc[:, None, :],
                  prp_ndc[:, None, :])
    pid = pid.reshape(b, np_)
    z = z.reshape(b, np_)

    pid_off = ((jnp.asarray(image_height, jnp.int32) - H)
               + (jnp.asarray(image_width, jnp.int32) - W))
    pid = jnp.where(pid == DUMMY, DUMMY, pid + pid_off)

    feat2d = features.reshape(b * n, d)
    bg = jnp.broadcast_to(bg_feature.reshape(d)[:, None], (d, LANES))

    mesh = plsc.VectorSubcoreMesh(
        core_axis_name="c", subcore_axis_name="s",
        num_cores=NC, num_subcores=NS)
    raster = pl.kernel(
        functools.partial(_raster_body, n=n, np_=np_, d=d),
        out_type=jax.ShapeDtypeStruct((b, d + 1, HW), jnp.float32),
        mesh=mesh,
        compiler_params=pltpu.CompilerParams(
            needs_layout_passes=False, use_tc_tiling_on_sc=False),
        scratch_types=[
            pltpu.VMEM((PIX,), jnp.float32),
            pltpu.VMEM((PIX,), jnp.int32),
            pltpu.VMEM((SCH,), jnp.int32),
            pltpu.VMEM((SCH,), jnp.float32),
            pltpu.VMEM((PCH,), jnp.int32),
            pltpu.VMEM((PCH,), jnp.int32),
            pltpu.VMEM((PCH, d), jnp.float32),
            pltpu.VMEM((PCH, d), jnp.float32),
            pltpu.VMEM((d + 1, PCH), jnp.float32),
            pltpu.VMEM((d + 1, PCH), jnp.float32),
            pltpu.VMEM((d, LANES), jnp.float32),
            pltpu.SemaphoreType.DMA,
            pltpu.SemaphoreType.DMA,
            pltpu.SemaphoreType.DMA,
            pltpu.SemaphoreType.DMA,
        ],
    )
    out = raster(pid, z, feat2d, bg)
    return out.reshape(b, d + 1, H, W)

# --- scband reference (transcript-rebuilt; emitter-appended) ---
"""Pipeline reference for scband-nearest-scatter-rasterizer-82368882802956 (READ-ONLY COPY).

The authoritative reference and input builder live on the scoring server;
editing this copy changes nothing except your own understanding.
"""

import jax, jax.numpy as jnp
import numpy as np


def setup_inputs(seed: int = 0) -> dict:
    key = jax.random.key(seed)
    ks = jax.random.split(key, 6)
    b, n, d = 4, 100000, 32
    points = jax.random.normal(ks[0], (b, n, 3), dtype=jnp.float32)
    features = jax.random.normal(ks[1], (b, n, d), dtype=jnp.float32)
    R_row = jax.random.normal(ks[2], (b, 3, 3), dtype=jnp.float32)
    T = jax.random.normal(ks[3], (b, 3), dtype=jnp.float32)
    fcl_ndc = jax.random.uniform(ks[4], (b, 2), dtype=jnp.float32)
    prp_ndc = jax.random.normal(ks[5], (b, 2), dtype=jnp.float32)
    bg_feature = jnp.zeros((1, d, 1, 1), dtype=jnp.float32)
    return {"points": points, "features": features, "R_row": R_row, "T": T,
            "fcl_ndc": fcl_ndc, "prp_ndc": prp_ndc,
            "image_height": 512, "image_width": 512, "bg_feature": bg_feature}


def _forward(points, features, R_row, T, fcl_ndc, prp_ndc, bg_feature, H, W, pid_off):
    b, n, _ = points.shape
    # project_points: row-vector camera transform + pinhole NDC projection
    cam = jnp.einsum('bnj,bjk->bnk', points, R_row) + T[:, None, :]
    z = cam[:, :, 2]
    x = fcl_ndc[:, None, 0] * cam[:, :, 0] / z + prp_ndc[:, None, 0]
    y = fcl_ndc[:, None, 1] * cam[:, :, 1] / z + prp_ndc[:, None, 1]
    ndc = jnp.stack([x, y, z], axis=-1)
    v_mask = z > 0
    # features arrive channel-last (channel_first=False); permute to [b, c, n]
    feats = jnp.transpose(features, (0, 2, 1))
    c = feats.shape[1]
    descriptors = jnp.concatenate([feats, jnp.ones((b, 1, n), feats.dtype)], axis=1)
    D = c + 1
    # pixel id computation is under torch.no_grad in the original
    ndc_ng = jax.lax.stop_gradient(ndc)
    s = (min(H, W) - 1) / 2.0
    cx = -(W - 1) / 2.0
    cy = -(H - 1) / 2.0
    sx = -(s * ndc_ng[:, :, 0] + cx)
    sy = -(s * ndc_ng[:, :, 1] + cy)
    px = jnp.trunc(sx - 1e-06 + 0.5).astype(jnp.int32)
    py = jnp.trunc(sy - 1e-06 + 0.5).astype(jnp.int32)
    pixel_id = py * W + px + pid_off
    inb = (px >= 0) & (px < W) & (py >= 0) & (py < H)
    dummy = H * W
    pixel_id = jnp.where(inb & v_mask, pixel_id, dummy)
    batch_idx = jnp.arange(b)[:, None]
    zvals = ndc_ng[:, :, 2]
    # scatter-min z-buffer
    z_buffer = jnp.full((b, H * W + 1), jnp.inf, dtype=jnp.float32)
    z_buffer = z_buffer.at[batch_idx, pixel_id].min(zvals)
    z_buffer = z_buffer.at[:, -1].set(0.0)
    backproj = jnp.take_along_axis(z_buffer, pixel_id, axis=1)
    not_occ = (zvals == backproj) & (backproj < jnp.inf)
    pixel_id = jnp.where(not_occ, pixel_id, dummy)
    # remove_non_unique: keep only the first (lowest-index) point per pixel
    z_index = jnp.broadcast_to(jnp.arange(n, dtype=jnp.float32), (b, n))
    zb2 = jnp.full((b, H * W + 1), jnp.inf, dtype=jnp.float32)
    zb2 = zb2.at[batch_idx, pixel_id].min(z_index)
    first = z_index == jnp.take_along_axis(zb2, pixel_id, axis=1)
    pixel_id = jnp.where(first, pixel_id, dummy)
    # scatter descriptors (overwrite); collisions only at the dummy slot, sliced off
    desc_tn = jnp.transpose(descriptors, (0, 2, 1))  # [b, n, D]
    pf = jnp.zeros((b, H * W + 1, D), dtype=desc_tn.dtype)
    pf = pf.at[batch_idx, pixel_id].set(desc_tn)
    pf = pf[:, :H * W, :]
    pf = jnp.transpose(pf, (0, 2, 1)).reshape(b, D, H, W)
    mask = pf[:, -1:, :, :]
    fg = jnp.where(mask != 0, pf[:, :-1, :, :], bg_feature)
    return jnp.concatenate([fg, mask], axis=1)


def reference(points, features, R_row, T, fcl_ndc, prp_ndc, image_height, image_width, bg_feature):
    H, W = 512, 512
    ih = jnp.asarray(image_height, jnp.int32)
    iw = jnp.asarray(image_width, jnp.int32)
    pid_off = (ih - H) + (iw - W)
    return _forward(points, features, R_row, T, fcl_ndc, prp_ndc, bg_feature,
                    H, W, pid_off)

if __name__ == "__main__":
    import jax
    _d = setup_inputs()
    print(jax.jit(kernel)(*tuple(_d.values())))

</pallas_src>

<mosaic_0001>
#map = affine_map<(d0, d1) -> (0, 0)>
#map1 = affine_map<(d0, d1) -> (0, 0, 0)>
module attributes {stable_mosaic.version = 14 : i64} {
  func.func @_raster_body(%arg0: i32, %arg1: i32, %arg2: memref<4x102400xi32, #tpu.memory_space<hbm>>, %arg3: memref<4x102400xf32, #tpu.memory_space<hbm>>, %arg4: memref<400000x32xf32, #tpu.memory_space<hbm>>, %arg5: memref<32x16xf32, #tpu.memory_space<hbm>>, %arg6: memref<4x33x262144xf32, #tpu.memory_space<hbm>>, %arg7: memref<32768xf32, #tpu.memory_space<vmem>>, %arg8: memref<32768xi32, #tpu.memory_space<vmem>>, %arg9: memref<4096xi32, #tpu.memory_space<vmem>>, %arg10: memref<4096xf32, #tpu.memory_space<vmem>>, %arg11: memref<256xi32, #tpu.memory_space<vmem>>, %arg12: memref<256xi32, #tpu.memory_space<vmem>>, %arg13: memref<256x32xf32, #tpu.memory_space<vmem>>, %arg14: memref<256x32xf32, #tpu.memory_space<vmem>>, %arg15: memref<33x256xf32, #tpu.memory_space<vmem>>, %arg16: memref<33x256xf32, #tpu.memory_space<vmem>>, %arg17: memref<32x16xf32, #tpu.memory_space<vmem>>, %arg18: memref<!tpu.dma_semaphore, #tpu.memory_space<semaphore_mem>>, %arg19: memref<!tpu.dma_semaphore, #tpu.memory_space<semaphore_mem>>, %arg20: memref<!tpu.dma_semaphore, #tpu.memory_space<semaphore_mem>>, %arg21: memref<!tpu.dma_semaphore, #tpu.memory_space<semaphore_mem>>) attributes {dimension_semantics = [#tpu.dimension_semantics<core_parallel>, #tpu.dimension_semantics<subcore_parallel>], iteration_bounds = array<i64: 2, 16>, scalar_prefetch = 0 : i64, scratch_operands = 15 : i64, tpu.core_type = #tpu.core_type<sc_vector_subcore>, window_params = [{transform_indices = #map}, {transform_indices = #map}, {transform_indices = #map}, {transform_indices = #map}, {transform_indices = #map1}]} {
    %mul3A = arith.constant 2 : i32
    %mul3A_0 = arith.muli %arg1, %mul3A : i32
    %add3A = arith.addi %mul3A_0, %arg0 : i32
    %jit3A = arith.constant 8 : i32
    %div3A = arith.divsi %add3A, %jit3A : i32
    %sign3A = arith.constant 0 : i32
    %sign3A_1 = arith.cmpi sgt, %add3A, %sign3A : i32
    %sign3A_2 = arith.extui %sign3A_1 : i1 to i32
    %sign3A_3 = arith.constant 0 : i32
    %sign3A_4 = arith.cmpi slt, %add3A, %sign3A_3 : i32
    %sign3A_5 = arith.extui %sign3A_4 : i1 to i32
    %sign3A_6 = arith.subi %sign3A_2, %sign3A_5 : i32
    %sign3A_7 = arith.constant 0 : i32
    %sign3A_8 = arith.cmpi sgt, %jit3A, %sign3A_7 : i32
    %sign3A_9 = arith.extui %sign3A_8 : i1 to i32
    %sign3A_10 = arith.constant 0 : i32
    %sign3A_11 = arith.cmpi slt, %jit3A, %sign3A_10 : i32
    %sign3A_12 = arith.extui %sign3A_11 : i1 to i32
    %sign3A_13 = arith.subi %sign3A_9, %sign3A_12 : i32
    %ne3A = arith.cmpi ne, %sign3A_6, %sign3A_13 : i32
    %rem3A = arith.remsi %add3A, %jit3A : i32
    %ne3A_14 = arith.constant 0 : i32
    %ne3A_15 = arith.cmpi ne, %rem3A, %ne3A_14 : i32
    %and3A = arith.andi %ne3A, %ne3A_15 : i1
    %sub3A = arith.constant 1 : i32
    %sub3A_16 = arith.subi %div3A, %sub3A : i32
    %select_n3A = arith.select %and3A, %sub3A_16, %div3A : i32
    %jit3A_17 = arith.constant 8 : i32
    %eq3A = arith.constant 0 : i32
    %eq3A_18 = arith.cmpi eq, %jit3A_17, %eq3A : i32
    %jit3A_19 = arith.constant 1 : i32
    %select_n3A_20 = arith.select %eq3A_18, %jit3A_19, %jit3A_17 : i32
    %rem3A_21 = arith.remsi %add3A, %select_n3A_20 : i32
    %ne3A_22 = arith.constant 0 : i32
    %ne3A_23 = arith.cmpi ne, %rem3A_21, %ne3A_22 : i32
    %lt3A = arith.constant 0 : i32
    %lt3A_24 = arith.cmpi slt, %rem3A_21, %lt3A : i32
    %lt3A_25 = arith.constant 0 : i32
    %lt3A_26 = arith.cmpi slt, %select_n3A_20, %lt3A_25 : i32
    %ne3A_27 = arith.xori %lt3A_24, %lt3A_26 : i1
    %and3A_28 = arith.andi %ne3A_27, %ne3A_23 : i1
    %add3A_29 = arith.addi %rem3A_21, %select_n3A_20 : i32
    %select_n3A_30 = arith.select %and3A_28, %add3A_29, %rem3A_21 : i32
    %mul3A_31 = arith.constant 32768 : i32
    %mul3A_32 = arith.muli %select_n3A_30, %mul3A_31 : i32
    "tpu.region"() ({
      %run_scoped3A = tpu.sem_alloc : memref<!tpu.dma_semaphore, #tpu.memory_space<semaphore_mem>>
      tpu.enqueue_dma source(%arg5 : memref<32x16xf32, #tpu.memory_space<hbm>>) target(%arg17 : memref<32x16xf32, #tpu.memory_space<vmem>>) target_semaphore(%run_scoped3A : memref<!tpu.dma_semaphore, #tpu.memory_space<semaphore_mem>>)
      tpu.wait_dma2 semaphore(%run_scoped3A : memref<!tpu.dma_semaphore, #tpu.memory_space<semaphore_mem>>) src(%arg5 : memref<32x16xf32, #tpu.memory_space<hbm>>) dst(%arg17 : memref<32x16xf32, #tpu.memory_space<vmem>>)
      tpu.yield
    }) : () -> ()
    %iota3A = tpu.iota {dimensions = array<i32: 0>} : vector<16xi32>
    %broadcast_in_dim3A = arith.constant 0x7F800000 : f32
    %broadcast_in_dim3A_33 = vector.broadcast %broadcast_in_dim3A : f32 to vector<16xf32>
    %broadcast_in_dim3A_34 = arith.constant 2147483647 : i32
    %broadcast_in_dim3A_35 = vector.broadcast %broadcast_in_dim3A_34 : i32 to vector<16xi32>
    %scan3A = arith.constant 0 : i32
    %scan3A_36 = arith.constant 0 : i32
    %scan3A_37 = arith.constant 2048 : i32
    %scan3A_38 = arith.addi %scan3A_36, %scan3A_37 : i32
    %scan3A_39 = arith.constant 1 : i32
    %scan3A_40 = scf.for %scan3A_67 = %scan3A_36 to %scan3A_38 step %scan3A_39 iter_args(%scan3A_68 = %scan3A) -> (i32)  : i32 {
      %mul3A_69 = arith.constant 16 : i32
      %mul3A_70 = arith.muli %scan3A_67, %mul3A_69 : i32
      %swap3A = arith.index_cast %mul3A_70 : i32 to index
      %swap3A_71 = tpu.vector_load %arg7[%swap3A] {strides = array<i32>} : memref<32768xf32, #tpu.memory_space<vmem>>, vector<16xf32>,
      tpu.vector_store %arg7[%swap3A], %broadcast_in_dim3A_33 {strides = array<i32>} : memref<32768xf32, #tpu.memory_space<vmem>>, vector<16xf32>,
      %swap3A_72 = arith.index_cast %mul3A_70 : i32 to index
      %swap3A_73 = tpu.vector_load %arg8[%swap3A_72] {strides = array<i32>} : memref<32768xi32, #tpu.memory_space<vmem>>, vector<16xi32>,
      tpu.vector_store %arg8[%swap3A_72], %broadcast_in_dim3A_35 {strides = array<i32>} : memref<32768xi32, #tpu.memory_space<vmem>>, vector<16xi32>,
      %scan3A_74 = arith.constant 0 : i32
      scf.yield %scan3A_74 : i32
    }
    %scan3A_41 = arith.constant 2048 : i32
    %scan3A_42 = arith.constant 0 : i32
    %scan3A_43 = arith.constant 0 : i32
    %scan3A_44 = arith.constant 25 : i32
    %scan3A_45 = arith.addi %scan3A_43, %scan3A_44 : i32
    %scan3A_46 = arith.constant 1 : i32
    %scan3A_47 = scf.for %scan3A_67 = %scan3A_43 to %scan3A_45 step %scan3A_46 iter_args(%scan3A_68 = %scan3A_42) -> (i32)  : i32 {
      %mul3A_69 = arith.constant 4096 : i32
      %mul3A_70 = arith.muli %scan3A_67, %mul3A_69 : i32
      %multiple_of3A = tpu.assume_multiple %mul3A_70, 4096 : i32
      "tpu.region"() ({
        %run_scoped3A = tpu.sem_alloc : memref<!tpu.dma_semaphore, #tpu.memory_space<semaphore_mem>>
        %dma_start3A = tpu.memref_slice %arg2[%select_n3A, %multiple_of3A] : memref<4x102400xi32, #tpu.memory_space<hbm>> -> memref<1x4096xi32, #tpu.memory_space<hbm>>
        %dma_start3A_82 = tpu.memref_squeeze %dma_start3A : memref<1x4096xi32, #tpu.memory_space<hbm>> -> memref<4096xi32, #tpu.memory_space<hbm>>
        %dma_start3A_83 = tpu.memref_slice %arg2[%select_n3A, %multiple_of3A] : memref<4x102400xi32, #tpu.memory_space<hbm>> -> memref<1x4096xi32, #tpu.memory_space<hbm>>
        %dma_start3A_84 = tpu.memref_squeeze %dma_start3A_83 : memref<1x4096xi32, #tpu.memory_space<hbm>> -> memref<4096xi32, #tpu.memory_space<hbm>>
        tpu.enqueue_dma source(%dma_start3A_84 : memref<4096xi32, #tpu.memory_space<hbm>>) target(%arg9 : memref<4096xi32, #tpu.memory_space<vmem>>) target_semaphore(%run_scoped3A : memref<!tpu.dma_semaphore, #tpu.memory_space<semaphore_mem>>)
        %dma_wait3A_85 = tpu.memref_slice %arg2[%select_n3A, %multiple_of3A] : memref<4x102400xi32, #tpu.memory_space<hbm>> -> memref<1x4096xi32, #tpu.memory_space<hbm>>
        %dma_wait3A_86 = tpu.memref_squeeze %dma_wait3A_85 : memref<1x4096xi32, #tpu.memory_space<hbm>> -> memref<4096xi32, #tpu.memory_space<hbm>>
        %dma_wait3A_87 = tpu.memref_slice %arg2[%select_n3A, %multiple_of3A] : memref<4x102400xi32, #tpu.memory_space<hbm>> -> memref<1x4096xi32, #tpu.memory_space<hbm>>
        %dma_wait3A_88 = tpu.memref_squeeze %dma_wait3A_87 : memref<1x4096xi32, #tpu.memory_space<hbm>> -> memref<4096xi32, #tpu.memory_space<hbm>>
        tpu.wait_dma2 semaphore(%run_scoped3A : memref<!tpu.dma_semaphore, #tpu.memory_space<semaphore_mem>>) src(%dma_wait3A_88 : memref<4096xi32, #tpu.memory_space<hbm>>) dst(%arg9 : memref<4096xi32, #tpu.memory_space<vmem>>)
        tpu.yield
      }) : () -> ()
      "tpu.region"() ({
        %run_scoped3A = tpu.sem_alloc : memref<!tpu.dma_semaphore, #tpu.memory_space<semaphore_mem>>
        %dma_start3A = tpu.memref_slice %arg3[%select_n3A, %multiple_of3A] : memref<4x102400xf32, #tpu.memory_space<hbm>> -> memref<1x4096xf32, #tpu.memory_space<hbm>>
        %dma_start3A_82 = tpu.memref_squeeze %dma_start3A : memref<1x4096xf32, #tpu.memory_space<hbm>> -> memref<4096xf32, #tpu.memory_space<hbm>>
        %dma_start3A_83 = tpu.memref_slice %arg3[%select_n3A, %multiple_of3A] : memref<4x102400xf32, #tpu.memory_space<hbm>> -> memref<1x4096xf32, #tpu.memory_space<hbm>>
        %dma_start3A_84 = tpu.memref_squeeze %dma_start3A_83 : memref<1x4096xf32, #tpu.memory_space<hbm>> -> memref<4096xf32, #tpu.memory_space<hbm>>
        tpu.enqueue_dma source(%dma_start3A_84 : memref<4096xf32, #tpu.memory_space<hbm>>) target(%arg10 : memref<4096xf32, #tpu.memory_space<vmem>>) target_semaphore(%run_scoped3A : memref<!tpu.dma_semaphore, #tpu.memory_space<semaphore_mem>>)
        %dma_wait3A_85 = tpu.memref_slice %arg3[%select_n3A, %multiple_of3A] : memref<4x102400xf32, #tpu.memory_space<hbm>> -> memref<1x4096xf32, #tpu.memory_space<hbm>>
        %dma_wait3A_86 = tpu.memref_squeeze %dma_wait3A_85 : memref<1x4096xf32, #tpu.memory_space<hbm>> -> memref<4096xf32, #tpu.memory_space<hbm>>
        %dma_wait3A_87 = tpu.memref_slice %arg3[%select_n3A, %multiple_of3A] : memref<4x102400xf32, #tpu.memory_space<hbm>> -> memref<1x4096xf32, #tpu.memory_space<hbm>>
        %dma_wait3A_88 = tpu.memref_squeeze %dma_wait3A_87 : memref<1x4096xf32, #tpu.memory_space<hbm>> -> memref<4096xf32, #tpu.memory_space<hbm>>
        tpu.wait_dma2 semaphore(%run_scoped3A : memref<!tpu.dma_semaphore, #tpu.memory_space<semaphore_mem>>) src(%dma_wait3A_88 : memref<4096xf32, #tpu.memory_space<hbm>>) dst(%arg10 : memref<4096xf32, #tpu.memory_space<vmem>>)
        tpu.yield
      }) : () -> ()
      %mul3A_71 = arith.constant 100000 : i32
      %mul3A_72 = arith.muli %select_n3A, %mul3A_71 : i32
      %add3A_73 = arith.addi %mul3A_72, %multiple_of3A : i32
      %scan3A_74 = arith.constant 0 : i32
      %scan3A_75 = arith.constant 0 : i32
      %scan3A_76 = arith.constant 256 : i32
      %scan3A_77 = arith.addi %scan3A_75, %scan3A_76 : i32
      %scan3A_78 = arith.constant 1 : i32
      %scan3A_79 = scf.for %scan3A_82 = %scan3A_75 to %scan3A_77 step %scan3A_78 iter_args(%scan3A_83 = %scan3A_74) -> (i32)  : i32 {
        %mul3A_84 = arith.constant 16 : i32
        %mul3A_85 = arith.muli %scan3A_82, %mul3A_84 : i32
        %get3A = arith.index_cast %mul3A_85 : i32 to index
        %get3A_86 = tpu.vector_load %arg9[%get3A] {strides = array<i32>} : memref<4096xi32, #tpu.memory_space<vmem>>, vector<16xi32>,
        %mul3A_87 = arith.constant 16 : i32
        %mul3A_88 = arith.muli %scan3A_82, %mul3A_87 : i32
        %get3A_89 = arith.index_cast %mul3A_88 : i32 to index
        %get3A_90 = tpu.vector_load %arg10[%get3A_89] {strides = array<i32>} : memref<4096xf32, #tpu.memory_space<vmem>>, vector<16xf32>,
        %sub3A_91 = vector.broadcast %mul3A_32 : i32 to vector<16xi32>
        %sub3A_92 = arith.subi %get3A_86, %sub3A_91 : vector<16xi32>
        %ge3A = arith.constant 0 : i32
        %ge3A_93 = vector.broadcast %ge3A : i32 to vector<16xi32>
        %ge3A_94 = arith.cmpi sge, %sub3A_92, %ge3A_93 : vector<16xi32>
        %lt3A_95 = arith.constant 32768 : i32
        %lt3A_96 = vector.broadcast %lt3A_95 : i32 to vector<16xi32>
        %lt3A_97 = arith.cmpi slt, %sub3A_92, %lt3A_96 : vector<16xi32>
        %and3A_98 = arith.andi %ge3A_94, %lt3A_97 : vector<16xi1>
        %jit3A_99 = arith.constant 0 : i32
        %broadcast_in_dim3A_100 = vector.broadcast %jit3A_99 : i32 to vector<16xi32>
        %select_n3A_101 = arith.select %and3A_98, %sub3A_92, %broadcast_in_dim3A_100 : vector<16xi1>, vector<16xi32>
        %mul3A_102 = arith.constant 16 : i32
        %mul3A_103 = arith.muli %scan3A_82, %mul3A_102 : i32
        %add3A_104 = arith.addi %add3A_73, %mul3A_103 : i32
        %add3A_105 = vector.broadcast %add3A_104 : i32 to vector<16xi32>
        %add3A_106 = arith.addi %add3A_105, %iota3A : vector<16xi32>
        %gather3A = tpu.vector_load_idx %arg7[%select_n3A_101] masked %and3A_98 : memref<32768xf32, #tpu.memory_space<vmem>>[vector<16xi32>], vector<16xf32>, vector<16xi1>
        %gather3A_107 = tpu.vector_load_idx %arg8[%select_n3A_101] masked %and3A_98 : memref<32768xi32, #tpu.memory_space<vmem>>[vector<16xi32>], vector<16xi32>, vector<16xi1>
        %lt3A_108 = arith.cmpf olt, %get3A_90, %gather3A : vector<16xf32>
        %eq3A_109 = arith.cmpf oeq, %get3A_90, %gather3A : vector<16xf32>
        %lt3A_110 = arith.cmpi slt, %add3A_106, %gather3A_107 : vector<16xi32>
        %and3A_111 = arith.andi %eq3A_109, %lt3A_110 : vector<16xi1>
        %or3A = arith.ori %lt3A_108, %and3A_111 : vector<16xi1>
        %and3A_112 = arith.andi %and3A_98, %or3A : vector<16xi1>
        %while3A = scf.while (%while3A_114 = %and3A_112) : (vector<16xi1>) -> vector<16xi1> {
          %reduce_or3A = arith.constant 1.000000e+00 : f32
          %reduce_or3A_115 = arith.constant 0.000000e+00 : f32
          %reduce_or3A_116 = vector.broadcast %reduce_or3A : f32 to vector<16xf32>
          %reduce_or3A_117 = vector.broadcast %reduce_or3A_115 : f32 to vector<16xf32>
          %reduce_or3A_118 = arith.select %while3A_114, %reduce_or3A_116, %reduce_or3A_117 : vector<16xi1>, vector<16xf32>
          %reduce_or3A_119 = arith.constant true
          %reduce_or3A_120 = vector.broadcast %reduce_or3A_119 : i1 to vector<16xi1>
          %reduce_or3A_121 = tpu.scan <max>, %reduce_or3A_118 masked %reduce_or3A_120 : vector<16xf32>, vector<16xi1> -> vector<16xf32>
          %reduce_or3A_122 = vector.extract %reduce_or3A_121[15] : f32 from vector<16xf32>
          %reduce_or3A_123 = arith.constant 0.000000e+00 : f32
          %reduce_or3A_124 = arith.cmpf ogt, %reduce_or3A_122, %reduce_or3A_123 : f32
          scf.condition(%reduce_or3A_124) %while3A_114 : vector<16xi1>
        } do {
        ^bb0(%while3A_114: vector<16xi1>):
          tpu.vector_store_idx %arg7[%select_n3A_101], %get3A_90 masked %while3A_114 : memref<32768xf32, #tpu.memory_space<vmem>>[vector<16xi32>], vector<16xf32>, vector<16xi1>
          tpu.vector_store_idx %arg8[%select_n3A_101], %add3A_106 masked %while3A_114 : memref<32768xi32, #tpu.memory_space<vmem>>[vector<16xi32>], vector<16xi32>, vector<16xi1>
          %gather3A_115 = tpu.vector_load_idx %arg7[%select_n3A_101] masked %while3A_114 : memref<32768xf32, #tpu.memory_space<vmem>>[vector<16xi32>], vector<16xf32>, vector<16xi1>
          %gather3A_116 = tpu.vector_load_idx %arg8[%select_n3A_101] masked %while3A_114 : memref<32768xi32, #tpu.memory_space<vmem>>[vector<16xi32>], vector<16xi32>, vector<16xi1>
          %lt3A_117 = arith.cmpf olt, %get3A_90, %gather3A_115 : vector<16xf32>
          %eq3A_118 = arith.cmpf oeq, %get3A_90, %gather3A_115 : vector<16xf32>
          %lt3A_119 = arith.cmpi slt, %add3A_106, %gather3A_116 : vector<16xi32>
          %and3A_120 = arith.andi %eq3A_118, %lt3A_119 : vector<16xi1>
          %or3A_121 = arith.ori %lt3A_117, %and3A_120 : vector<16xi1>
          %and3A_122 = arith.andi %while3A_114, %or3A_121 : vector<16xi1>
          scf.yield %and3A_122 : vector<16xi1>
        }
        %scan3A_113 = arith.constant 0 : i32
        scf.yield %scan3A_113 : i32
      }
      %scan3A_80 = arith.constant 256 : i32
      %scan3A_81 = arith.constant 0 : i32
      scf.yield %scan3A_81 : i32
    }
    %scan3A_48 = arith.constant 25 : i32
    %scan3A_49 = arith.constant 0 : i32
    %scan3A_50 = arith.constant 0 : i32
    %scan3A_51 = arith.constant 64 : i32
    %scan3A_52 = arith.addi %scan3A_50, %scan3A_51 : i32
    %scan3A_53 = arith.constant 1 : i32
    %scan3A_54 = scf.for %scan3A_67 = %scan3A_50 to %scan3A_52 step %scan3A_53 iter_args(%scan3A_68 = %scan3A_49) -> (i32)  : i32 {
      %mul3A_69 = arith.constant 2 : i32
      %mul3A_70 = arith.muli %mul3A_69, %scan3A_67 : i32
      %mul3A_71 = arith.constant 2 : i32
      %mul3A_72 = arith.muli %mul3A_71, %scan3A_67 : i32
      %add3A_73 = arith.constant 1 : i32
      %add3A_74 = arith.addi %mul3A_72, %add3A_73 : i32
      %mul3A_75 = arith.constant 256 : i32
      %mul3A_76 = arith.muli %mul3A_70, %mul3A_75 : i32
      %scan3A_77 = arith.constant 0 : i32
      %scan3A_78 = arith.constant 0 : i32
      %scan3A_79 = arith.constant 16 : i32
      %scan3A_80 = arith.addi %scan3A_78, %scan3A_79 : i32
      %scan3A_81 = arith.constant 1 : i32
      %scan3A_82 = scf.for %scan3A_200 = %scan3A_78 to %scan3A_80 step %scan3A_81 iter_args(%scan3A_201 = %scan3A_77) -> (i32)  : i32 {
        %mul3A_202 = arith.constant 16 : i32
        %mul3A_203 = arith.muli %scan3A_200, %mul3A_202 : i32
        %add3A_204 = arith.addi %mul3A_76, %mul3A_203 : i32
        %get3A = arith.index_cast %add3A_204 : i32 to index
        %get3A_205 = tpu.vector_load %arg8[%get3A] {strides = array<i32>} : memref<32768xi32, #tpu.memory_space<vmem>>, vector<16xi32>,
        %ne3A_206 = arith.constant 2147483647 : i32
        %ne3A_207 = vector.broadcast %ne3A_206 : i32 to vector<16xi32>
        %ne3A_208 = arith.cmpi ne, %get3A_205, %ne3A_207 : vector<16xi32>
        %add3A_209 = arith.addi %mul3A_32, %mul3A_76 : i32
        %add3A_210 = arith.addi %add3A_209, %mul3A_203 : i32
        %add3A_211 = vector.broadcast %add3A_210 : i32 to vector<16xi32>
        %add3A_212 = arith.addi %add3A_211, %iota3A : vector<16xi32>
        %select_n3A_213 = arith.select %ne3A_208, %get3A_205, %add3A_212 : vector<16xi1>, vector<16xi32>
        %swap3A = arith.index_cast %mul3A_203 : i32 to index
        %swap3A_214 = tpu.vector_load %arg11[%swap3A] {strides = array<i32>} : memref<256xi32, #tpu.memory_space<vmem>>, vector<16xi32>,
        tpu.vector_store %arg11[%swap3A], %select_n3A_213 {strides = array<i32>} : memref<256xi32, #tpu.memory_space<vmem>>, vector<16xi32>,
        %scan3A_215 = arith.constant 0 : i32
        scf.yield %scan3A_215 : i32
      }
      %scan3A_83 = arith.constant 16 : i32
      %dma_start3A = arith.constant 0 : i32
      %dma_start3A_84 = arith.constant 0 : i32
      %dma_start3A_85 = tpu.memref_slice %arg13[%dma_start3A, %dma_start3A_84] : memref<256x32xf32, #tpu.memory_space<vmem>> -> memref<128x32xf32, #tpu.memory_space<vmem>>
      %dma_start3A_86 = arith.constant 0 : i32
      %dma_start3A_87 = tpu.memref_slice %arg11[%dma_start3A_86] : memref<256xi32, #tpu.memory_space<vmem>> -> memref<128xi32, #tpu.memory_space<vmem>>
      %dma_start3A_88 = arith.constant 0 : i32
      %dma_start3A_89 = arith.constant 0 : i32
      %dma_start3A_90 = tpu.memref_slice %arg4[%dma_start3A_88, %dma_start3A_89] : memref<400000x32xf32, #tpu.memory_space<hbm>> -> memref<400000x32xf32, #tpu.memory_space<hbm>>
      tpu.enqueue_indirect_dma source(%dma_start3A_90 : memref<400000x32xf32, #tpu.memory_space<hbm>>) target(%dma_start3A_85 : memref<128x32xf32, #tpu.memory_space<vmem>>) offsets(%dma_start3A_87 : memref<128xi32, #tpu.memory_space<vmem>>) semaphore(%arg18 : memref<!tpu.dma_semaphore, #tpu.memory_space<semaphore_mem>>)
      %dma_start3A_91 = arith.constant 128 : i32
      %dma_start3A_92 = arith.constant 0 : i32
      %dma_start3A_93 = tpu.memref_slice %arg13[%dma_start3A_91, %dma_start3A_92] : memref<256x32xf32, #tpu.memory_space<vmem>> -> memref<128x32xf32, #tpu.memory_space<vmem>>
      %dma_start3A_94 = arith.constant 128 : i32
      %dma_start3A_95 = tpu.memref_slice %arg11[%dma_start3A_94] : memref<256xi32, #tpu.memory_space<vmem>> -> memref<128xi32, #tpu.memory_space<vmem>>
      %dma_start3A_96 = arith.constant 0 : i32
      %dma_start3A_97 = arith.constant 0 : i32
      %dma_start3A_98 = tpu.memref_slice %arg4[%dma_start3A_96, %dma_start3A_97] : memref<400000x32xf32, #tpu.memory_space<hbm>> -> memref<400000x32xf32, #tpu.memory_space<hbm>>
      tpu.enqueue_indirect_dma source(%dma_start3A_98 : memref<400000x32xf32, #tpu.memory_space<hbm>>) target(%dma_start3A_93 : memref<128x32xf32, #tpu.memory_space<vmem>>) offsets(%dma_start3A_95 : memref<128xi32, #tpu.memory_space<vmem>>) semaphore(%arg18 : memref<!tpu.dma_semaphore, #tpu.memory_space<semaphore_mem>>)
      %mul3A_99 = arith.constant 256 : i32
      %mul3A_100 = arith.muli %add3A_74, %mul3A_99 : i32
      %scan3A_101 = arith.constant 0 : i32
      %scan3A_102 = arith.constant 0 : i32
      %scan3A_103 = arith.constant 16 : i32
      %scan3A_104 = arith.addi %scan3A_102, %scan3A_103 : i32
      %scan3A_105 = arith.constant 1 : i32
      %scan3A_106 = scf.for %scan3A_200 = %scan3A_102 to %scan3A_104 step %scan3A_105 iter_args(%scan3A_201 = %scan3A_101) -> (i32)  : i32 {
        %mul3A_202 = arith.constant 16 : i32
        %mul3A_203 = arith.muli %scan3A_200, %mul3A_202 : i32
        %add3A_204 = arith.addi %mul3A_100, %mul3A_203 : i32
        %get3A = arith.index_cast %add3A_204 : i32 to index
        %get3A_205 = tpu.vector_load %arg8[%get3A] {strides = array<i32>} : memref<32768xi32, #tpu.memory_space<vmem>>, vector<16xi32>,
        %ne3A_206 = arith.constant 2147483647 : i32
        %ne3A_207 = vector.broadcast %ne3A_206 : i32 to vector<16xi32>
        %ne3A_208 = arith.cmpi ne, %get3A_205, %ne3A_207 : vector<16xi32>
        %add3A_209 = arith.addi %mul3A_32, %mul3A_100 : i32
        %add3A_210 = arith.addi %add3A_209, %mul3A_203 : i32
        %add3A_211 = vector.broadcast %add3A_210 : i32 to vector<16xi32>
        %add3A_212 = arith.addi %add3A_211, %iota3A : vector<16xi32>
        %select_n3A_213 = arith.select %ne3A_208, %get3A_205, %add3A_212 : vector<16xi1>, vector<16xi32>
        %swap3A = arith.index_cast %mul3A_203 : i32 to index
        %swap3A_214 = tpu.vector_load %arg12[%swap3A] {strides = array<i32>} : memref<256xi32, #tpu.memory_space<vmem>>, vector<16xi32>,
        tpu.vector_store %arg12[%swap3A], %select_n3A_213 {strides = array<i32>} : memref<256xi32, #tpu.memory_space<vmem>>, vector<16xi32>,
        %scan3A_215 = arith.constant 0 : i32
        scf.yield %scan3A_215 : i32
      }
      %scan3A_107 = arith.constant 16 : i32
      %dma_start3A_108 = arith.constant 0 : i32
      %dma_start3A_109 = arith.constant 0 : i32
      %dma_start3A_110 = tpu.memref_slice %arg14[%dma_start3A_108, %dma_start3A_109] : memref<256x32xf32, #tpu.memory_space<vmem>> -> memref<128x32xf32, #tpu.memory_space<vmem>>
      %dma_start3A_111 = arith.constant 0 : i32
      %dma_start3A_112 = tpu.memref_slice %arg12[%dma_start3A_111] : memref<256xi32, #tpu.memory_space<vmem>> -> memref<128xi32, #tpu.memory_space<vmem>>
      %dma_start3A_113 = arith.constant 0 : i32
      %dma_start3A_114 = arith.constant 0 : i32
      %dma_start3A_115 = tpu.memref_slice %arg4[%dma_start3A_113, %dma_start3A_114] : memref<400000x32xf32, #tpu.memory_space<hbm>> -> memref<400000x32xf32, #tpu.memory_space<hbm>>
      tpu.enqueue_indirect_dma source(%dma_start3A_115 : memref<400000x32xf32, #tpu.memory_space<hbm>>) target(%dma_start3A_110 : memref<128x32xf32, #tpu.memory_space<vmem>>) offsets(%dma_start3A_112 : memref<128xi32, #tpu.memory_space<vmem>>) semaphore(%arg19 : memref<!tpu.dma_semaphore, #tpu.memory_space<semaphore_mem>>)
      %dma_start3A_116 = arith.constant 128 : i32
      %dma_start3A_117 = arith.constant 0 : i32
      %dma_start3A_118 = tpu.memref_slice %arg14[%dma_start3A_116, %dma_start3A_117] : memref<256x32xf32, #tpu.memory_space<vmem>> -> memref<128x32xf32, #tpu.memory_space<vmem>>
      %dma_start3A_119 = arith.constant 128 : i32
      %dma_start3A_120 = tpu.memref_slice %arg12[%dma_start3A_119] : memref<256xi32, #tpu.memory_space<vmem>> -> memref<128xi32, #tpu.memory_space<vmem>>
      %dma_start3A_121 = arith.constant 0 : i32
      %dma_start3A_122 = arith.constant 0 : i32
      %dma_start3A_123 = tpu.memref_slice %arg4[%dma_start3A_121, %dma_start3A_122] : memref<400000x32xf32, #tpu.memory_space<hbm>> -> memref<400000x32xf32, #tpu.memory_space<hbm>>
      tpu.enqueue_indirect_dma source(%dma_start3A_123 : memref<400000x32xf32, #tpu.memory_space<hbm>>) target(%dma_start3A_118 : memref<128x32xf32, #tpu.memory_space<vmem>>) offsets(%dma_start3A_120 : memref<128xi32, #tpu.memory_space<vmem>>) semaphore(%arg19 : memref<!tpu.dma_semaphore, #tpu.memory_space<semaphore_mem>>)
      %gt3A = arith.constant 0 : i32
      %gt3A_124 = arith.cmpi sgt, %scan3A_67, %gt3A : i32
      %convert_element_type3A = arith.extui %gt3A_124 : i1 to i32
      %cond3A = arith.constant 0 : i32
      %cond3A_125 = arith.cmpi ne, %convert_element_type3A, %cond3A : i32
      scf.if %cond3A_125 {
        %dma_wait3A_200 = arith.constant 0 : i32
        %dma_wait3A_201 = tpu.memref_slice %arg6[%select_n3A, %dma_wait3A_200, %mul3A_32] : memref<4x33x262144xf32, #tpu.memory_space<hbm>> -> memref<1x33x256xf32, #tpu.memory_space<hbm>>
        %dma_wait3A_202 = tpu.memref_squeeze %dma_wait3A_201 : memref<1x33x256xf32, #tpu.memory_space<hbm>> -> memref<33x256xf32, #tpu.memory_space<hbm>>
        %dma_wait3A_203 = arith.constant 0 : i32
        %dma_wait3A_204 = tpu.memref_slice %arg6[%select_n3A, %dma_wait3A_203, %mul3A_32] : memref<4x33x262144xf32, #tpu.memory_space<hbm>> -> memref<1x33x256xf32, #tpu.memory_space<hbm>>
        %dma_wait3A_205 = tpu.memref_squeeze %dma_wait3A_204 : memref<1x33x256xf32, #tpu.memory_space<hbm>> -> memref<33x256xf32, #tpu.memory_space<hbm>>
        tpu.wait_dma2 semaphore(%arg20 : memref<!tpu.dma_semaphore, #tpu.memory_space<semaphore_mem>>) src(%arg15 : memref<33x256xf32, #tpu.memory_space<vmem>>) dst(%dma_wait3A_205 : memref<33x256xf32, #tpu.memory_space<hbm>>)
      } else {
      }
      %dma_wait3A_126 = arith.constant 0 : i32
      %dma_wait3A_127 = arith.constant 0 : i32
      %dma_wait3A_128 = tpu.memref_slice %arg13[%dma_wait3A_126, %dma_wait3A_127] : memref<256x32xf32, #tpu.memory_space<vmem>> -> memref<128x32xf32, #tpu.memory_space<vmem>>
      %dma_wait3A_129 = arith.constant 0 : i32
      %dma_wait3A_130 = tpu.memref_slice %arg11[%dma_wait3A_129] : memref<256xi32, #tpu.memory_space<vmem>> -> memref<128xi32, #tpu.memory_space<vmem>>
      %dma_wait3A_131 = arith.constant 0 : i32
      %dma_wait3A_132 = arith.constant 0 : i32
      %dma_wait3A_133 = tpu.memref_slice %arg4[%dma_wait3A_131, %dma_wait3A_132] : memref<400000x32xf32, #tpu.memory_space<hbm>> -> memref<400000x32xf32, #tpu.memory_space<hbm>>
      tpu.wait_indirect_dma semaphore(%arg18 : memref<!tpu.dma_semaphore, #tpu.memory_space<semaphore_mem>>) src(%dma_wait3A_133 : memref<400000x32xf32, #tpu.memory_space<hbm>>) dst(%dma_wait3A_128 : memref<128x32xf32, #tpu.memory_space<vmem>>)
      %dma_wait3A_134 = arith.constant 128 : i32
      %dma_wait3A_135 = arith.constant 0 : i32
      %dma_wait3A_136 = tpu.memref_slice %arg13[%dma_wait3A_134, %dma_wait3A_135] : memref<256x32xf32, #tpu.memory_space<vmem>> -> memref<128x32xf32, #tpu.memory_space<vmem>>
      %dma_wait3A_137 = arith.constant 128 : i32
      %dma_wait3A_138 = tpu.memref_slice %arg11[%dma_wait3A_137] : memref<256xi32, #tpu.memory_space<vmem>> -> memref<128xi32, #tpu.memory_space<vmem>>
      %dma_wait3A_139 = arith.constant 0 : i32
      %dma_wait3A_140 = arith.constant 0 : i32
      %dma_wait3A_141 = tpu.memref_slice %arg4[%dma_wait3A_139, %dma_wait3A_140] : memref<400000x32xf32, #tpu.memory_space<hbm>> -> memref<400000x32xf32, #tpu.memory_space<hbm>>
      tpu.wait_indirect_dma semaphore(%arg18 : memref<!tpu.dma_semaphore, #tpu.memory_space<semaphore_mem>>) src(%dma_wait3A_141 : memref<400000x32xf32, #tpu.memory_space<hbm>>) dst(%dma_wait3A_136 : memref<128x32xf32, #tpu.memory_space<vmem>>)
      %mul3A_142 = arith.constant 256 : i32
      %mul3A_143 = arith.muli %mul3A_70, %mul3A_142 : i32
      %scan3A_144 = arith.constant 0 : i32
      %scan3A_145 = arith.constant 0 : i32
      %scan3A_146 = arith.constant 16 : i32
      %scan3A_147 = arith.addi %scan3A_145, %scan3A_146 : i32
      %scan3A_148 = arith.constant 1 : i32
      %scan3A_149 = scf.for %scan3A_200 = %scan3A_145 to %scan3A_147 step %scan3A_148 iter_args(%scan3A_201 = %scan3A_144) -> (i32)  : i32 {
        %mul3A_202 = arith.constant 16 : i32
        %mul3A_203 = arith.muli %scan3A_200, %mul3A_202 : i32
        %add3A_204 = arith.addi %mul3A_143, %mul3A_203 : i32
        %get3A = arith.index_cast %add3A_204 : i32 to index
        %get3A_205 = tpu.vector_load %arg8[%get3A] {strides = array<i32>} : memref<32768xi32, #tpu.memory_space<vmem>>, vector<16xi32>,
        %ne3A_206 = arith.constant 2147483647 : i32
        %ne3A_207 = vector.broadcast %ne3A_206 : i32 to vector<16xi32>
        %ne3A_208 = arith.cmpi ne, %get3A_205, %ne3A_207 : vector<16xi32>
        %add3A_209 = vector.broadcast %mul3A_203 : i32 to vector<16xi32>
        %add3A_210 = arith.addi %add3A_209, %iota3A : vector<16xi32>
        %broadcast_in_dim3A_211 = arith.constant 0 : i32
        %broadcast_in_dim3A_212 = vector.broadcast %broadcast_in_dim3A_211 : i32 to vector<16xi32>
        %gather3A = tpu.vector_load_idx %arg13[%add3A_210, %broadcast_in_dim3A_212] masked %ne3A_208 : memref<256x32xf32, #tpu.memory_space<vmem>>[vector<16xi32>, vector<16xi32>], vector<16xf32>, vector<16xi1>
        %get3A_213 = arith.constant 0 : i32
        %get3A_214 = arith.index_cast %get3A_213 : i32 to index
        %get3A_215 = arith.constant 0 : index
        %get3A_216 = tpu.vector_load %arg17[%get3A_214, %get3A_215] {strides = array<i32>} : memref<32x16xf32, #tpu.memory_space<vmem>>, vector<16xf32>,
        %select_n3A_217 = arith.select %ne3A_208, %gather3A, %get3A_216 : vector<16xi1>, vector<16xf32>
        %swap3A = arith.constant 0 : i32
        %swap3A_218 = arith.index_cast %swap3A : i32 to index
        %swap3A_219 = arith.index_cast %mul3A_203 : i32 to index
        %swap3A_220 = tpu.vector_load %arg15[%swap3A_218, %swap3A_219] {strides = array<i32>} : memref<33x256xf32, #tpu.memory_space<vmem>>, vector<16xf32>,
        tpu.vector_store %arg15[%swap3A_218, %swap3A_219], %select_n3A_217 {strides = array<i32>} : memref<33x256xf32, #tpu.memory_space<vmem>>, vector<16xf32>,
        %broadcast_in_dim3A_221 = arith.constant 1 : i32
        %broadcast_in_dim3A_222 = vector.broadcast %broadcast_in_dim3A_221 : i32 to vector<16xi32>
        %gather3A_223 = tpu.vector_load_idx %arg13[%add3A_210, %broadcast_in_dim3A_222] masked %ne3A_208 : memref<256x32xf32, #tpu.memory_space<vmem>>[vector<16xi32>, vector<16xi32>], vector<16xf32>, vector<16xi1>
        %get3A_224 = arith.constant 1 : i32
        %get3A_225 = arith.index_cast %get3A_224 : i32 to index
        %get3A_226 = arith.constant 0 : index
        %get3A_227 = tpu.vector_load %arg17[%get3A_225, %get3A_226] {strides = array<i32>} : memref<32x16xf32, #tpu.memory_space<vmem>>, vector<16xf32>,
        %select_n3A_228 = arith.select %ne3A_208, %gather3A_223, %get3A_227 : vector<16xi1>, vector<16xf32>
        %swap3A_229 = arith.constant 1 : i32
        %swap3A_230 = arith.index_cast %swap3A_229 : i32 to index
        %swap3A_231 = arith.index_cast %mul3A_203 : i32 to index
        %swap3A_232 = tpu.vector_load %arg15[%swap3A_230, %swap3A_231] {strides = array<i32>} : memref<33x256xf32, #tpu.memory_space<vmem>>, vector<16xf32>,
        tpu.vector_store %arg15[%swap3A_230, %swap3A_231], %select_n3A_228 {strides = array<i32>} : memref<33x256xf32, #tpu.memory_space<vmem>>, vector<16xf32>,
        %broadcast_in_dim3A_233 = arith.constant 2 : i32
        %broadcast_in_dim3A_234 = vector.broadcast %broadcast_in_dim3A_233 : i32 to vector<16xi32>
        %gather3A_235 = tpu.vector_load_idx %arg13[%add3A_210, %broadcast_in_dim3A_234] masked %ne3A_208 : memref<256x32xf32, #tpu.memory_space<vmem>>[vector<16xi32>, vector<16xi32>], vector<16xf32>, vector<16xi1>
        %get3A_236 = arith.constant 2 : i32
        %get3A_237 = arith.index_cast %get3A_236 : i32 to index
        %get3A_238 = arith.constant 0 : index
        %get3A_239 = tpu.vector_load %arg17[%get3A_237, %get3A_238] {strides = array<i32>} : memref<32x16xf32, #tpu.memory_space<vmem>>, vector<16xf32>,
        %select_n3A_240 = arith.select %ne3A_208, %gather3A_235, %get3A_239 : vector<16xi1>, vector<16xf32>
        %swap3A_241 = arith.constant 2 : i32
        %swap3A_242 = arith.index_cast %swap3A_241 : i32 to index
        %swap3A_243 = arith.index_cast %mul3A_203 : i32 to index
        %swap3A_244 = tpu.vector_load %arg15[%swap3A_242, %swap3A_243] {strides = array<i32>} : memref<33x256xf32, #tpu.memory_space<vmem>>, vector<16xf32>,
        tpu.vector_store %arg15[%swap3A_242, %swap3A_243], %select_n3A_240 {strides = array<i32>} : memref<33x256xf32, #tpu.memory_space<vmem>>, vector<16xf32>,
        %broadcast_in_dim3A_245 = arith.constant 3 : i32
        %broadcast_in_dim3A_246 = vector.broadcast %broadcast_in_dim3A_245 : i32 to vector<16xi32>
        %gather3A_247 = tpu.vector_load_idx %arg13[%add3A_210, %broadcast_in_dim3A_246] masked %ne3A_208 : memref<256x32xf32, #tpu.memory_space<vmem>>[vector<16xi32>, vector<16xi32>], vector<16xf32>, vector<16xi1>
        %get3A_248 = arith.constant 3 : i32
        %get3A_249 = arith.index_cast %get3A_248 : i32 to index
        %get3A_250 = arith.constant 0 : index
        %get3A_251 = tpu.vector_load %arg17[%get3A_249, %get3A_250] {strides = array<i32>} : memref<32x16xf32, #tpu.memory_space<vmem>>, vector<16xf32>,
        %select_n3A_252 = arith.select %ne3A_208, %gather3A_247, %get3A_251 : vector<16xi1>, vector<16xf32>
        %swap3A_253 = arith.constant 3 : i32
        %swap3A_254 = arith.index_cast %swap3A_253 : i32 to index
        %swap3A_255 = arith.index_cast %mul3A_203 : i32 to index
        %swap3A_256 = tpu.vector_load %arg15[%swap3A_254, %swap3A_255] {strides = array<i32>} : memref<33x256xf32, #tpu.memory_space<vmem>>, vector<16xf32>,
        tpu.vector_store %arg15[%swap3A_254, %swap3A_255], %select_n3A_252 {strides = array<i32>} : memref<33x256xf32, #tpu.memory_space<vmem>>, vector<16xf32>,
        %broadcast_in_dim3A_257 = arith.constant 4 : i32
        %broadcast_in_dim3A_258 = vector.broadcast %broadcast_in_dim3A_257 : i32 to vector<16xi32>
        %gather3A_259 = tpu.vector_load_idx %arg13[%add3A_210, %broadcast_in_dim3A_258] masked %ne3A_208 : memref<256x32xf32, #tpu.memory_space<vmem>>[vector<16xi32>, vector<16xi32>], vector<16xf32>, vector<16xi1>
        %get3A_260 = arith.constant 4 : i32
        %get3A_261 = arith.index_cast %get3A_260 : i32 to index
        %get3A_262 = arith.constant 0 : index
        %get3A_263 = tpu.vector_load %arg17[%get3A_261, %get3A_262] {strides = array<i32>} : memref<32x16xf32, #tpu.memory_space<vmem>>, vector<16xf32>,
        %select_n3A_264 = arith.select %ne3A_208, %gather3A_259, %get3A_263 : vector<16xi1>, vector<16xf32>
        %swap3A_265 = arith.constant 4 : i32
        %swap3A_266 = arith.index_cast %swap3A_265 : i32 to index
        %swap3A_267 = arith.index_cast %mul3A_203 : i32 to index
        %swap3A_268 = tpu.vector_load %arg15[%swap3A_266, %swap3A_267] {strides = array<i32>} : memref<33x256xf32, #tpu.memory_space<vmem>>, vector<16xf32>,
        tpu.vector_store %arg15[%swap3A_266, %swap3A_267], %select_n3A_264 {strides = array<i32>} : memref<33x256xf32, #tpu.memory_space<vmem>>, vector<16xf32>,
        %broadcast_in_dim3A_269 = arith.constant 5 : i32
        %broadcast_in_dim3A_270 = vector.broadcast %broadcast_in_dim3A_269 : i32 to vector<16xi32>
        %gather3A_271 = tpu.vector_load_idx %arg13[%add3A_210, %broadcast_in_dim3A_270] masked %ne3A_208 : memref<256x32xf32, #tpu.memory_space<vmem>>[vector<16xi32>, vector<16xi32>], vector<16xf32>, vector<16xi1>
        %get3A_272 = arith.constant 5 : i32
        %get3A_273 = arith.index_cast %get3A_272 : i32 to index
        %get3A_274 = arith.constant 0 : index
        %get3A_275 = tpu.vector_load %arg17[%get3A_273, %get3A_274] {strides = array<i32>} : memref<32x16xf32, #tpu.memory_space<vmem>>, vector<16xf32>,
        %select_n3A_276 = arith.select %ne3A_208, %gather3A_271, %get3A_275 : vector<16xi1>, vector<16xf32>
        %swap3A_277 = arith.constant 5 : i32
        %swap3A_278 = arith.index_cast %swap3A_277 : i32 to index
        %swap3A_279 = arith.index_cast %mul3A_203 : i32 to index
        %swap3A_280 = tpu.vector_load %arg15[%swap3A_278, %swap3A_279] {strides = array<i32>} : memref<33x256xf32, #tpu.memory_space<vmem>>, vector<16xf32>,
        tpu.vector_store %arg15[%swap3A_278, %swap3A_279], %select_n3A_276 {strides = array<i32>} : memref<33x256xf32, #tpu.memory_space<vmem>>, vector<16xf32>,
        %broadcast_in_dim3A_281 = arith.constant 6 : i32
        %broadcast_in_dim3A_282 = vector.broadcast %broadcast_in_dim3A_281 : i32 to vector<16xi32>
        %gather3A_283 = tpu.vector_load_idx %arg13[%add3A_210, %broadcast_in_dim3A_282] masked %ne3A_208 : memref<256x32xf32, #tpu.memory_space<vmem>>[vector<16xi32>, vector<16xi32>], vector<16xf32>, vector<16xi1>
        %get3A_284 = arith.constant 6 : i32
        %get3A_285 = arith.index_cast %get3A_284 : i32 to index
        %get3A_286 = arith.constant 0 : index
        %get3A_287 = tpu.vector_load %arg17[%get3A_285, %get3A_286] {strides = array<i32>} : memref<32x16xf32, #tpu.memory_space<vmem>>, vector<16xf32>,
        %select_n3A_288 = arith.select %ne3A_208, %gather3A_283, %get3A_287 : vector<16xi1>, vector<16xf32>
        %swap3A_289 = arith.constant 6 : i32
        %swap3A_290 = arith.index_cast %swap3A_289 : i32 to index
        %swap3A_291 = arith.index_cast %mul3A_203 : i32 to index
        %swap3A_292 = tpu.vector_load %arg15[%swap3A_290, %swap3A_291] {strides = array<i32>} : memref<33x256xf32, #tpu.memory_space<vmem>>, vector<16xf32>,
        tpu.vector_store %arg15[%swap3A_290, %swap3A_291], %select_n3A_288 {strides = array<i32>} : memref<33x256xf32, #tpu.memory_space<vmem>>, vector<16xf32>,
        %broadcast_in_dim3A_293 = arith.constant 7 : i32
        %broadcast_in_dim3A_294 = vector.broadcast %broadcast_in_dim3A_293 : i32 to vector<16xi32>
        %gather3A_295 = tpu.vector_load_idx %arg13[%add3A_210, %broadcast_in_dim3A_294] masked %ne3A_208 : memref<256x32xf32, #tpu.memory_space<vmem>>[vector<16xi32>, vector<16xi32>], vector<16xf32>, vector<16xi1>
        %get3A_296 = arith.constant 7 : i32
        %get3A_297 = arith.index_cast %get3A_296 : i32 to index
        %get3A_298 = arith.constant 0 : index
        %get3A_299 = tpu.vector_load %arg17[%get3A_297, %get3A_298] {strides = array<i32>} : memref<32x16xf32, #tpu.memory_space<vmem>>, vector<16xf32>,
        %select_n3A_300 = arith.select %ne3A_208, %gather3A_295, %get3A_299 : vector<16xi1>, vector<16xf32>
        %swap3A_301 = arith.constant 7 : i32
        %swap3A_302 = arith.index_cast %swap3A_301 : i32 to index
        %swap3A_303 = arith.index_cast %mul3A_203 : i32 to index
        %swap3A_304 = tpu.vector_load %arg15[%swap3A_302, %swap3A_303] {strides = array<i32>} : memref<33x256xf32, #tpu.memory_space<vmem>>, vector<16xf32>,
        tpu.vector_store %arg15[%swap3A_302, %swap3A_303], %select_n3A_300 {strides = array<i32>} : memref<33x256xf32, #tpu.memory_space<vmem>>, vector<16xf32>,
        %broadcast_in_dim3A_305 = arith.constant 8 : i32
        %broadcast_in_dim3A_306 = vector.broadcast %broadcast_in_dim3A_305 : i32 to vector<16xi32>
        %gather3A_307 = tpu.vector_load_idx %arg13[%add3A_210, %broadcast_in_dim3A_306] masked %ne3A_208 : memref<256x32xf32, #tpu.memory_space<vmem>>[vector<16xi32>, vector<16xi32>], vector<16xf32>, vector<16xi1>
        %get3A_308 = arith.constant 8 : i32
        %get3A_309 = arith.index_cast %get3A_308 : i32 to index
        %get3A_310 = arith.constant 0 : index
        %get3A_311 = tpu.vector_load %arg17[%get3A_309, %get3A_310] {strides = array<i32>} : memref<32x16xf32, #tpu.memory_space<vmem>>, vector<16xf32>,
        %select_n3A_312 = arith.select %ne3A_208, %gather3A_307, %get3A_311 : vector<16xi1>, vector<16xf32>
        %swap3A_313 = arith.constant 8 : i32
        %swap3A_314 = arith.index_cast %swap3A_313 : i32 to index
        %swap3A_315 = arith.index_cast %mul3A_203 : i32 to index
        %swap3A_316 = tpu.vector_load %arg15[%swap3A_314, %swap3A_315] {strides = array<i32>} : memref<33x256xf32, #tpu.memory_space<vmem>>, vector<16xf32>,
        tpu.vector_store %arg15[%swap3A_314, %swap3A_315], %select_n3A_312 {strides = array<i32>} : memref<33x256xf32, #tpu.memory_space<vmem>>, vector<16xf32>,
        %broadcast_in_dim3A_317 = arith.constant 9 : i32
        %broadcast_in_dim3A_318 = vector.broadcast %broadcast_in_dim3A_317 : i32 to vector<16xi32>
        %gather3A_319 = tpu.vector_load_idx %arg13[%add3A_210, %broadcast_in_dim3A_318] masked %ne3A_208 : memref<256x32xf32, #tpu.memory_space<vmem>>[vector<16xi32>, vector<16xi32>], vector<16xf32>, vector<16xi1>
        %get3A_320 = arith.constant 9 : i32
        %get3A_321 = arith.index_cast %get3A_320 : i32 to index
        %get3A_322 = arith.constant 0 : index
        %get3A_323 = tpu.vector_load %arg17[%get3A_321, %get3A_322] {strides = array<i32>} : memref<32x16xf32, #tpu.memory_space<vmem>>, vector<16xf32>,
        %select_n3A_324 = arith.select %ne3A_208, %gather3A_319, %get3A_323 : vector<16xi1>, vector<16xf32>
        %swap3A_325 = arith.constant 9 : i32
        %swap3A_326 = arith.index_cast %swap3A_325 : i32 to index
        %swap3A_327 = arith.index_cast %mul3A_203 : i32 to index
        %swap3A_328 = tpu.vector_load %arg15[%swap3A_326, %swap3A_327] {strides = array<i32>} : memref<33x256xf32, #tpu.memory_space<vmem>>, vector<16xf32>,
        tpu.vector_store %arg15[%swap3A_326, %swap3A_327], %select_n3A_324 {strides = array<i32>} : memref<33x256xf32, #tpu.memory_space<vmem>>, vector<16xf32>,
        %broadcast_in_dim3A_329 = arith.constant 10 : i32
        %broadcast_in_dim3A_330 = vector.broadcast %broadcast_in_dim3A_329 : i32 to vector<16xi32>
        %gather3A_331 = tpu.vector_load_idx %arg13[%add3A_210, %broadcast_in_dim3A_330] masked %ne3A_208 : memref<256x32xf32, #tpu.memory_space<vmem>>[vector<16xi32>, vector<16xi32>], vector<16xf32>, vector<16xi1>
        %get3A_332 = arith.constant 10 : i32
        %get3A_333 = arith.index_cast %get3A_332 : i32 to index
        %get3A_334 = arith.constant 0 : index
        %get3A_335 = tpu.vector_load %arg17[%get3A_333, %get3A_334] {strides = array<i32>} : memref<32x16xf32, #tpu.memory_space<vmem>>, vector<16xf32>,
        %select_n3A_336 = arith.select %ne3A_208, %gather3A_331, %get3A_335 : vector<16xi1>, vector<16xf32>
        %swap3A_337 = arith.constant 10 : i32
        %swap3A_338 = arith.index_cast %swap3A_337 : i32 to index
        %swap3A_339 = arith.index_cast %mul3A_203 : i32 to index
        %swap3A_340 = tpu.vector_load %arg15[%swap3A_338, %swap3A_339] {strides = array<i32>} : memref<33x256xf32, #tpu.memory_space<vmem>>, vector<16xf32>,
        tpu.vector_store %arg15[%swap3A_338, %swap3A_339], %select_n3A_336 {strides = array<i32>} : memref<33x256xf32, #tpu.memory_space<vmem>>, vector<16xf32>,
        %broadcast_in_dim3A_341 = arith.constant 11 : i32
        %broadcast_in_dim3A_342 = vector.broadcast %broadcast_in_dim3A_341 : i32 to vector<16xi32>
        %gather3A_343 = tpu.vector_load_idx %arg13[%add3A_210, %broadcast_in_dim3A_342] masked %ne3A_208 : memref<256x32xf32, #tpu.memory_space<vmem>>[vector<16xi32>, vector<16xi32>], vector<16xf32>, vector<16xi1>
        %get3A_344 = arith.constant 11 : i32
        %get3A_345 = arith.index_cast %get3A_344 : i32 to index
        %get3A_346 = arith.constant 0 : index
        %get3A_347 = tpu.vector_load %arg17[%get3A_345, %get3A_346] {strides = array<i32>} : memref<32x16xf32, #tpu.memory_space<vmem>>, vector<16xf32>,
        %select_n3A_348 = arith.select %ne3A_208, %gather3A_343, %get3A_347 : vector<16xi1>, vector<16xf32>
        %swap3A_349 = arith.constant 11 : i32
        %swap3A_350 = arith.index_cast %swap3A_349 : i32 to index
        %swap3A_351 = arith.index_cast %mul3A_203 : i32 to index
        %swap3A_352 = tpu.vector_load %arg15[%swap3A_350, %swap3A_351] {strides = array<i32>} : memref<33x256xf32, #tpu.memory_space<vmem>>, vector<16xf32>,
        tpu.vector_store %arg15[%swap3A_350, %swap3A_351], %select_n3A_348 {strides = array<i32>} : memref<33x256xf32, #tpu.memory_space<vmem>>, vector<16xf32>,
        %broadcast_in_dim3A_353 = arith.constant 12 : i32
        %broadcast_in_dim3A_354 = vector.broadcast %broadcast_in_dim3A_353 : i32 to vector<16xi32>
        %gather3A_355 = tpu.vector_load_idx %arg13[%add3A_210, %broadcast_in_dim3A_354] masked %ne3A_208 : memref<256x32xf32, #tpu.memory_space<vmem>>[vector<16xi32>, vector<16xi32>], vector<16xf32>, vector<16xi1>
        %get3A_356 = arith.constant 12 : i32
        %get3A_357 = arith.index_cast %get3A_356 : i32 to index
        %get3A_358 = arith.constant 0 : index
        %get3A_359 = tpu.vector_load %arg17[%get3A_357, %get3A_358] {strides = array<i32>} : memref<32x16xf32, #tpu.memory_space<vmem>>, vector<16xf32>,
        %select_n3A_360 = arith.select %ne3A_208, %gather3A_355, %get3A_359 : vector<16xi1>, vector<16xf32>
        %swap3A_361 = arith.constant 12 : i32
        %swap3A_362 = arith.index_cast %swap3A_361 : i32 to index
        %swap3A_363 = arith.index_cast %mul3A_203 : i32 to index
        %swap3A_364 = tpu.vector_load %arg15[%swap3A_362, %swap3A_363] {strides = array<i32>} : memref<33x256xf32, #tpu.memory_space<vmem>>, vector<16xf32>,
        tpu.vector_store %arg15[%swap3A_362, %swap3A_363], %select_n3A_360 {strides = array<i32>} : memref<33x256xf32, #tpu.memory_space<vmem>>, vector<16xf32>,
        %broadcast_in_dim3A_365 = arith.constant 13 : i32
        %broadcast_in_dim3A_366 = vector.broadcast %broadcast_in_dim3A_365 : i32 to vector<16xi32>
        %gather3A_367 = tpu.vector_load_idx %arg13[%add3A_210, %broadcast_in_dim3A_366] masked %ne3A_208 : memref<256x32xf32, #tpu.memory_space<vmem>>[vector<16xi32>, vector<16xi32>], vector<16xf32>, vector<16xi1>
        %get3A_368 = arith.constant 13 : i32
        %get3A_369 = arith.index_cast %get3A_368 : i32 to index
        %get3A_370 = arith.constant 0 : index
        %get3A_371 = tpu.vector_load %arg17[%get3A_369, %get3A_370] {strides = array<i32>} : memref<32x16xf32, #tpu.memory_space<vmem>>, vector<16xf32>,
        %select_n3A_372 = arith.select %ne3A_208, %gather3A_367, %get3A_371 : vector<16xi1>, vector<16xf32>
        %swap3A_373 = arith.constant 13 : i32
        %swap3A_374 = arith.index_cast %swap3A_373 : i32 to index
        %swap3A_375 = arith.index_cast %mul3A_203 : i32 to index
        %swap3A_376 = tpu.vector_load %arg15[%swap3A_374, %swap3A_375] {strides = array<i32>} : memref<33x256xf32, #tpu.memory_space<vmem>>, vector<16xf32>,
        tpu.vector_store %arg15[%swap3A_374, %swap3A_375], %select_n3A_372 {strides = array<i32>} : memref<33x256xf32, #tpu.memory_space<vmem>>, vector<16xf32>,
        %broadcast_in_dim3A_377 = arith.constant 14 : i32
        %broadcast_in_dim3A_378 = vector.broadcast %broadcast_in_dim3A_377 : i32 to vector<16xi32>
        %gather3A_379 = tpu.vector_load_idx %arg13[%add3A_210, %broadcast_in_dim3A_378] masked %ne3A_208 : memref<256x32xf32, #tpu.memory_space<vmem>>[vector<16xi32>, vector<16xi32>], vector<16xf32>, vector<16xi1>
        %get3A_380 = arith.constant 14 : i32
        %get3A_381 = arith.index_cast %get3A_380 : i32 to index
        %get3A_382 = arith.constant 0 : index
        %get3A_383 = tpu.vector_load %arg17[%get3A_381, %get3A_382] {strides = array<i32>} : memref<32x16xf32, #tpu.memory_space<vmem>>, vector<16xf32>,
        %select_n3A_384 = arith.select %ne3A_208, %gather3A_379, %get3A_383 : vector<16xi1>, vector<16xf32>
        %swap3A_385 = arith.constant 14 : i32
        %swap3A_386 = arith.index_cast %swap3A_385 : i32 to index
        %swap3A_387 = arith.index_cast %mul3A_203 : i32 to index
        %swap3A_388 = tpu.vector_load %arg15[%swap3A_386, %swap3A_387] {strides = array<i32>} : memref<33x256xf32, #tpu.memory_space<vmem>>, vector<16xf32>,
        tpu.vector_store %arg15[%swap3A_386, %swap3A_387], %select_n3A_384 {strides = array<i32>} : memref<33x256xf32, #tpu.memory_space<vmem>>, vector<16xf32>,
        %broadcast_in_dim3A_389 = arith.constant 15 : i32
        %broadcast_in_dim3A_390 = vector.broadcast %broadcast_in_dim3A_389 : i32 to vector<16xi32>
        %gather3A_391 = tpu.vector_load_idx %arg13[%add3A_210, %broadcast_in_dim3A_390] masked %ne3A_208 : memref<256x32xf32, #tpu.memory_space<vmem>>[vector<16xi32>, vector<16xi32>], vector<16xf32>, vector<16xi1>
        %get3A_392 = arith.constant 15 : i32
        %get3A_393 = arith.index_cast %get3A_392 : i32 to index
        %get3A_394 = arith.constant 0 : index
        %get3A_395 = tpu.vector_load %arg17[%get3A_393, %get3A_394] {strides = array<i32>} : memref<32x16xf32, #tpu.memory_space<vmem>>, vector<16xf32>,
        %select_n3A_396 = arith.select %ne3A_208, %gather3A_391, %get3A_395 : vector<16xi1>, vector<16xf32>
        %swap3A_397 = arith.constant 15 : i32
        %swap3A_398 = arith.index_cast %swap3A_397 : i32 to index
        %swap3A_399 = arith.index_cast %mul3A_203 : i32 to index
        %swap3A_400 = tpu.vector_load %arg15[%swap3A_398, %swap3A_399] {strides = array<i32>} : memref<33x256xf32, #tpu.memory_space<vmem>>, vector<16xf32>,
        tpu.vector_store %arg15[%swap3A_398, %swap3A_399], %select_n3A_396 {strides = array<i32>} : memref<33x256xf32, #tpu.memory_space<vmem>>, vector<16xf32>,
        %broadcast_in_dim3A_401 = arith.constant 16 : i32
        %broadcast_in_dim3A_402 = vector.broadcast %broadcast_in_dim3A_401 : i32 to vector<16xi32>
        %gather3A_403 = tpu.vector_load_idx %arg13[%add3A_210, %broadcast_in_dim3A_402] masked %ne3A_208 : memref<256x32xf32, #tpu.memory_space<vmem>>[vector<16xi32>, vector<16xi32>], vector<16xf32>, vector<16xi1>
        %get3A_404 = arith.constant 16 : i32
        %get3A_405 = arith.index_cast %get3A_404 : i32 to index
        %get3A_406 = arith.constant 0 : index
        %get3A_407 = tpu.vector_load %arg17[%get3A_405, %get3A_406] {strides = array<i32>} : memref<32x16xf32, #tpu.memory_space<vmem>>, vector<16xf32>,
        %select_n3A_408 = arith.select %ne3A_208, %gather3A_403, %get3A_407 : vector<16xi1>, vector<16xf32>
        %swap3A_409 = arith.constant 16 : i32
        %swap3A_410 = arith.index_cast %swap3A_409 : i32 to index
        %swap3A_411 = arith.index_cast %mul3A_203 : i32 to index
        %swap3A_412 = tpu.vector_load %arg15[%swap3A_410, %swap3A_411] {strides = array<i32>} : memref<33x256xf32, #tpu.memory_space<vmem>>, vector<16xf32>,
        tpu.vector_store %arg15[%swap3A_410, %swap3A_411], %select_n3A_408 {strides = array<i32>} : memref<33x256xf32, #tpu.memory_space<vmem>>, vector<16xf32>,
        %broadcast_in_dim3A_413 = arith.constant 17 : i32
        %broadcast_in_dim3A_414 = vector.broadcast %broadcast_in_dim3A_413 : i32 to vector<16xi32>
        %gather3A_415 = tpu.vector_load_idx %arg13[%add3A_210, %broadcast_in_dim3A_414] masked %ne3A_208 : memref<256x32xf32, #tpu.memory_space<vmem>>[vector<16xi32>, vector<16xi32>], vector<16xf32>, vector<16xi1>
        %get3A_416 = arith.constant 17 : i32
        %get3A_417 = arith.index_cast %get3A_416 : i32 to index
        %get3A_418 = arith.constant 0 : index
        %get3A_419 = tpu.vector_load %arg17[%get3A_417, %get3A_418] {strides = array<i32>} : memref<32x16xf32, #tpu.memory_space<vmem>>, vector<16xf32>,
        %select_n3A_420 = arith.select %ne3A_208, %gather3A_415, %get3A_419 : vector<16xi1>, vector<16xf32>
        %swap3A_421 = arith.constant 17 : i32
        %swap3A_422 = arith.index_cast %swap3A_421 : i32 to index
        %swap3A_423 = arith.index_cast %mul3A_203 : i32 to index
        %swap3A_424 = tpu.vector_load %arg15[%swap3A_422, %swap3A_423] {strides = array<i32>} : memref<33x256xf32, #tpu.memory_space<vmem>>, vector<16xf32>,
        tpu.vector_store %arg15[%swap3A_422, %swap3A_423], %select_n3A_420 {strides = array<i32>} : memref<33x256xf32, #tpu.memory_space<vmem>>, vector<16xf32>,
        %broadcast_in_dim3A_425 = arith.constant 18 : i32
        %broadcast_in_dim3A_426 = vector.broadcast %broadcast_in_dim3A_425 : i32 to vector<16xi32>
        %gather3A_427 = tpu.vector_load_idx %arg13[%add3A_210, %broadcast_in_dim3A_426] masked %ne3A_208 : memref<256x32xf32, #tpu.memory_space<vmem>>[vector<16xi32>, vector<16xi32>], vector<16xf32>, vector<16xi1>
        %get3A_428 = arith.constant 18 : i32
        %get3A_429 = arith.index_cast %get3A_428 : i32 to index
        %get3A_430 = arith.constant 0 : index
        %get3A_431 = tpu.vector_load %arg17[%get3A_429, %get3A_430] {strides = array<i32>} : memref<32x16xf32, #tpu.memory_space<vmem>>, vector<16xf32>,
        %select_n3A_432 = arith.select %ne3A_208, %gather3A_427, %get3A_431 : vector<16xi1>, vector<16xf32>
        %swap3A_433 = arith.constant 18 : i32
        %swap3A_434 = arith.index_cast %swap3A_433 : i32 to index
        %swap3A_435 = arith.index_cast %mul3A_203 : i32 to index
        %swap3A_436 = tpu.vector_load %arg15[%swap3A_434, %swap3A_435] {strides = array<i32>} : memref<33x256xf32, #tpu.memory_space<vmem>>, vector<16xf32>,
        tpu.vector_store %arg15[%swap3A_434, %swap3A_435], %select_n3A_432 {strides = array<i32>} : memref<33x256xf32, #tpu.memory_space<vmem>>, vector<16xf32>,
        %broadcast_in_dim3A_437 = arith.constant 19 : i32
        %broadcast_in_dim3A_438 = vector.broadcast %broadcast_in_dim3A_437 : i32 to vector<16xi32>
        %gather3A_439 = tpu.vector_load_idx %arg13[%add3A_210, %broadcast_in_dim3A_438] masked %ne3A_208 : memref<256x32xf32, #tpu.memory_space<vmem>>[vector<16xi32>, vector<16xi32>], vector<16xf32>, vector<16xi1>
        %get3A_440 = arith.constant 19 : i32
        %get3A_441 = arith.index_cast %get3A_440 : i32 to index
        %get3A_442 = arith.constant 0 : index
        %get3A_443 = tpu.vector_load %arg17[%get3A_441, %get3A_442] {strides = array<i32>} : memref<32x16xf32, #tpu.memory_space<vmem>>, vector<16xf32>,
        %select_n3A_444 = arith.select %ne3A_208, %gather3A_439, %get3A_443 : vector<16xi1>, vector<16xf32>
        %swap3A_445 = arith.constant 19 : i32
        %swap3A_446 = arith.index_cast %swap3A_445 : i32 to index
        %swap3A_447 = arith.index_cast %mul3A_203 : i32 to index
        %swap3A_448 = tpu.vector_load %arg15[%swap3A_446, %swap3A_447] {strides = array<i32>} : memref<33x256xf32, #tpu.memory_space<vmem>>, vector<16xf32>,
        tpu.vector_store %arg15[%swap3A_446, %swap3A_447], %select_n3A_444 {strides = array<i32>} : memref<33x256xf32, #tpu.memory_space<vmem>>, vector<16xf32>,
        %broadcast_in_dim3A_449 = arith.constant 20 : i32
        %broadcast_in_dim3A_450 = vector.broadcast %broadcast_in_dim3A_449 : i32 to vector<16xi32>
        %gather3A_451 = tpu.vector_load_idx %arg13[%add3A_210, %broadcast_in_dim3A_450] masked %ne3A_208 : memref<256x32xf32, #tpu.memory_space<vmem>>[vector<16xi32>, vector<16xi32>], vector<16xf32>, vector<16xi1>
        %get3A_452 = arith.constant 20 : i32
        %get3A_453 = arith.index_cast %get3A_452 : i32 to index
        %get3A_454 = arith.constant 0 : index
        %get3A_455 = tpu.vector_load %arg17[%get3A_453, %get3A_454] {strides = array<i32>} : memref<32x16xf32, #tpu.memory_space<vmem>>, vector<16xf32>,
        %select_n3A_456 = arith.select %ne3A_208, %gather3A_451, %get3A_455 : vector<16xi1>, vector<16xf32>
        %swap3A_457 = arith.constant 20 : i32
        %swap3A_458 = arith.index_cast %swap3A_457 : i32 to index
        %swap3A_459 = arith.index_cast %mul3A_203 : i32 to index
        %swap3A_460 = tpu.vector_load %arg15[%swap3A_458, %swap3A_459] {strides = array<i32>} : memref<33x256xf32, #tpu.memory_space<vmem>>, vector<16xf32>,
        tpu.vector_store %arg15[%swap3A_458, %swap3A_459], %select_n3A_456 {strides = array<i32>} : memref<33x256xf32, #tpu.memory_space<vmem>>, vector<16xf32>,
        %broadcast_in_dim3A_461 = arith.constant 21 : i32
        %broadcast_in_dim3A_462 = vector.broadcast %broadcast_in_dim3A_461 : i32 to vector<16xi32>
        %gather3A_463 = tpu.vector_load_idx %arg13[%add3A_210, %broadcast_in_dim3A_462] masked %ne3A_208 : memref<256x32xf32, #tpu.memory_space<vmem>>[vector<16xi32>, vector<16xi32>], vector<16xf32>, vector<16xi1>
        %get3A_464 = arith.constant 21 : i32
        %get3A_465 = arith.index_cast %get3A_464 : i32 to index
        %get3A_466 = arith.constant 0 : index
        %get3A_467 = tpu.vector_load %arg17[%get3A_465, %get3A_466] {strides = array<i32>} : memref<32x16xf32, #tpu.memory_space<vmem>>, vector<16xf32>,
        %select_n3A_468 = arith.select %ne3A_208, %gather3A_463, %get3A_467 : vector<16xi1>, vector<16xf32>
        %swap3A_469 = arith.constant 21 : i32
        %swap3A_470 = arith.index_cast %swap3A_469 : i32 to index
        %swap3A_471 = arith.index_cast %mul3A_203 : i32 to index
        %swap3A_472 = tpu.vector_load %arg15[%swap3A_470, %swap3A_471] {strides = array<i32>} : memref<33x256xf32, #tpu.memory_space<vmem>>, vector<16xf32>,
        tpu.vector_store %arg15[%swap3A_470, %swap3A_471], %select_n3A_468 {strides = array<i32>} : memref<33x256xf32, #tpu.memory_space<vmem>>, vector<16xf32>,
        %broadcast_in_dim3A_473 = arith.constant 22 : i32
        %broadcast_in_dim3A_474 = vector.broadcast %broadcast_in_dim3A_473 : i32 to vector<16xi32>
        %gather3A_475 = tpu.vector_load_idx %arg13[%add3A_210, %broadcast_in_dim3A_474] masked %ne3A_208 : memref<256x32xf32, #tpu.memory_space<vmem>>[vector<16xi32>, vector<16xi32>], vector<16xf32>, vector<16xi1>
        %get3A_476 = arith.constant 22 : i32
        %get3A_477 = arith.index_cast %get3A_476 : i32 to index
        %get3A_478 = arith.constant 0 : index
        %get3A_479 = tpu.vector_load %arg17[%get3A_477, %get3A_478] {strides = array<i32>} : memref<32x16xf32, #tpu.memory_space<vmem>>, vector<16xf32>,
        %select_n3A_480 = arith.select %ne3A_208, %gather3A_475, %get3A_479 : vector<16xi1>, vector<16xf32>
        %swap3A_481 = arith.constant 22 : i32
        %swap3A_482 = arith.index_cast %swap3A_481 : i32 to index
        %swap3A_483 = arith.index_cast %mul3A_203 : i32 to index
        %swap3A_484 = tpu.vector_load %arg15[%swap3A_482, %swap3A_483] {strides = array<i32>} : memref<33x256xf32, #tpu.memory_space<vmem>>, vector<16xf32>,
        tpu.vector_store %arg15[%swap3A_482, %swap3A_483], %select_n3A_480 {strides = array<i32>} : memref<33x256xf32, #tpu.memory_space<vmem>>, vector<16xf32>,
        %broadcast_in_dim3A_485 = arith.constant 23 : i32
        %broadcast_in_dim3A_486 = vector.broadcast %broadcast_in_dim3A_485 : i32 to vector<16xi32>
        %gather3A_487 = tpu.vector_load_idx %arg13[%add3A_210, %broadcast_in_dim3A_486] masked %ne3A_208 : memref<256x32xf32, #tpu.memory_space<vmem>>[vector<16xi32>, vector<16xi32>], vector<16xf32>, vector<16xi1>
        %get3A_488 = arith.constant 23 : i32
        %get3A_489 = arith.index_cast %get3A_488 : i32 to index
        %get3A_490 = arith.constant 0 : index
        %get3A_491 = tpu.vector_load %arg17[%get3A_489, %get3A_490] {strides = array<i32>} : memref<32x16xf32, #tpu.memory_space<vmem>>, vector<16xf32>,
        %select_n3A_492 = arith.select %ne3A_208, %gather3A_487, %get3A_491 : vector<16xi1>, vector<16xf32>
        %swap3A_493 = arith.constant 23 : i32
        %swap3A_494 = arith.index_cast %swap3A_493 : i32 to index
        %swap3A_495 = arith.index_cast %mul3A_203 : i32 to index
        %swap3A_496 = tpu.vector_load %arg15[%swap3A_494, %swap3A_495] {strides = array<i32>} : memref<33x256xf32, #tpu.memory_space<vmem>>, vector<16xf32>,
        tpu.vector_store %arg15[%swap3A_494, %swap3A_495], %select_n3A_492 {strides = array<i32>} : memref<33x256xf32, #tpu.memory_space<vmem>>, vector<16xf32>,
        %broadcast_in_dim3A_497 = arith.constant 24 : i32
        %broadcast_in_dim3A_498 = vector.broadcast %broadcast_in_dim3A_497 : i32 to vector<16xi32>
        %gather3A_499 = tpu.vector_load_idx %arg13[%add3A_210, %broadcast_in_dim3A_498] masked %ne3A_208 : memref<256x32xf32, #tpu.memory_space<vmem>>[vector<16xi32>, vector<16xi32>], vector<16xf32>, vector<16xi1>
        %get3A_500 = arith.constant 24 : i32
        %get3A_501 = arith.index_cast %get3A_500 : i32 to index
        %get3A_502 = arith.constant 0 : index
        %get3A_503 = tpu.vector_load %arg17[%get3A_501, %get3A_502] {strides = array<i32>} : memref<32x16xf32, #tpu.memory_space<vmem>>, vector<16xf32>,
        %select_n3A_504 = arith.select %ne3A_208, %gather3A_499, %get3A_503 : vector<16xi1>, vector<16xf32>
        %swap3A_505 = arith.constant 24 : i32
        %swap3A_506 = arith.index_cast %swap3A_505 : i32 to index
        %swap3A_507 = arith.index_cast %mul3A_203 : i32 to index
        %swap3A_508 = tpu.vector_load %arg15[%swap3A_506, %swap3A_507] {strides = array<i32>} : memref<33x256xf32, #tpu.memory_space<vmem>>, vector<16xf32>,
        tpu.vector_store %arg15[%swap3A_506, %swap3A_507], %select_n3A_504 {strides = array<i32>} : memref<33x256xf32, #tpu.memory_space<vmem>>, vector<16xf32>,
        %broadcast_in_dim3A_509 = arith.constant 25 : i32
        %broadcast_in_dim3A_510 = vector.broadcast %broadcast_in_dim3A_509 : i32 to vector<16xi32>
        %gather3A_511 = tpu.vector_load_idx %arg13[%add3A_210, %broadcast_in_dim3A_510] masked %ne3A_208 : memref<256x32xf32, #tpu.memory_space<vmem>>[vector<16xi32>, vector<16xi32>], vector<16xf32>, vector<16xi1>
        %get3A_512 = arith.constant 25 : i32
        %get3A_513 = arith.index_cast %get3A_512 : i32 to index
        %get3A_514 = arith.constant 0 : index
        %get3A_515 = tpu.vector_load %arg17[%get3A_513, %get3A_514] {strides = array<i32>} : memref<32x16xf32, #tpu.memory_space<vmem>>, vector<16xf32>,
        %select_n3A_516 = arith.select %ne3A_208, %gather3A_511, %get3A_515 : vector<16xi1>, vector<16xf32>
        %swap3A_517 = arith.constant 25 : i32
        %swap3A_518 = arith.index_cast %swap3A_517 : i32 to index
        %swap3A_519 = arith.index_cast %mul3A_203 : i32 to index
        %swap3A_520 = tpu.vector_load %arg15[%swap3A_518, %swap3A_519] {strides = array<i32>} : memref<33x256xf32, #tpu.memory_space<vmem>>, vector<16xf32>,
        tpu.vector_store %arg15[%swap3A_518, %swap3A_519], %select_n3A_516 {strides = array<i32>} : memref<33x256xf32, #tpu.memory_space<vmem>>, vector<16xf32>,
        %broadcast_in_dim3A_521 = arith.constant 26 : i32
        %broadcast_in_dim3A_522 = vector.broadcast %broadcast_in_dim3A_521 : i32 to vector<16xi32>
        %gather3A_523 = tpu.vector_load_idx %arg13[%add3A_210, %broadcast_in_dim3A_522] masked %ne3A_208 : memref<256x32xf32, #tpu.memory_space<vmem>>[vector<16xi32>, vector<16xi32>], vector<16xf32>, vector<16xi1>
        %get3A_524 = arith.constant 26 : i32
        %get3A_525 = arith.index_cast %get3A_524 : i32 to index
        %get3A_526 = arith.constant 0 : index
        %get3A_527 = tpu.vector_load %arg17[%get3A_525, %get3A_526] {strides = array<i32>} : memref<32x16xf32, #tpu.memory_space<vmem>>, vector<16xf32>,
        %select_n3A_528 = arith.select %ne3A_208, %gather3A_523, %get3A_527 : vector<16xi1>, vector<16xf32>
        %swap3A_529 = arith.constant 26 : i32
        %swap3A_530 = arith.index_cast %swap3A_529 : i32 to index
        %swap3A_531 = arith.index_cast %mul3A_203 : i32 to index
        %swap3A_532 = tpu.vector_load %arg15[%swap3A_530, %swap3A_531] {strides = array<i32>} : memref<33x256xf32, #tpu.memory_space<vmem>>, vector<16xf32>,
        tpu.vector_store %arg15[%swap3A_530, %swap3A_531], %select_n3A_528 {strides = array<i32>} : memref<33x256xf32, #tpu.memory_space<vmem>>, vector<16xf32>,
        %broadcast_in_dim3A_533 = arith.constant 27 : i32
        %broadcast_in_dim3A_534 = vector.broadcast %broadcast_in_dim3A_533 : i32 to vector<16xi32>
        %gather3A_535 = tpu.vector_load_idx %arg13[%add3A_210, %broadcast_in_dim3A_534] masked %ne3A_208 : memref<256x32xf32, #tpu.memory_space<vmem>>[vector<16xi32>, vector<16xi32>], vector<16xf32>, vector<16xi1>
        %get3A_536 = arith.constant 27 : i32
        %get3A_537 = arith.index_cast %get3A_536 : i32 to index
        %get3A_538 = arith.constant 0 : index
        %get3A_539 = tpu.vector_load %arg17[%get3A_537, %get3A_538] {strides = array<i32>} : memref<32x16xf32, #tpu.memory_space<vmem>>, vector<16xf32>,
        %select_n3A_540 = arith.select %ne3A_208, %gather3A_535, %get3A_539 : vector<16xi1>, vector<16xf32>
        %swap3A_541 = arith.constant 27 : i32
        %swap3A_542 = arith.index_cast %swap3A_541 : i32 to index
        %swap3A_543 = arith.index_cast %mul3A_203 : i32 to index
        %swap3A_544 = tpu.vector_load %arg15[%swap3A_542, %swap3A_543] {strides = array<i32>} : memref<33x256xf32, #tpu.memory_space<vmem>>, vector<16xf32>,
        tpu.vector_store %arg15[%swap3A_542, %swap3A_543], %select_n3A_540 {strides = array<i32>} : memref<33x256xf32, #tpu.memory_space<vmem>>, vector<16xf32>,
        %broadcast_in_dim3A_545 = arith.constant 28 : i32
        %broadcast_in_dim3A_546 = vector.broadcast %broadcast_in_dim3A_545 : i32 to vector<16xi32>
        %gather3A_547 = tpu.vector_load_idx %arg13[%add3A_210, %broadcast_in_dim3A_546] masked %ne3A_208 : memref<256x32xf32, #tpu.memory_space<vmem>>[vector<16xi32>, vector<16xi32>], vector<16xf32>, vector<16xi1>
        %get3A_548 = arith.constant 28 : i32
        %get3A_549 = arith.index_cast %get3A_548 : i32 to index
        %get3A_550 = arith.constant 0 : index
        %get3A_551 = tpu.vector_load %arg17[%get3A_549, %get3A_550] {strides = array<i32>} : memref<32x16xf32, #tpu.memory_space<vmem>>, vector<16xf32>,
        %select_n3A_552 = arith.select %ne3A_208, %gather3A_547, %get3A_551 : vector<16xi1>, vector<16xf32>
        %swap3A_553 = arith.constant 28 : i32
        %swap3A_554 = arith.index_cast %swap3A_553 : i32 to index
        %swap3A_555 = arith.index_cast %mul3A_203 : i32 to index
        %swap3A_556 = tpu.vector_load %arg15[%swap3A_554, %swap3A_555] {strides = array<i32>} : memref<33x256xf32, #tpu.memory_space<vmem>>, vector<16xf32>,
        tpu.vector_store %arg15[%swap3A_554, %swap3A_555], %select_n3A_552 {strides = array<i32>} : memref<33x256xf32, #tpu.memory_space<vmem>>, vector<16xf32>,
        %broadcast_in_dim3A_557 = arith.constant 29 : i32
        %broadcast_in_dim3A_558 = vector.broadcast %broadcast_in_dim3A_557 : i32 to vector<16xi32>
        %gather3A_559 = tpu.vector_load_idx %arg13[%add3A_210, %broadcast_in_dim3A_558] masked %ne3A_208 : memref<256x32xf32, #tpu.memory_space<vmem>>[vector<16xi32>, vector<16xi32>], vector<16xf32>, vector<16xi1>
        %get3A_560 = arith.constant 29 : i32
        %get3A_561 = arith.index_cast %get3A_560 : i32 to index
        %get3A_562 = arith.constant 0 : index
        %get3A_563 = tpu.vector_load %arg17[%get3A_561, %get3A_562] {strides = array<i32>} : memref<32x16xf32, #tpu.memory_space<vmem>>, vector<16xf32>,
        %select_n3A_564 = arith.select %ne3A_208, %gather3A_559, %get3A_563 : vector<16xi1>, vector<16xf32>
        %swap3A_565 = arith.constant 29 : i32
        %swap3A_566 = arith.index_cast %swap3A_565 : i32 to index
        %swap3A_567 = arith.index_cast %mul3A_203 : i32 to index
        %swap3A_568 = tpu.vector_load %arg15[%swap3A_566, %swap3A_567] {strides = array<i32>} : memref<33x256xf32, #tpu.memory_space<vmem>>, vector<16xf32>,
        tpu.vector_store %arg15[%swap3A_566, %swap3A_567], %select_n3A_564 {strides = array<i32>} : memref<33x256xf32, #tpu.memory_space<vmem>>, vector<16xf32>,
        %broadcast_in_dim3A_569 = arith.constant 30 : i32
        %broadcast_in_dim3A_570 = vector.broadcast %broadcast_in_dim3A_569 : i32 to vector<16xi32>
        %gather3A_571 = tpu.vector_load_idx %arg13[%add3A_210, %broadcast_in_dim3A_570] masked %ne3A_208 : memref<256x32xf32, #tpu.memory_space<vmem>>[vector<16xi32>, vector<16xi32>], vector<16xf32>, vector<16xi1>
        %get3A_572 = arith.constant 30 : i32
        %get3A_573 = arith.index_cast %get3A_572 : i32 to index
        %get3A_574 = arith.constant 0 : index
        %get3A_575 = tpu.vector_load %arg17[%get3A_573, %get3A_574] {strides = array<i32>} : memref<32x16xf32, #tpu.memory_space<vmem>>, vector<16xf32>,
        %select_n3A_576 = arith.select %ne3A_208, %gather3A_571, %get3A_575 : vector<16xi1>, vector<16xf32>
        %swap3A_577 = arith.constant 30 : i32
        %swap3A_578 = arith.index_cast %swap3A_577 : i32 to index
        %swap3A_579 = arith.index_cast %mul3A_203 : i32 to index
        %swap3A_580 = tpu.vector_load %arg15[%swap3A_578, %swap3A_579] {strides = array<i32>} : memref<33x256xf32, #tpu.memory_space<vmem>>, vector<16xf32>,
        tpu.vector_store %arg15[%swap3A_578, %swap3A_579], %select_n3A_576 {strides = array<i32>} : memref<33x256xf32, #tpu.memory_space<vmem>>, vector<16xf32>,
        %broadcast_in_dim3A_581 = arith.constant 31 : i32
        %broadcast_in_dim3A_582 = vector.broadcast %broadcast_in_dim3A_581 : i32 to vector<16xi32>
        %gather3A_583 = tpu.vector_load_idx %arg13[%add3A_210, %broadcast_in_dim3A_582] masked %ne3A_208 : memref<256x32xf32, #tpu.memory_space<vmem>>[vector<16xi32>, vector<16xi32>], vector<16xf32>, vector<16xi1>
        %get3A_584 = arith.constant 31 : i32
        %get3A_585 = arith.index_cast %get3A_584 : i32 to index
        %get3A_586 = arith.constant 0 : index
        %get3A_587 = tpu.vector_load %arg17[%get3A_585, %get3A_586] {strides = array<i32>} : memref<32x16xf32, #tpu.memory_space<vmem>>, vector<16xf32>,
        %select_n3A_588 = arith.select %ne3A_208, %gather3A_583, %get3A_587 : vector<16xi1>, vector<16xf32>
        %swap3A_589 = arith.constant 31 : i32
        %swap3A_590 = arith.index_cast %swap3A_589 : i32 to index
        %swap3A_591 = arith.index_cast %mul3A_203 : i32 to index
        %swap3A_592 = tpu.vector_load %arg15[%swap3A_590, %swap3A_591] {strides = array<i32>} : memref<33x256xf32, #tpu.memory_space<vmem>>, vector<16xf32>,
        tpu.vector_store %arg15[%swap3A_590, %swap3A_591], %select_n3A_588 {strides = array<i32>} : memref<33x256xf32, #tpu.memory_space<vmem>>, vector<16xf32>,
        %jit3A_593 = arith.constant 1.000000e+00 : f32
        %jit3A_594 = arith.constant 0.000000e+00 : f32
        %broadcast_in_dim3A_595 = vector.broadcast %jit3A_593 : f32 to vector<16xf32>
        %broadcast_in_dim3A_596 = vector.broadcast %jit3A_594 : f32 to vector<16xf32>
        %select_n3A_597 = arith.select %ne3A_208, %broadcast_in_dim3A_595, %broadcast_in_dim3A_596 : vector<16xi1>, vector<16xf32>
        %swap3A_598 = arith.constant 32 : i32
        %swap3A_599 = arith.index_cast %swap3A_598 : i32 to index
        %swap3A_600 = arith.index_cast %mul3A_203 : i32 to index
        %swap3A_601 = tpu.vector_load %arg15[%swap3A_599, %swap3A_600] {strides = array<i32>} : memref<33x256xf32, #tpu.memory_space<vmem>>, vector<16xf32>,
        tpu.vector_store %arg15[%swap3A_599, %swap3A_600], %select_n3A_597 {strides = array<i32>} : memref<33x256xf32, #tpu.memory_space<vmem>>, vector<16xf32>,
        %scan3A_602 = arith.constant 0 : i32
        scf.yield %scan3A_602 : i32
      }
      %scan3A_150 = arith.constant 16 : i32
      %mul3A_151 = arith.constant 256 : i32
      %mul3A_152 = arith.muli %mul3A_70, %mul3A_151 : i32
      %add3A_153 = arith.addi %mul3A_32, %mul3A_152 : i32
      %dma_start3A_154 = arith.constant 0 : i32
      %dma_start3A_155 = tpu.memref_slice %arg6[%select_n3A, %dma_start3A_154, %add3A_153] : memref<4x33x262144xf32, #tpu.memory_space<hbm>> -> memref<1x33x256xf32, #tpu.memory_space<hbm>>
      %dma_start3A_156 = tpu.memref_squeeze %dma_start3A_155 : memref<1x33x256xf32, #tpu.memory_space<hbm>> -> memref<33x256xf32, #tpu.memory_space<hbm>>
      %dma_start3A_157 = arith.constant 0 : i32
      %dma_start3A_158 = tpu.memref_slice %arg6[%select_n3A, %dma_start3A_157, %add3A_153] : memref<4x33x262144xf32, #tpu.memory_space<hbm>> -> memref<1x33x256xf32, #tpu.memory_space<hbm>>
      %dma_start3A_159 = tpu.memref_squeeze %dma_start3A_158 : memref<1x33x256xf32, #tpu.memory_space<hbm>> -> memref<33x256xf32, #tpu.memory_space<hbm>>
      tpu.enqueue_dma source(%arg15 : memref<33x256xf32, #tpu.memory_space<vmem>>) target(%dma_start3A_159 : memref<33x256xf32, #tpu.memory_space<hbm>>) target_semaphore(%arg20 : memref<!tpu.dma_semaphore, #tpu.memory_space<semaphore_mem>>)
      %gt3A_160 = arith.constant 0 : i32
      %gt3A_161 = arith.cmpi sgt, %scan3A_67, %gt3A_160 : i32
      %convert_element_type3A_162 = arith.extui %gt3A_161 : i1 to i32
      %cond3A_163 = arith.constant 0 : i32
      %cond3A_164 = arith.cmpi ne, %convert_element_type3A_162, %cond3A_163 : i32
      scf.if %cond3A_164 {
        %dma_wait3A_200 = arith.constant 0 : i32
        %dma_wait3A_201 = tpu.memref_slice %arg6[%select_n3A, %dma_wait3A_200, %mul3A_32] : memref<4x33x262144xf32, #tpu.memory_space<hbm>> -> memref<1x33x256xf32, #tpu.memory_space<hbm>>
        %dma_wait3A_202 = tpu.memref_squeeze %dma_wait3A_201 : memref<1x33x256xf32, #tpu.memory_space<hbm>> -> memref<33x256xf32, #tpu.memory_space<hbm>>
        %dma_wait3A_203 = arith.constant 0 : i32
        %dma_wait3A_204 = tpu.memref_slice %arg6[%select_n3A, %dma_wait3A_203, %mul3A_32] : memref<4x33x262144xf32, #tpu.memory_space<hbm>> -> memref<1x33x256xf32, #tpu.memory_space<hbm>>
        %dma_wait3A_205 = tpu.memref_squeeze %dma_wait3A_204 : memref<1x33x256xf32, #tpu.memory_space<hbm>> -> memref<33x256xf32, #tpu.memory_space<hbm>>
        tpu.wait_dma2 semaphore(%arg21 : memref<!tpu.dma_semaphore, #tpu.memory_space<semaphore_mem>>) src(%arg16 : memref<33x256xf32, #tpu.memory_space<vmem>>) dst(%dma_wait3A_205 : memref<33x256xf32, #tpu.memory_space<hbm>>)
      } else {
      }
      %dma_wait3A_165 = arith.constant 0 : i32
      %dma_wait3A_166 = arith.constant 0 : i32
      %dma_wait3A_167 = tpu.memref_slice %arg14[%dma_wait3A_165, %dma_wait3A_166] : memref<256x32xf32, #tpu.memory_space<vmem>> -> memref<128x32xf32, #tpu.memory_space<vmem>>
      %dma_wait3A_168 = arith.constant 0 : i32
      %dma_wait3A_169 = tpu.memref_slice %arg12[%dma_wait3A_168] : memref<256xi32, #tpu.memory_space<vmem>> -> memref<128xi32, #tpu.memory_space<vmem>>
      %dma_wait3A_170 = arith.constant 0 : i32
      %dma_wait3A_171 = arith.constant 0 : i32
      %dma_wait3A_172 = tpu.memref_slice %arg4[%dma_wait3A_170, %dma_wait3A_171] : memref<400000x32xf32, #tpu.memory_space<hbm>> -> memref<400000x32xf32, #tpu.memory_space<hbm>>
      tpu.wait_indirect_dma semaphore(%arg19 : memref<!tpu.dma_semaphore, #tpu.memory_space<semaphore_mem>>) src(%dma_wait3A_172 : memref<400000x32xf32, #tpu.memory_space<hbm>>) dst(%dma_wait3A_167 : memref<128x32xf32, #tpu.memory_space<vmem>>)
      %dma_wait3A_173 = arith.constant 128 : i32
      %dma_wait3A_174 = arith.constant 0 : i32
      %dma_wait3A_175 = tpu.memref_slice %arg14[%dma_wait3A_173, %dma_wait3A_174] : memref<256x32xf32, #tpu.memory_space<vmem>> -> memref<128x32xf32, #tpu.memory_space<vmem>>
      %dma_wait3A_176 = arith.constant 128 : i32
      %dma_wait3A_177 = tpu.memref_slice %arg12[%dma_wait3A_176] : memref<256xi32, #tpu.memory_space<vmem>> -> memref<128xi32, #tpu.memory_space<vmem>>
      %dma_wait3A_178 = arith.constant 0 : i32
      %dma_wait3A_179 = arith.constant 0 : i32
      %dma_wait3A_180 = tpu.memref_slice %arg4[%dma_wait3A_178, %dma_wait3A_179] : memref<400000x32xf32, #tpu.memory_space<hbm>> -> memref<400000x32xf32, #tpu.memory_space<hbm>>
      tpu.wait_indirect_dma semaphore(%arg19 : memref<!tpu.dma_semaphore, #tpu.memory_space<semaphore_mem>>) src(%dma_wait3A_180 : memref<400000x32xf32, #tpu.memory_space<hbm>>) dst(%dma_wait3A_175 : memref<128x32xf32, #tpu.memory_space<vmem>>)
      %mul3A_181 = arith.constant 256 : i32
      %mul3A_182 = arith.muli %add3A_74, %mul3A_181 : i32
      %scan3A_183 = arith.constant 0 : i32
      %scan3A_184 = arith.constant 0 : i32
      %scan3A_185 = arith.constant 16 : i32
      %scan3A_186 = arith.addi %scan3A_184, %scan3A_185 : i32
      %scan3A_187 = arith.constant 1 : i32
      %scan3A_188 = scf.for %scan3A_200 = %scan3A_184 to %scan3A_186 step %scan3A_187 iter_args(%scan3A_201 = %scan3A_183) -> (i32)  : i32 {
        %mul3A_202 = arith.constant 16 : i32
        %mul3A_203 = arith.muli %scan3A_200, %mul3A_202 : i32
        %add3A_204 = arith.addi %mul3A_182, %mul3A_203 : i32
        %get3A = arith.index_cast %add3A_204 : i32 to index
        %get3A_205 = tpu.vector_load %arg8[%get3A] {strides = array<i32>} : memref<32768xi32, #tpu.memory_space<vmem>>, vector<16xi32>,
        %ne3A_206 = arith.constant 2147483647 : i32
        %ne3A_207 = vector.broadcast %ne3A_206 : i32 to vector<16xi32>
        %ne3A_208 = arith.cmpi ne, %get3A_205, %ne3A_207 : vector<16xi32>
        %add3A_209 = vector.broadcast %mul3A_203 : i32 to vector<16xi32>
        %add3A_210 = arith.addi %add3A_209, %iota3A : vector<16xi32>
        %broadcast_in_dim3A_211 = arith.constant 0 : i32
        %broadcast_in_dim3A_212 = vector.broadcast %broadcast_in_dim3A_211 : i32 to vector<16xi32>
        %gather3A = tpu.vector_load_idx %arg14[%add3A_210, %broadcast_in_dim3A_212] masked %ne3A_208 : memref<256x32xf32, #tpu.memory_space<vmem>>[vector<16xi32>, vector<16xi32>], vector<16xf32>, vector<16xi1>
        %get3A_213 = arith.constant 0 : i32
        %get3A_214 = arith.index_cast %get3A_213 : i32 to index
        %get3A_215 = arith.constant 0 : index
        %get3A_216 = tpu.vector_load %arg17[%get3A_214, %get3A_215] {strides = array<i32>} : memref<32x16xf32, #tpu.memory_space<vmem>>, vector<16xf32>,
        %select_n3A_217 = arith.select %ne3A_208, %gather3A, %get3A_216 : vector<16xi1>, vector<16xf32>
        %swap3A = arith.constant 0 : i32
        %swap3A_218 = arith.index_cast %swap3A : i32 to index
        %swap3A_219 = arith.index_cast %mul3A_203 : i32 to index
        %swap3A_220 = tpu.vector_load %arg16[%swap3A_218, %swap3A_219] {strides = array<i32>} : memref<33x256xf32, #tpu.memory_space<vmem>>, vector<16xf32>,
        tpu.vector_store %arg16[%swap3A_218, %swap3A_219], %select_n3A_217 {strides = array<i32>} : memref<33x256xf32, #tpu.memory_space<vmem>>, vector<16xf32>,
        %broadcast_in_dim3A_221 = arith.constant 1 : i32
        %broadcast_in_dim3A_222 = vector.broadcast %broadcast_in_dim3A_221 : i32 to vector<16xi32>
        %gather3A_223 = tpu.vector_load_idx %arg14[%add3A_210, %broadcast_in_dim3A_222] masked %ne3A_208 : memref<256x32xf32, #tpu.memory_space<vmem>>[vector<16xi32>, vector<16xi32>], vector<16xf32>, vector<16xi1>
        %get3A_224 = arith.constant 1 : i32
        %get3A_225 = arith.index_cast %get3A_224 : i32 to index
        %get3A_226 = arith.constant 0 : index
        %get3A_227 = tpu.vector_load %arg17[%get3A_225, %get3A_226] {strides = array<i32>} : memref<32x16xf32, #tpu.memory_space<vmem>>, vector<16xf32>,
        %select_n3A_228 = arith.select %ne3A_208, %gather3A_223, %get3A_227 : vector<16xi1>, vector<16xf32>
        %swap3A_229 = arith.constant 1 : i32
        %swap3A_230 = arith.index_cast %swap3A_229 : i32 to index
        %swap3A_231 = arith.index_cast %mul3A_203 : i32 to index
        %swap3A_232 = tpu.vector_load %arg16[%swap3A_230, %swap3A_231] {strides = array<i32>} : memref<33x256xf32, #tpu.memory_space<vmem>>, vector<16xf32>,
        tpu.vector_store %arg16[%swap3A_230, %swap3A_231], %select_n3A_228 {strides = array<i32>} : memref<33x256xf32, #tpu.memory_space<vmem>>, vector<16xf32>,
        %broadcast_in_dim3A_233 = arith.constant 2 : i32
        %broadcast_in_dim3A_234 = vector.broadcast %broadcast_in_dim3A_233 : i32 to vector<16xi32>
        %gather3A_235 = tpu.vector_load_idx %arg14[%add3A_210, %broadcast_in_dim3A_234] masked %ne3A_208 : memref<256x32xf32, #tpu.memory_space<vmem>>[vector<16xi32>, vector<16xi32>], vector<16xf32>, vector<16xi1>
        %get3A_236 = arith.constant 2 : i32
        %get3A_237 = arith.index_cast %get3A_236 : i32 to index
        %get3A_238 = arith.constant 0 : index
        %get3A_239 = tpu.vector_load %arg17[%get3A_237, %get3A_238] {strides = array<i32>} : memref<32x16xf32, #tpu.memory_space<vmem>>, vector<16xf32>,
        %select_n3A_240 = arith.select %ne3A_208, %gather3A_235, %get3A_239 : vector<16xi1>, vector<16xf32>
        %swap3A_241 = arith.constant 2 : i32
        %swap3A_242 = arith.index_cast %swap3A_241 : i32 to index
        %swap3A_243 = arith.index_cast %mul3A_203 : i32 to index
        %swap3A_244 = tpu.vector_load %arg16[%swap3A_242, %swap3A_243] {strides = array<i32>} : memref<33x256xf32, #tpu.memory_space<vmem>>, vector<16xf32>,
        tpu.vector_store %arg16[%swap3A_242, %swap3A_243], %select_n3A_240 {strides = array<i32>} : memref<33x256xf32, #tpu.memory_space<vmem>>, vector<16xf32>,
        %broadcast_in_dim3A_245 = arith.constant 3 : i32
        %broadcast_in_dim3A_246 = vector.broadcast %broadcast_in_dim3A_245 : i32 to vector<16xi32>
        %gather3A_247 = tpu.vector_load_idx %arg14[%add3A_210, %broadcast_in_dim3A_246] masked %ne3A_208 : memref<256x32xf32, #tpu.memory_space<vmem>>[vector<16xi32>, vector<16xi32>], vector<16xf32>, vector<16xi1>
        %get3A_248 = arith.constant 3 : i32
        %get3A_249 = arith.index_cast %get3A_248 : i32 to index
        %get3A_250 = arith.constant 0 : index
        %get3A_251 = tpu.vector_load %arg17[%get3A_249, %get3A_250] {strides = array<i32>} : memref<32x16xf32, #tpu.memory_space<vmem>>, vector<16xf32>,
        %select_n3A_252 = arith.select %ne3A_208, %gather3A_247, %get3A_251 : vector<16xi1>, vector<16xf32>
        %swap3A_253 = arith.constant 3 : i32
        %swap3A_254 = arith.index_cast %swap3A_253 : i32 to index
        %swap3A_255 = arith.index_cast %mul3A_203 : i32 to index
        %swap3A_256 = tpu.vector_load %arg16[%swap3A_254, %swap3A_255] {strides = array<i32>} : memref<33x256xf32, #tpu.memory_space<vmem>>, vector<16xf32>,
        tpu.vector_store %arg16[%swap3A_254, %swap3A_255], %select_n3A_252 {strides = array<i32>} : memref<33x256xf32, #tpu.memory_space<vmem>>, vector<16xf32>,
        %broadcast_in_dim3A_257 = arith.constant 4 : i32
        %broadcast_in_dim3A_258 = vector.broadcast %broadcast_in_dim3A_257 : i32 to vector<16xi32>
        %gather3A_259 = tpu.vector_load_idx %arg14[%add3A_210, %broadcast_in_dim3A_258] masked %ne3A_208 : memref<256x32xf32, #tpu.memory_space<vmem>>[vector<16xi32>, vector<16xi32>], vector<16xf32>, vector<16xi1>
        %get3A_260 = arith.constant 4 : i32
        %get3A_261 = arith.index_cast %get3A_260 : i32 to index
        %get3A_262 = arith.constant 0 : index
        %get3A_263 = tpu.vector_load %arg17[%get3A_261, %get3A_262] {strides = array<i32>} : memref<32x16xf32, #tpu.memory_space<vmem>>, vector<16xf32>,
        %select_n3A_264 = arith.select %ne3A_208, %gather3A_259, %get3A_263 : vector<16xi1>, vector<16xf32>
        %swap3A_265 = arith.constant 4 : i32
        %swap3A_266 = arith.index_cast %swap3A_265 : i32 to index
        %swap3A_267 = arith.index_cast %mul3A_203 : i32 to index
        %swap3A_268 = tpu.vector_load %arg16[%swap3A_266, %swap3A_267] {strides = array<i32>} : memref<33x256xf32, #tpu.memory_space<vmem>>, vector<16xf32>,
        tpu.vector_store %arg16[%swap3A_266, %swap3A_267], %select_n3A_264 {strides = array<i32>} : memref<33x256xf32, #tpu.memory_space<vmem>>, vector<16xf32>,
        %broadcast_in_dim3A_269 = arith.constant 5 : i32
        %broadcast_in_dim3A_270 = vector.broadcast %broadcast_in_dim3A_269 : i32 to vector<16xi32>
        %gather3A_271 = tpu.vector_load_idx %arg14[%add3A_210, %broadcast_in_dim3A_270] masked %ne3A_208 : memref<256x32xf32, #tpu.memory_space<vmem>>[vector<16xi32>, vector<16xi32>], vector<16xf32>, vector<16xi1>
        %get3A_272 = arith.constant 5 : i32
        %get3A_273 = arith.index_cast %get3A_272 : i32 to index
        %get3A_274 = arith.constant 0 : index
        %get3A_275 = tpu.vector_load %arg17[%get3A_273, %get3A_274] {strides = array<i32>} : memref<32x16xf32, #tpu.memory_space<vmem>>, vector<16xf32>,
        %select_n3A_276 = arith.select %ne3A_208, %gather3A_271, %get3A_275 : vector<16xi1>, vector<16xf32>
        %swap3A_277 = arith.constant 5 : i32
        %swap3A_278 = arith.index_cast %swap3A_277 : i32 to index
        %swap3A_279 = arith.index_cast %mul3A_203 : i32 to index
        %swap3A_280 = tpu.vector_load %arg16[%swap3A_278, %swap3A_279] {strides = array<i32>} : memref<33x256xf32, #tpu.memory_space<vmem>>, vector<16xf32>,
        tpu.vector_store %arg16[%swap3A_278, %swap3A_279], %select_n3A_276 {strides = array<i32>} : memref<33x256xf32, #tpu.memory_space<vmem>>, vector<16xf32>,
        %broadcast_in_dim3A_281 = arith.constant 6 : i32
        %broadcast_in_dim3A_282 = vector.broadcast %broadcast_in_dim3A_281 : i32 to vector<16xi32>
        %gather3A_283 = tpu.vector_load_idx %arg14[%add3A_210, %broadcast_in_dim3A_282] masked %ne3A_208 : memref<256x32xf32, #tpu.memory_space<vmem>>[vector<16xi32>, vector<16xi32>], vector<16xf32>, vector<16xi1>
        %get3A_284 = arith.constant 6 : i32
        %get3A_285 = arith.index_cast %get3A_284 : i32 to index
        %get3A_286 = arith.constant 0 : index
        %get3A_287 = tpu.vector_load %arg17[%get3A_285, %get3A_286] {strides = array<i32>} : memref<32x16xf32, #tpu.memory_space<vmem>>, vector<16xf32>,
        %select_n3A_288 = arith.select %ne3A_208, %gather3A_283, %get3A_287 : vector<16xi1>, vector<16xf32>
        %swap3A_289 = arith.constant 6 : i32
        %swap3A_290 = arith.index_cast %swap3A_289 : i32 to index
        %swap3A_291 = arith.index_cast %mul3A_203 : i32 to index
        %swap3A_292 = tpu.vector_load %arg16[%swap3A_290, %swap3A_291] {strides = array<i32>} : memref<33x256xf32, #tpu.memory_space<vmem>>, vector<16xf32>,
        tpu.vector_store %arg16[%swap3A_290, %swap3A_291], %select_n3A_288 {strides = array<i32>} : memref<33x256xf32, #tpu.memory_space<vmem>>, vector<16xf32>,
        %broadcast_in_dim3A_293 = arith.constant 7 : i32
        %broadcast_in_dim3A_294 = vector.broadcast %broadcast_in_dim3A_293 : i32 to vector<16xi32>
        %gather3A_295 = tpu.vector_load_idx %arg14[%add3A_210, %broadcast_in_dim3A_294] masked %ne3A_208 : memref<256x32xf32, #tpu.memory_space<vmem>>[vector<16xi32>, vector<16xi32>], vector<16xf32>, vector<16xi1>
        %get3A_296 = arith.constant 7 : i32
        %get3A_297 = arith.index_cast %get3A_296 : i32 to index
        %get3A_298 = arith.constant 0 : index
        %get3A_299 = tpu.vector_load %arg17[%get3A_297, %get3A_298] {strides = array<i32>} : memref<32x16xf32, #tpu.memory_space<vmem>>, vector<16xf32>,
        %select_n3A_300 = arith.select %ne3A_208, %gather3A_295, %get3A_299 : vector<16xi1>, vector<16xf32>
        %swap3A_301 = arith.constant 7 : i32
        %swap3A_302 = arith.index_cast %swap3A_301 : i32 to index
        %swap3A_303 = arith.index_cast %mul3A_203 : i32 to index
        %swap3A_304 = tpu.vector_load %arg16[%swap3A_302, %swap3A_303] {strides = array<i32>} : memref<33x256xf32, #tpu.memory_space<vmem>>, vector<16xf32>,
        tpu.vector_store %arg16[%swap3A_302, %swap3A_303], %select_n3A_300 {strides = array<i32>} : memref<33x256xf32, #tpu.memory_space<vmem>>, vector<16xf32>,
        %broadcast_in_dim3A_305 = arith.constant 8 : i32
        %broadcast_in_dim3A_306 = vector.broadcast %broadcast_in_dim3A_305 : i32 to vector<16xi32>
        %gather3A_307 = tpu.vector_load_idx %arg14[%add3A_210, %broadcast_in_dim3A_306] masked %ne3A_208 : memref<256x32xf32, #tpu.memory_space<vmem>>[vector<16xi32>, vector<16xi32>], vector<16xf32>, vector<16xi1>
        %get3A_308 = arith.constant 8 : i32
        %get3A_309 = arith.index_cast %get3A_308 : i32 to index
        %get3A_310 = arith.constant 0 : index
        %get3A_311 = tpu.vector_load %arg17[%get3A_309, %get3A_310] {strides = array<i32>} : memref<32x16xf32, #tpu.memory_space<vmem>>, vector<16xf32>,
        %select_n3A_312 = arith.select %ne3A_208, %gather3A_307, %get3A_311 : vector<16xi1>, vector<16xf32>
        %swap3A_313 = arith.constant 8 : i32
        %swap3A_314 = arith.index_cast %swap3A_313 : i32 to index
        %swap3A_315 = arith.index_cast %mul3A_203 : i32 to index
        %swap3A_316 = tpu.vector_load %arg16[%swap3A_314, %swap3A_315] {strides = array<i32>} : memref<33x256xf32, #tpu.memory_space<vmem>>, vector<16xf32>,
        tpu.vector_store %arg16[%swap3A_314, %swap3A_315], %select_n3A_312 {strides = array<i32>} : memref<33x256xf32, #tpu.memory_space<vmem>>, vector<16xf32>,
        %broadcast_in_dim3A_317 = arith.constant 9 : i32
        %broadcast_in_dim3A_318 = vector.broadcast %broadcast_in_dim3A_317 : i32 to vector<16xi32>
        %gather3A_319 = tpu.vector_load_idx %arg14[%add3A_210, %broadcast_in_dim3A_318] masked %ne3A_208 : memref<256x32xf32, #tpu.memory_space<vmem>>[vector<16xi32>, vector<16xi32>], vector<16xf32>, vector<16xi1>
        %get3A_320 = arith.constant 9 : i32
        %get3A_321 = arith.index_cast %get3A_320 : i32 to index
        %get3A_322 = arith.constant 0 : index
        %get3A_323 = tpu.vector_load %arg17[%get3A_321, %get3A_322] {strides = array<i32>} : memref<32x16xf32, #tpu.memory_space<vmem>>, vector<16xf32>,
        %select_n3A_324 = arith.select %ne3A_208, %gather3A_319, %get3A_323 : vector<16xi1>, vector<16xf32>
        %swap3A_325 = arith.constant 9 : i32
        %swap3A_326 = arith.index_cast %swap3A_325 : i32 to index
        %swap3A_327 = arith.index_cast %mul3A_203 : i32 to index
        %swap3A_328 = tpu.vector_load %arg16[%swap3A_326, %swap3A_327] {strides = array<i32>} : memref<33x256xf32, #tpu.memory_space<vmem>>, vector<16xf32>,
        tpu.vector_store %arg16[%swap3A_326, %swap3A_327], %select_n3A_324 {strides = array<i32>} : memref<33x256xf32, #tpu.memory_space<vmem>>, vector<16xf32>,
        %broadcast_in_dim3A_329 = arith.constant 10 : i32
        %broadcast_in_dim3A_330 = vector.broadcast %broadcast_in_dim3A_329 : i32 to vector<16xi32>
        %gather3A_331 = tpu.vector_load_idx %arg14[%add3A_210, %broadcast_in_dim3A_330] masked %ne3A_208 : memref<256x32xf32, #tpu.memory_space<vmem>>[vector<16xi32>, vector<16xi32>], vector<16xf32>, vector<16xi1>
        %get3A_332 = arith.constant 10 : i32
        %get3A_333 = arith.index_cast %get3A_332 : i32 to index
        %get3A_334 = arith.constant 0 : index
        %get3A_335 = tpu.vector_load %arg17[%get3A_333, %get3A_334] {strides = array<i32>} : memref<32x16xf32, #tpu.memory_space<vmem>>, vector<16xf32>,
        %select_n3A_336 = arith.select %ne3A_208, %gather3A_331, %get3A_335 : vector<16xi1>, vector<16xf32>
        %swap3A_337 = arith.constant 10 : i32
        %swap3A_338 = arith.index_cast %swap3A_337 : i32 to index
        %swap3A_339 = arith.index_cast %mul3A_203 : i32 to index
        %swap3A_340 = tpu.vector_load %arg16[%swap3A_338, %swap3A_339] {strides = array<i32>} : memref<33x256xf32, #tpu.memory_space<vmem>>, vector<16xf32>,
        tpu.vector_store %arg16[%swap3A_338, %swap3A_339], %select_n3A_336 {strides = array<i32>} : memref<33x256xf32, #tpu.memory_space<vmem>>, vector<16xf32>,
        %broadcast_in_dim3A_341 = arith.constant 11 : i32
        %broadcast_in_dim3A_342 = vector.broadcast %broadcast_in_dim3A_341 : i32 to vector<16xi32>
        %gather3A_343 = tpu.vector_load_idx %arg14[%add3A_210, %broadcast_in_dim3A_342] masked %ne3A_208 : memref<256x32xf32, #tpu.memory_space<vmem>>[vector<16xi32>, vector<16xi32>], vector<16xf32>, vector<16xi1>
        %get3A_344 = arith.constant 11 : i32
        %get3A_345 = arith.index_cast %get3A_344 : i32 to index
        %get3A_346 = arith.constant 0 : index
        %get3A_347 = tpu.vector_load %arg17[%get3A_345, %get3A_346] {strides = array<i32>} : memref<32x16xf32, #tpu.memory_space<vmem>>, vector<16xf32>,
        %select_n3A_348 = arith.select %ne3A_208, %gather3A_343, %get3A_347 : vector<16xi1>, vector<16xf32>
        %swap3A_349 = arith.constant 11 : i32
        %swap3A_350 = arith.index_cast %swap3A_349 : i32 to index
        %swap3A_351 = arith.index_cast %mul3A_203 : i32 to index
        %swap3A_352 = tpu.vector_load %arg16[%swap3A_350, %swap3A_351] {strides = array<i32>} : memref<33x256xf32, #tpu.memory_space<vmem>>, vector<16xf32>,
        tpu.vector_store %arg16[%swap3A_350, %swap3A_351], %select_n3A_348 {strides = array<i32>} : memref<33x256xf32, #tpu.memory_space<vmem>>, vector<16xf32>,
        %broadcast_in_dim3A_353 = arith.constant 12 : i32
        %broadcast_in_dim3A_354 = vector.broadcast %broadcast_in_dim3A_353 : i32 to vector<16xi32>
        %gather3A_355 = tpu.vector_load_idx %arg14[%add3A_210, %broadcast_in_dim3A_354] masked %ne3A_208 : memref<256x32xf32, #tpu.memory_space<vmem>>[vector<16xi32>, vector<16xi32>], vector<16xf32>, vector<16xi1>
        %get3A_356 = arith.constant 12 : i32
        %get3A_357 = arith.index_cast %get3A_356 : i32 to index
        %get3A_358 = arith.constant 0 : index
        %get3A_359 = tpu.vector_load %arg17[%get3A_357, %get3A_358] {strides = array<i32>} : memref<32x16xf32, #tpu.memory_space<vmem>>, vector<16xf32>,
        %select_n3A_360 = arith.select %ne3A_208, %gather3A_355, %get3A_359 : vector<16xi1>, vector<16xf32>
        %swap3A_361 = arith.constant 12 : i32
        %swap3A_362 = arith.index_cast %swap3A_361 : i32 to index
        %swap3A_363 = arith.index_cast %mul3A_203 : i32 to index
        %swap3A_364 = tpu.vector_load %arg16[%swap3A_362, %swap3A_363] {strides = array<i32>} : memref<33x256xf32, #tpu.memory_space<vmem>>, vector<16xf32>,
        tpu.vector_store %arg16[%swap3A_362, %swap3A_363], %select_n3A_360 {strides = array<i32>} : memref<33x256xf32, #tpu.memory_space<vmem>>, vector<16xf32>,
        %broadcast_in_dim3A_365 = arith.constant 13 : i32
        %broadcast_in_dim3A_366 = vector.broadcast %broadcast_in_dim3A_365 : i32 to vector<16xi32>
        %gather3A_367 = tpu.vector_load_idx %arg14[%add3A_210, %broadcast_in_dim3A_366] masked %ne3A_208 : memref<256x32xf32, #tpu.memory_space<vmem>>[vector<16xi32>, vector<16xi32>], vector<16xf32>, vector<16xi1>
        %get3A_368 = arith.constant 13 : i32
        %get3A_369 = arith.index_cast %get3A_368 : i32 to index
        %get3A_370 = arith.constant 0 : index
        %get3A_371 = tpu.vector_load %arg17[%get3A_369, %get3A_370] {strides = array<i32>} : memref<32x16xf32, #tpu.memory_space<vmem>>, vector<16xf32>,
        %select_n3A_372 = arith.select %ne3A_208, %gather3A_367, %get3A_371 : vector<16xi1>, vector<16xf32>
        %swap3A_373 = arith.constant 13 : i32
        %swap3A_374 = arith.index_cast %swap3A_373 : i32 to index
        %swap3A_375 = arith.index_cast %mul3A_203 : i32 to index
        %swap3A_376 = tpu.vector_load %arg16[%swap3A_374, %swap3A_375] {strides = array<i32>} : memref<33x256xf32, #tpu.memory_space<vmem>>, vector<16xf32>,
        tpu.vector_store %arg16[%swap3A_374, %swap3A_375], %select_n3A_372 {strides = array<i32>} : memref<33x256xf32, #tpu.memory_space<vmem>>, vector<16xf32>,
        %broadcast_in_dim3A_377 = arith.constant 14 : i32
        %broadcast_in_dim3A_378 = vector.broadcast %broadcast_in_dim3A_377 : i32 to vector<16xi32>
        %gather3A_379 = tpu.vector_load_idx %arg14[%add3A_210, %broadcast_in_dim3A_378] masked %ne3A_208 : memref<256x32xf32, #tpu.memory_space<vmem>>[vector<16xi32>, vector<16xi32>], vector<16xf32>, vector<16xi1>
        %get3A_380 = arith.constant 14 : i32
        %get3A_381 = arith.index_cast %get3A_380 : i32 to index
        %get3A_382 = arith.constant 0 : index
        %get3A_383 = tpu.vector_load %arg17[%get3A_381, %get3A_382] {strides = array<i32>} : memref<32x16xf32, #tpu.memory_space<vmem>>, vector<16xf32>,
        %select_n3A_384 = arith.select %ne3A_208, %gather3A_379, %get3A_383 : vector<16xi1>, vector<16xf32>
        %swap3A_385 = arith.constant 14 : i32
        %swap3A_386 = arith.index_cast %swap3A_385 : i32 to index
        %swap3A_387 = arith.index_cast %mul3A_203 : i32 to index
        %swap3A_388 = tpu.vector_load %arg16[%swap3A_386, %swap3A_387] {strides = array<i32>} : memref<33x256xf32, #tpu.memory_space<vmem>>, vector<16xf32>,
        tpu.vector_store %arg16[%swap3A_386, %swap3A_387], %select_n3A_384 {strides = array<i32>} : memref<33x256xf32, #tpu.memory_space<vmem>>, vector<16xf32>,
        %broadcast_in_dim3A_389 = arith.constant 15 : i32
        %broadcast_in_dim3A_390 = vector.broadcast %broadcast_in_dim3A_389 : i32 to vector<16xi32>
        %gather3A_391 = tpu.vector_load_idx %arg14[%add3A_210, %broadcast_in_dim3A_390] masked %ne3A_208 : memref<256x32xf32, #tpu.memory_space<vmem>>[vector<16xi32>, vector<16xi32>], vector<16xf32>, vector<16xi1>
        %get3A_392 = arith.constant 15 : i32
        %get3A_393 = arith.index_cast %get3A_392 : i32 to index
        %get3A_394 = arith.constant 0 : index
        %get3A_395 = tpu.vector_load %arg17[%get3A_393, %get3A_394] {strides = array<i32>} : memref<32x16xf32, #tpu.memory_space<vmem>>, vector<16xf32>,
        %select_n3A_396 = arith.select %ne3A_208, %gather3A_391, %get3A_395 : vector<16xi1>, vector<16xf32>
        %swap3A_397 = arith.constant 15 : i32
        %swap3A_398 = arith.index_cast %swap3A_397 : i32 to index
        %swap3A_399 = arith.index_cast %mul3A_203 : i32 to index
        %swap3A_400 = tpu.vector_load %arg16[%swap3A_398, %swap3A_399] {strides = array<i32>} : memref<33x256xf32, #tpu.memory_space<vmem>>, vector<16xf32>,
        tpu.vector_store %arg16[%swap3A_398, %swap3A_399], %select_n3A_396 {strides = array<i32>} : memref<33x256xf32, #tpu.memory_space<vmem>>, vector<16xf32>,
        %broadcast_in_dim3A_401 = arith.constant 16 : i32
        %broadcast_in_dim3A_402 = vector.broadcast %broadcast_in_dim3A_401 : i32 to vector<16xi32>
        %gather3A_403 = tpu.vector_load_idx %arg14[%add3A_210, %broadcast_in_dim3A_402] masked %ne3A_208 : memref<256x32xf32, #tpu.memory_space<vmem>>[vector<16xi32>, vector<16xi32>], vector<16xf32>, vector<16xi1>
        %get3A_404 = arith.constant 16 : i32
        %get3A_405 = arith.index_cast %get3A_404 : i32 to index
        %get3A_406 = arith.constant 0 : index
        %get3A_407 = tpu.vector_load %arg17[%get3A_405, %get3A_406] {strides = array<i32>} : memref<32x16xf32, #tpu.memory_space<vmem>>, vector<16xf32>,
        %select_n3A_408 = arith.select %ne3A_208, %gather3A_403, %get3A_407 : vector<16xi1>, vector<16xf32>
        %swap3A_409 = arith.constant 16 : i32
        %swap3A_410 = arith.index_cast %swap3A_409 : i32 to index
        %swap3A_411 = arith.index_cast %mul3A_203 : i32 to index
        %swap3A_412 = tpu.vector_load %arg16[%swap3A_410, %swap3A_411] {strides = array<i32>} : memref<33x256xf32, #tpu.memory_space<vmem>>, vector<16xf32>,
        tpu.vector_store %arg16[%swap3A_410, %swap3A_411], %select_n3A_408 {strides = array<i32>} : memref<33x256xf32, #tpu.memory_space<vmem>>, vector<16xf32>,
        %broadcast_in_dim3A_413 = arith.constant 17 : i32
        %broadcast_in_dim3A_414 = vector.broadcast %broadcast_in_dim3A_413 : i32 to vector<16xi32>
        %gather3A_415 = tpu.vector_load_idx %arg14[%add3A_210, %broadcast_in_dim3A_414] masked %ne3A_208 : memref<256x32xf32, #tpu.memory_space<vmem>>[vector<16xi32>, vector<16xi32>], vector<16xf32>, vector<16xi1>
        %get3A_416 = arith.constant 17 : i32
        %get3A_417 = arith.index_cast %get3A_416 : i32 to index
        %get3A_418 = arith.constant 0 : index
        %get3A_419 = tpu.vector_load %arg17[%get3A_417, %get3A_418] {strides = array<i32>} : memref<32x16xf32, #tpu.memory_space<vmem>>, vector<16xf32>,
        %select_n3A_420 = arith.select %ne3A_208, %gather3A_415, %get3A_419 : vector<16xi1>, vector<16xf32>
        %swap3A_421 = arith.constant 17 : i32
        %swap3A_422 = arith.index_cast %swap3A_421 : i32 to index
        %swap3A_423 = arith.index_cast %mul3A_203 : i32 to index
        %swap3A_424 = tpu.vector_load %arg16[%swap3A_422, %swap3A_423] {strides = array<i32>} : memref<33x256xf32, #tpu.memory_space<vmem>>, vector<16xf32>,
        tpu.vector_store %arg16[%swap3A_422, %swap3A_423], %select_n3A_420 {strides = array<i32>} : memref<33x256xf32, #tpu.memory_space<vmem>>, vector<16xf32>,
        %broadcast_in_dim3A_425 = arith.constant 18 : i32
        %broadcast_in_dim3A_426 = vector.broadcast %broadcast_in_dim3A_425 : i32 to vector<16xi32>
        %gather3A_427 = tpu.vector_load_idx %arg14[%add3A_210, %broadcast_in_dim3A_426] masked %ne3A_208 : memref<256x32xf32, #tpu.memory_space<vmem>>[vector<16xi32>, vector<16xi32>], vector<16xf32>, vector<16xi1>
        %get3A_428 = arith.constant 18 : i32
        %get3A_429 = arith.index_cast %get3A_428 : i32 to index
        %get3A_430 = arith.constant 0 : index
        %get3A_431 = tpu.vector_load %arg17[%get3A_429, %get3A_430] {strides = array<i32>} : memref<32x16xf32, #tpu.memory_space<vmem>>, vector<16xf32>,
        %select_n3A_432 = arith.select %ne3A_208, %gather3A_427, %get3A_431 : vector<16xi1>, vector<16xf32>
        %swap3A_433 = arith.constant 18 : i32
        %swap3A_434 = arith.index_cast %swap3A_433 : i32 to index
        %swap3A_435 = arith.index_cast %mul3A_203 : i32 to index
        %swap3A_436 = tpu.vector_load %arg16[%swap3A_434, %swap3A_435] {strides = array<i32>} : memref<33x256xf32, #tpu.memory_space<vmem>>, vector<16xf32>,
        tpu.vector_store %arg16[%swap3A_434, %swap3A_435], %select_n3A_432 {strides = array<i32>} : memref<33x256xf32, #tpu.memory_space<vmem>>, vector<16xf32>,
        %broadcast_in_dim3A_437 = arith.constant 19 : i32
        %broadcast_in_dim3A_438 = vector.broadcast %broadcast_in_dim3A_437 : i32 to vector<16xi32>
        %gather3A_439 = tpu.vector_load_idx %arg14[%add3A_210, %broadcast_in_dim3A_438] masked %ne3A_208 : memref<256x32xf32, #tpu.memory_space<vmem>>[vector<16xi32>, vector<16xi32>], vector<16xf32>, vector<16xi1>
        %get3A_440 = arith.constant 19 : i32
        %get3A_441 = arith.index_cast %get3A_440 : i32 to index
        %get3A_442 = arith.constant 0 : index
        %get3A_443 = tpu.vector_load %arg17[%get3A_441, %get3A_442] {strides = array<i32>} : memref<32x16xf32, #tpu.memory_space<vmem>>, vector<16xf32>,
        %select_n3A_444 = arith.select %ne3A_208, %gather3A_439, %get3A_443 : vector<16xi1>, vector<16xf32>
        %swap3A_445 = arith.constant 19 : i32
        %swap3A_446 = arith.index_cast %swap3A_445 : i32 to index
        %swap3A_447 = arith.index_cast %mul3A_203 : i32 to index
        %swap3A_448 = tpu.vector_load %arg16[%swap3A_446, %swap3A_447] {strides = array<i32>} : memref<33x256xf32, #tpu.memory_space<vmem>>, vector<16xf32>,
        tpu.vector_store %arg16[%swap3A_446, %swap3A_447], %select_n3A_444 {strides = array<i32>} : memref<33x256xf32, #tpu.memory_space<vmem>>, vector<16xf32>,
        %broadcast_in_dim3A_449 = arith.constant 20 : i32
        %broadcast_in_dim3A_450 = vector.broadcast %broadcast_in_dim3A_449 : i32 to vector<16xi32>
        %gather3A_451 = tpu.vector_load_idx %arg14[%add3A_210, %broadcast_in_dim3A_450] masked %ne3A_208 : memref<256x32xf32, #tpu.memory_space<vmem>>[vector<16xi32>, vector<16xi32>], vector<16xf32>, vector<16xi1>
        %get3A_452 = arith.constant 20 : i32
        %get3A_453 = arith.index_cast %get3A_452 : i32 to index
        %get3A_454 = arith.constant 0 : index
        %get3A_455 = tpu.vector_load %arg17[%get3A_453, %get3A_454] {strides = array<i32>} : memref<32x16xf32, #tpu.memory_space<vmem>>, vector<16xf32>,
        %select_n3A_456 = arith.select %ne3A_208, %gather3A_451, %get3A_455 : vector<16xi1>, vector<16xf32>
        %swap3A_457 = arith.constant 20 : i32
        %swap3A_458 = arith.index_cast %swap3A_457 : i32 to index
        %swap3A_459 = arith.index_cast %mul3A_203 : i32 to index
        %swap3A_460 = tpu.vector_load %arg16[%swap3A_458, %swap3A_459] {strides = array<i32>} : memref<33x256xf32, #tpu.memory_space<vmem>>, vector<16xf32>,
        tpu.vector_store %arg16[%swap3A_458, %swap3A_459], %select_n3A_456 {strides = array<i32>} : memref<33x256xf32, #tpu.memory_space<vmem>>, vector<16xf32>,
        %broadcast_in_dim3A_461 = arith.constant 21 : i32
        %broadcast_in_dim3A_462 = vector.broadcast %broadcast_in_dim3A_461 : i32 to vector<16xi32>
        %gather3A_463 = tpu.vector_load_idx %arg14[%add3A_210, %broadcast_in_dim3A_462] masked %ne3A_208 : memref<256x32xf32, #tpu.memory_space<vmem>>[vector<16xi32>, vector<16xi32>], vector<16xf32>, vector<16xi1>
        %get3A_464 = arith.constant 21 : i32
        %get3A_465 = arith.index_cast %get3A_464 : i32 to index
        %get3A_466 = arith.constant 0 : index
        %get3A_467 = tpu.vector_load %arg17[%get3A_465, %get3A_466] {strides = array<i32>} : memref<32x16xf32, #tpu.memory_space<vmem>>, vector<16xf32>,
        %select_n3A_468 = arith.select %ne3A_208, %gather3A_463, %get3A_467 : vector<16xi1>, vector<16xf32>
        %swap3A_469 = arith.constant 21 : i32
        %swap3A_470 = arith.index_cast %swap3A_469 : i32 to index
        %swap3A_471 = arith.index_cast %mul3A_203 : i32 to index
        %swap3A_472 = tpu.vector_load %arg16[%swap3A_470, %swap3A_471] {strides = array<i32>} : memref<33x256xf32, #tpu.memory_space<vmem>>, vector<16xf32>,
        tpu.vector_store %arg16[%swap3A_470, %swap3A_471], %select_n3A_468 {strides = array<i32>} : memref<33x256xf32, #tpu.memory_space<vmem>>, vector<16xf32>,
        %broadcast_in_dim3A_473 = arith.constant 22 : i32
        %broadcast_in_dim3A_474 = vector.broadcast %broadcast_in_dim3A_473 : i32 to vector<16xi32>
        %gather3A_475 = tpu.vector_load_idx %arg14[%add3A_210, %broadcast_in_dim3A_474] masked %ne3A_208 : memref<256x32xf32, #tpu.memory_space<vmem>>[vector<16xi32>, vector<16xi32>], vector<16xf32>, vector<16xi1>
        %get3A_476 = arith.constant 22 : i32
        %get3A_477 = arith.index_cast %get3A_476 : i32 to index
        %get3A_478 = arith.constant 0 : index
        %get3A_479 = tpu.vector_load %arg17[%get3A_477, %get3A_478] {strides = array<i32>} : memref<32x16xf32, #tpu.memory_space<vmem>>, vector<16xf32>,
        %select_n3A_480 = arith.select %ne3A_208, %gather3A_475, %get3A_479 : vector<16xi1>, vector<16xf32>
        %swap3A_481 = arith.constant 22 : i32
        %swap3A_482 = arith.index_cast %swap3A_481 : i32 to index
        %swap3A_483 = arith.index_cast %mul3A_203 : i32 to index
        %swap3A_484 = tpu.vector_load %arg16[%swap3A_482, %swap3A_483] {strides = array<i32>} : memref<33x256xf32, #tpu.memory_space<vmem>>, vector<16xf32>,
        tpu.vector_store %arg16[%swap3A_482, %swap3A_483], %select_n3A_480 {strides = array<i32>} : memref<33x256xf32, #tpu.memory_space<vmem>>, vector<16xf32>,
        %broadcast_in_dim3A_485 = arith.constant 23 : i32
        %broadcast_in_dim3A_486 = vector.broadcast %broadcast_in_dim3A_485 : i32 to vector<16xi32>
        %gather3A_487 = tpu.vector_load_idx %arg14[%add3A_210, %broadcast_in_dim3A_486] masked %ne3A_208 : memref<256x32xf32, #tpu.memory_space<vmem>>[vector<16xi32>, vector<16xi32>], vector<16xf32>, vector<16xi1>
        %get3A_488 = arith.constant 23 : i32
        %get3A_489 = arith.index_cast %get3A_488 : i32 to index
        %get3A_490 = arith.constant 0 : index
        %get3A_491 = tpu.vector_load %arg17[%get3A_489, %get3A_490] {strides = array<i32>} : memref<32x16xf32, #tpu.memory_space<vmem>>, vector<16xf32>,
        %select_n3A_492 = arith.select %ne3A_208, %gather3A_487, %get3A_491 : vector<16xi1>, vector<16xf32>
        %swap3A_493 = arith.constant 23 : i32
        %swap3A_494 = arith.index_cast %swap3A_493 : i32 to index
        %swap3A_495 = arith.index_cast %mul3A_203 : i32 to index
        %swap3A_496 = tpu.vector_load %arg16[%swap3A_494, %swap3A_495] {strides = array<i32>} : memref<33x256xf32, #tpu.memory_space<vmem>>, vector<16xf32>,
        tpu.vector_store %arg16[%swap3A_494, %swap3A_495], %select_n3A_492 {strides = array<i32>} : memref<33x256xf32, #tpu.memory_space<vmem>>, vector<16xf32>,
        %broadcast_in_dim3A_497 = arith.constant 24 : i32
        %broadcast_in_dim3A_498 = vector.broadcast %broadcast_in_dim3A_497 : i32 to vector<16xi32>
        %gather3A_499 = tpu.vector_load_idx %arg14[%add3A_210, %broadcast_in_dim3A_498] masked %ne3A_208 : memref<256x32xf32, #tpu.memory_space<vmem>>[vector<16xi32>, vector<16xi32>], vector<16xf32>, vector<16xi1>
        %get3A_500 = arith.constant 24 : i32
        %get3A_501 = arith.index_cast %get3A_500 : i32 to index
        %get3A_502 = arith.constant 0 : index
        %get3A_503 = tpu.vector_load %arg17[%get3A_501, %get3A_502] {strides = array<i32>} : memref<32x16xf32, #tpu.memory_space<vmem>>, vector<16xf32>,
        %select_n3A_504 = arith.select %ne3A_208, %gather3A_499, %get3A_503 : vector<16xi1>, vector<16xf32>
        %swap3A_505 = arith.constant 24 : i32
        %swap3A_506 = arith.index_cast %swap3A_505 : i32 to index
        %swap3A_507 = arith.index_cast %mul3A_203 : i32 to index
        %swap3A_508 = tpu.vector_load %arg16[%swap3A_506, %swap3A_507] {strides = array<i32>} : memref<33x256xf32, #tpu.memory_space<vmem>>, vector<16xf32>,
        tpu.vector_store %arg16[%swap3A_506, %swap3A_507], %select_n3A_504 {strides = array<i32>} : memref<33x256xf32, #tpu.memory_space<vmem>>, vector<16xf32>,
        %broadcast_in_dim3A_509 = arith.constant 25 : i32
        %broadcast_in_dim3A_510 = vector.broadcast %broadcast_in_dim3A_509 : i32 to vector<16xi32>
        %gather3A_511 = tpu.vector_load_idx %arg14[%add3A_210, %broadcast_in_dim3A_510] masked %ne3A_208 : memref<256x32xf32, #tpu.memory_space<vmem>>[vector<16xi32>, vector<16xi32>], vector<16xf32>, vector<16xi1>
        %get3A_512 = arith.constant 25 : i32
        %get3A_513 = arith.index_cast %get3A_512 : i32 to index
        %get3A_514 = arith.constant 0 : index
        %get3A_515 = tpu.vector_load %arg17[%get3A_513, %get3A_514] {strides = array<i32>} : memref<32x16xf32, #tpu.memory_space<vmem>>, vector<16xf32>,
        %select_n3A_516 = arith.select %ne3A_208, %gather3A_511, %get3A_515 : vector<16xi1>, vector<16xf32>
        %swap3A_517 = arith.constant 25 : i32
        %swap3A_518 = arith.index_cast %swap3A_517 : i32 to index
        %swap3A_519 = arith.index_cast %mul3A_203 : i32 to index
        %swap3A_520 = tpu.vector_load %arg16[%swap3A_518, %swap3A_519] {strides = array<i32>} : memref<33x256xf32, #tpu.memory_space<vmem>>, vector<16xf32>,
        tpu.vector_store %arg16[%swap3A_518, %swap3A_519], %select_n3A_516 {strides = array<i32>} : memref<33x256xf32, #tpu.memory_space<vmem>>, vector<16xf32>,
        %broadcast_in_dim3A_521 = arith.constant 26 : i32
        %broadcast_in_dim3A_522 = vector.broadcast %broadcast_in_dim3A_521 : i32 to vector<16xi32>
        %gather3A_523 = tpu.vector_load_idx %arg14[%add3A_210, %broadcast_in_dim3A_522] masked %ne3A_208 : memref<256x32xf32, #tpu.memory_space<vmem>>[vector<16xi32>, vector<16xi32>], vector<16xf32>, vector<16xi1>
        %get3A_524 = arith.constant 26 : i32
        %get3A_525 = arith.index_cast %get3A_524 : i32 to index
        %get3A_526 = arith.constant 0 : index
        %get3A_527 = tpu.vector_load %arg17[%get3A_525, %get3A_526] {strides = array<i32>} : memref<32x16xf32, #tpu.memory_space<vmem>>, vector<16xf32>,
        %select_n3A_528 = arith.select %ne3A_208, %gather3A_523, %get3A_527 : vector<16xi1>, vector<16xf32>
        %swap3A_529 = arith.constant 26 : i32
        %swap3A_530 = arith.index_cast %swap3A_529 : i32 to index
        %swap3A_531 = arith.index_cast %mul3A_203 : i32 to index
        %swap3A_532 = tpu.vector_load %arg16[%swap3A_530, %swap3A_531] {strides = array<i32>} : memref<33x256xf32, #tpu.memory_space<vmem>>, vector<16xf32>,
        tpu.vector_store %arg16[%swap3A_530, %swap3A_531], %select_n3A_528 {strides = array<i32>} : memref<33x256xf32, #tpu.memory_space<vmem>>, vector<16xf32>,
        %broadcast_in_dim3A_533 = arith.constant 27 : i32
        %broadcast_in_dim3A_534 = vector.broadcast %broadcast_in_dim3A_533 : i32 to vector<16xi32>
        %gather3A_535 = tpu.vector_load_idx %arg14[%add3A_210, %broadcast_in_dim3A_534] masked %ne3A_208 : memref<256x32xf32, #tpu.memory_space<vmem>>[vector<16xi32>, vector<16xi32>], vector<16xf32>, vector<16xi1>
        %get3A_536 = arith.constant 27 : i32
        %get3A_537 = arith.index_cast %get3A_536 : i32 to index
        %get3A_538 = arith.constant 0 : index
        %get3A_539 = tpu.vector_load %arg17[%get3A_537, %get3A_538] {strides = array<i32>} : memref<32x16xf32, #tpu.memory_space<vmem>>, vector<16xf32>,
        %select_n3A_540 = arith.select %ne3A_208, %gather3A_535, %get3A_539 : vector<16xi1>, vector<16xf32>
        %swap3A_541 = arith.constant 27 : i32
        %swap3A_542 = arith.index_cast %swap3A_541 : i32 to index
        %swap3A_543 = arith.index_cast %mul3A_203 : i32 to index
        %swap3A_544 = tpu.vector_load %arg16[%swap3A_542, %swap3A_543] {strides = array<i32>} : memref<33x256xf32, #tpu.memory_space<vmem>>, vector<16xf32>,
        tpu.vector_store %arg16[%swap3A_542, %swap3A_543], %select_n3A_540 {strides = array<i32>} : memref<33x256xf32, #tpu.memory_space<vmem>>, vector<16xf32>,
        %broadcast_in_dim3A_545 = arith.constant 28 : i32
        %broadcast_in_dim3A_546 = vector.broadcast %broadcast_in_dim3A_545 : i32 to vector<16xi32>
        %gather3A_547 = tpu.vector_load_idx %arg14[%add3A_210, %broadcast_in_dim3A_546] masked %ne3A_208 : memref<256x32xf32, #tpu.memory_space<vmem>>[vector<16xi32>, vector<16xi32>], vector<16xf32>, vector<16xi1>
        %get3A_548 = arith.constant 28 : i32
        %get3A_549 = arith.index_cast %get3A_548 : i32 to index
        %get3A_550 = arith.constant 0 : index
        %get3A_551 = tpu.vector_load %arg17[%get3A_549, %get3A_550] {strides = array<i32>} : memref<32x16xf32, #tpu.memory_space<vmem>>, vector<16xf32>,
        %select_n3A_552 = arith.select %ne3A_208, %gather3A_547, %get3A_551 : vector<16xi1>, vector<16xf32>
        %swap3A_553 = arith.constant 28 : i32
        %swap3A_554 = arith.index_cast %swap3A_553 : i32 to index
        %swap3A_555 = arith.index_cast %mul3A_203 : i32 to index
        %swap3A_556 = tpu.vector_load %arg16[%swap3A_554, %swap3A_555] {strides = array<i32>} : memref<33x256xf32, #tpu.memory_space<vmem>>, vector<16xf32>,
        tpu.vector_store %arg16[%swap3A_554, %swap3A_555], %select_n3A_552 {strides = array<i32>} : memref<33x256xf32, #tpu.memory_space<vmem>>, vector<16xf32>,
        %broadcast_in_dim3A_557 = arith.constant 29 : i32
        %broadcast_in_dim3A_558 = vector.broadcast %broadcast_in_dim3A_557 : i32 to vector<16xi32>
        %gather3A_559 = tpu.vector_load_idx %arg14[%add3A_210, %broadcast_in_dim3A_558] masked %ne3A_208 : memref<256x32xf32, #tpu.memory_space<vmem>>[vector<16xi32>, vector<16xi32>], vector<16xf32>, vector<16xi1>
        %get3A_560 = arith.constant 29 : i32
        %get3A_561 = arith.index_cast %get3A_560 : i32 to index
        %get3A_562 = arith.constant 0 : index
        %get3A_563 = tpu.vector_load %arg17[%get3A_561, %get3A_562] {strides = array<i32>} : memref<32x16xf32, #tpu.memory_space<vmem>>, vector<16xf32>,
        %select_n3A_564 = arith.select %ne3A_208, %gather3A_559, %get3A_563 : vector<16xi1>, vector<16xf32>
        %swap3A_565 = arith.constant 29 : i32
        %swap3A_566 = arith.index_cast %swap3A_565 : i32 to index
        %swap3A_567 = arith.index_cast %mul3A_203 : i32 to index
        %swap3A_568 = tpu.vector_load %arg16[%swap3A_566, %swap3A_567] {strides = array<i32>} : memref<33x256xf32, #tpu.memory_space<vmem>>, vector<16xf32>,
        tpu.vector_store %arg16[%swap3A_566, %swap3A_567], %select_n3A_564 {strides = array<i32>} : memref<33x256xf32, #tpu.memory_space<vmem>>, vector<16xf32>,
        %broadcast_in_dim3A_569 = arith.constant 30 : i32
        %broadcast_in_dim3A_570 = vector.broadcast %broadcast_in_dim3A_569 : i32 to vector<16xi32>
        %gather3A_571 = tpu.vector_load_idx %arg14[%add3A_210, %broadcast_in_dim3A_570] masked %ne3A_208 : memref<256x32xf32, #tpu.memory_space<vmem>>[vector<16xi32>, vector<16xi32>], vector<16xf32>, vector<16xi1>
        %get3A_572 = arith.constant 30 : i32
        %get3A_573 = arith.index_cast %get3A_572 : i32 to index
        %get3A_574 = arith.constant 0 : index
        %get3A_575 = tpu.vector_load %arg17[%get3A_573, %get3A_574] {strides = array<i32>} : memref<32x16xf32, #tpu.memory_space<vmem>>, vector<16xf32>,
        %select_n3A_576 = arith.select %ne3A_208, %gather3A_571, %get3A_575 : vector<16xi1>, vector<16xf32>
        %swap3A_577 = arith.constant 30 : i32
        %swap3A_578 = arith.index_cast %swap3A_577 : i32 to index
        %swap3A_579 = arith.index_cast %mul3A_203 : i32 to index
        %swap3A_580 = tpu.vector_load %arg16[%swap3A_578, %swap3A_579] {strides = array<i32>} : memref<33x256xf32, #tpu.memory_space<vmem>>, vector<16xf32>,
        tpu.vector_store %arg16[%swap3A_578, %swap3A_579], %select_n3A_576 {strides = array<i32>} : memref<33x256xf32, #tpu.memory_space<vmem>>, vector<16xf32>,
        %broadcast_in_dim3A_581 = arith.constant 31 : i32
        %broadcast_in_dim3A_582 = vector.broadcast %broadcast_in_dim3A_581 : i32 to vector<16xi32>
        %gather3A_583 = tpu.vector_load_idx %arg14[%add3A_210, %broadcast_in_dim3A_582] masked %ne3A_208 : memref<256x32xf32, #tpu.memory_space<vmem>>[vector<16xi32>, vector<16xi32>], vector<16xf32>, vector<16xi1>
        %get3A_584 = arith.constant 31 : i32
        %get3A_585 = arith.index_cast %get3A_584 : i32 to index
        %get3A_586 = arith.constant 0 : index
        %get3A_587 = tpu.vector_load %arg17[%get3A_585, %get3A_586] {strides = array<i32>} : memref<32x16xf32, #tpu.memory_space<vmem>>, vector<16xf32>,
        %select_n3A_588 = arith.select %ne3A_208, %gather3A_583, %get3A_587 : vector<16xi1>, vector<16xf32>
        %swap3A_589 = arith.constant 31 : i32
        %swap3A_590 = arith.index_cast %swap3A_589 : i32 to index
        %swap3A_591 = arith.index_cast %mul3A_203 : i32 to index
        %swap3A_592 = tpu.vector_load %arg16[%swap3A_590, %swap3A_591] {strides = array<i32>} : memref<33x256xf32, #tpu.memory_space<vmem>>, vector<16xf32>,
        tpu.vector_store %arg16[%swap3A_590, %swap3A_591], %select_n3A_588 {strides = array<i32>} : memref<33x256xf32, #tpu.memory_space<vmem>>, vector<16xf32>,
        %jit3A_593 = arith.constant 1.000000e+00 : f32
        %jit3A_594 = arith.constant 0.000000e+00 : f32
        %broadcast_in_dim3A_595 = vector.broadcast %jit3A_593 : f32 to vector<16xf32>
        %broadcast_in_dim3A_596 = vector.broadcast %jit3A_594 : f32 to vector<16xf32>
        %select_n3A_597 = arith.select %ne3A_208, %broadcast_in_dim3A_595, %broadcast_in_dim3A_596 : vector<16xi1>, vector<16xf32>
        %swap3A_598 = arith.constant 32 : i32
        %swap3A_599 = arith.index_cast %swap3A_598 : i32 to index
        %swap3A_600 = arith.index_cast %mul3A_203 : i32 to index
        %swap3A_601 = tpu.vector_load %arg16[%swap3A_599, %swap3A_600] {strides = array<i32>} : memref<33x256xf32, #tpu.memory_space<vmem>>, vector<16xf32>,
        tpu.vector_store %arg16[%swap3A_599, %swap3A_600], %select_n3A_597 {strides = array<i32>} : memref<33x256xf32, #tpu.memory_space<vmem>>, vector<16xf32>,
        %scan3A_602 = arith.constant 0 : i32
        scf.yield %scan3A_602 : i32
      }
      %scan3A_189 = arith.constant 16 : i32
      %mul3A_190 = arith.constant 256 : i32
      %mul3A_191 = arith.muli %add3A_74, %mul3A_190 : i32
      %add3A_192 = arith.addi %mul3A_32, %mul3A_191 : i32
      %dma_start3A_193 = arith.constant 0 : i32
      %dma_start3A_194 = tpu.memref_slice %arg6[%select_n3A, %dma_start3A_193, %add3A_192] : memref<4x33x262144xf32, #tpu.memory_space<hbm>> -> memref<1x33x256xf32, #tpu.memory_space<hbm>>
      %dma_start3A_195 = tpu.memref_squeeze %dma_start3A_194 : memref<1x33x256xf32, #tpu.memory_space<hbm>> -> memref<33x256xf32, #tpu.memory_space<hbm>>
      %dma_start3A_196 = arith.constant 0 : i32
      %dma_start3A_197 = tpu.memref_slice %arg6[%select_n3A, %dma_start3A_196, %add3A_192] : memref<4x33x262144xf32, #tpu.memory_space<hbm>> -> memref<1x33x256xf32, #tpu.memory_space<hbm>>
      %dma_start3A_198 = tpu.memref_squeeze %dma_start3A_197 : memref<1x33x256xf32, #tpu.memory_space<hbm>> -> memref<33x256xf32, #tpu.memory_space<hbm>>
      tpu.enqueue_dma source(%arg16 : memref<33x256xf32, #tpu.memory_space<vmem>>) target(%dma_start3A_198 : memref<33x256xf32, #tpu.memory_space<hbm>>) target_semaphore(%arg21 : memref<!tpu.dma_semaphore, #tpu.memory_space<semaphore_mem>>)
      %scan3A_199 = arith.constant 0 : i32
      scf.yield %scan3A_199 : i32
    }
    %scan3A_55 = arith.constant 64 : i32
    %dma_wait3A = arith.constant 0 : i32
    %dma_wait3A_56 = tpu.memref_slice %arg6[%select_n3A, %dma_wait3A, %mul3A_32] : memref<4x33x262144xf32, #tpu.memory_space<hbm>> -> memref<1x33x256xf32, #tpu.memory_space<hbm>>
    %dma_wait3A_57 = tpu.memref_squeeze %dma_wait3A_56 : memref<1x33x256xf32, #tpu.memory_space<hbm>> -> memref<33x256xf32, #tpu.memory_space<hbm>>
    %dma_wait3A_58 = arith.constant 0 : i32
    %dma_wait3A_59 = tpu.memref_slice %arg6[%select_n3A, %dma_wait3A_58, %mul3A_32] : memref<4x33x262144xf32, #tpu.memory_space<hbm>> -> memref<1x33x256xf32, #tpu.memory_space<hbm>>
    %dma_wait3A_60 = tpu.memref_squeeze %dma_wait3A_59 : memref<1x33x256xf32, #tpu.memory_space<hbm>> -> memref<33x256xf32, #tpu.memory_space<hbm>>
    tpu.wait_dma2 semaphore(%arg20 : memref<!tpu.dma_semaphore, #tpu.memory_space<semaphore_mem>>) src(%arg15 : memref<33x256xf32, #tpu.memory_space<vmem>>) dst(%dma_wait3A_60 : memref<33x256xf32, #tpu.memory_space<hbm>>)
    %dma_wait3A_61 = arith.constant 0 : i32
    %dma_wait3A_62 = tpu.memref_slice %arg6[%select_n3A, %dma_wait3A_61, %mul3A_32] : memref<4x33x262144xf32, #tpu.memory_space<hbm>> -> memref<1x33x256xf32, #tpu.memory_space<hbm>>
    %dma_wait3A_63 = tpu.memref_squeeze %dma_wait3A_62 : memref<1x33x256xf32, #tpu.memory_space<hbm>> -> memref<33x256xf32, #tpu.memory_space<hbm>>
    %dma_wait3A_64 = arith.constant 0 : i32
    %dma_wait3A_65 = tpu.memref_slice %arg6[%select_n3A, %dma_wait3A_64, %mul3A_32] : memref<4x33x262144xf32, #tpu.memory_space<hbm>> -> memref<1x33x256xf32, #tpu.memory_space<hbm>>
    %dma_wait3A_66 = tpu.memref_squeeze %dma_wait3A_65 : memref<1x33x256xf32, #tpu.memory_space<hbm>> -> memref<33x256xf32, #tpu.memory_space<hbm>>
    tpu.wait_dma2 semaphore(%arg21 : memref<!tpu.dma_semaphore, #tpu.memory_space<semaphore_mem>>) src(%arg16 : memref<33x256xf32, #tpu.memory_space<vmem>>) dst(%dma_wait3A_66 : memref<33x256xf32, #tpu.memory_space<hbm>>)
    return
  }
}

module attributes {stable_mosaic.version = 14 : i64} {
  func.func @_project_body(%arg0: i32, %arg1: i32, %arg2: memref<1x3x2048xf32, #tpu.memory_space<vmem>>, %arg3: memref<1x3x3xf32, #tpu.memory_space<vmem>>, %arg4: memref<1x1x3xf32, #tpu.memory_space<vmem>>, %arg5: memref<1x1x2xf32, #tpu.memory_space<vmem>>, %arg6: memref<1x1x2xf32, #tpu.memory_space<vmem>>, %arg7: memref<1x1x2048xi32, #tpu.memory_space<vmem>>, %arg8: memref<1x1x2048xf32, #tpu.memory_space<vmem>>) attributes {dimension_semantics = [#tpu.dimension_semantics<arbitrary>, #tpu.dimension_semantics<arbitrary>], iteration_bounds = array<i64: 4, 50>, scalar_prefetch = 0 : i64, scratch_operands = 0 : i64, tpu.core_type = #tpu.core_type<tc>, window_params = [{transform_indices = @transform_0, window_bounds = array<i64: 1, 3, 2048>}, {transform_indices = @transform_1, window_bounds = array<i64: 1, 3, 3>}, {transform_indices = @transform_2, window_bounds = array<i64: 1, 1, 3>}, {transform_indices = @transform_3, window_bounds = array<i64: 1, 1, 2>}, {transform_indices = @transform_4, window_bounds = array<i64: 1, 1, 2>}, {transform_indices = @transform_5, window_bounds = array<i64: 1, 1, 2048>}, {transform_indices = @transform_6, window_bounds = array<i64: 1, 1, 2048>}]} {
    %get3A = arith.constant 0 : index
    %get3A_0 = arith.constant 0 : index
    %get3A_1 = arith.constant 0 : index
    %get3A_2 = vector.load %arg2[%get3A, %get3A_0, %get3A_1] : memref<1x3x2048xf32, #tpu.memory_space<vmem>>, vector<1x3x2048xf32>
    %get3A_3 = vector.shape_cast %get3A_2 : vector<1x3x2048xf32> to vector<3x2048xf32>
    %slice3A = vector.extract_strided_slice %get3A_3 {offsets = [0, 0], sizes = [1, 2048], strides = [1, 1]} : vector<3x2048xf32> to vector<1x2048xf32>
    %convert_element_type3A = arith.truncf %slice3A : vector<1x2048xf32> to vector<1x2048xbf16>
    %convert_element_type3A_4 = arith.extf %convert_element_type3A : vector<1x2048xbf16> to vector<1x2048xf32>
    %slice3A_5 = vector.extract_strided_slice %get3A_3 {offsets = [1, 0], sizes = [1, 2048], strides = [1, 1]} : vector<3x2048xf32> to vector<1x2048xf32>
    %convert_element_type3A_6 = arith.truncf %slice3A_5 : vector<1x2048xf32> to vector<1x2048xbf16>
    %convert_element_type3A_7 = arith.extf %convert_element_type3A_6 : vector<1x2048xbf16> to vector<1x2048xf32>
    %slice3A_8 = vector.extract_strided_slice %get3A_3 {offsets = [2, 0], sizes = [1, 2048], strides = [1, 1]} : vector<3x2048xf32> to vector<1x2048xf32>
    %convert_element_type3A_9 = arith.truncf %slice3A_8 : vector<1x2048xf32> to vector<1x2048xbf16>
    %convert_element_type3A_10 = arith.extf %convert_element_type3A_9 : vector<1x2048xbf16> to vector<1x2048xf32>
    %get3A_11 = arith.constant 0 : index
    %get3A_12 = arith.constant 0 : index
    %get3A_13 = arith.constant 0 : index
    %get3A_14 = vector.load %arg3[%get3A_11, %get3A_12, %get3A_13] : memref<1x3x3xf32, #tpu.memory_space<vmem>>, vector<1x1x1xf32>
    %get3A_15 = vector.extract %get3A_14[0, 0, 0] : f32 from vector<1x1x1xf32>
    %convert_element_type3A_16 = arith.truncf %get3A_15 : f32 to bf16
    %convert_element_type3A_17 = arith.extf %convert_element_type3A_16 : bf16 to f32
    %mul3A = vector.broadcast %convert_element_type3A_17 : f32 to vector<1x2048xf32>
    %mul3A_18 = arith.mulf %convert_element_type3A_4, %mul3A : vector<1x2048xf32>
    %get3A_19 = arith.constant 0 : index
    %get3A_20 = arith.constant 1 : index
    %get3A_21 = arith.constant 0 : index
    %get3A_22 = vector.load %arg3[%get3A_19, %get3A_20, %get3A_21] : memref<1x3x3xf32, #tpu.memory_space<vmem>>, vector<1x1x1xf32>
    %get3A_23 = vector.extract %get3A_22[0, 0, 0] : f32 from vector<1x1x1xf32>
    %convert_element_type3A_24 = arith.truncf %get3A_23 : f32 to bf16
    %convert_element_type3A_25 = arith.extf %convert_element_type3A_24 : bf16 to f32
    %mul3A_26 = vector.broadcast %convert_element_type3A_25 : f32 to vector<1x2048xf32>
    %mul3A_27 = arith.mulf %convert_element_type3A_7, %mul3A_26 : vector<1x2048xf32>
    %get3A_28 = arith.constant 0 : index
    %get3A_29 = arith.constant 2 : index
    %get3A_30 = arith.constant 0 : index
    %get3A_31 = vector.load %arg3[%get3A_28, %get3A_29, %get3A_30] : memref<1x3x3xf32, #tpu.memory_space<vmem>>, vector<1x1x1xf32>
    %get3A_32 = vector.extract %get3A_31[0, 0, 0] : f32 from vector<1x1x1xf32>
    %convert_element_type3A_33 = arith.truncf %get3A_32 : f32 to bf16
    %convert_element_type3A_34 = arith.extf %convert_element_type3A_33 : bf16 to f32
    %mul3A_35 = vector.broadcast %convert_element_type3A_34 : f32 to vector<1x2048xf32>
    %mul3A_36 = arith.mulf %convert_element_type3A_10, %mul3A_35 : vector<1x2048xf32>
    %add3A = arith.addf %mul3A_27, %mul3A_36 : vector<1x2048xf32>
    %add3A_37 = arith.addf %mul3A_18, %add3A : vector<1x2048xf32>
    %get3A_38 = arith.constant 0 : index
    %get3A_39 = arith.constant 0 : index
    %get3A_40 = arith.constant 0 : index
    %get3A_41 = vector.load %arg4[%get3A_38, %get3A_39, %get3A_40] : memref<1x1x3xf32, #tpu.memory_space<vmem>>, vector<1x1x1xf32>
    %get3A_42 = vector.extract %get3A_41[0, 0, 0] : f32 from vector<1x1x1xf32>
    %add3A_43 = vector.broadcast %get3A_42 : f32 to vector<1x2048xf32>
    %add3A_44 = arith.addf %add3A_37, %add3A_43 : vector<1x2048xf32>
    %get3A_45 = arith.constant 0 : index
    %get3A_46 = arith.constant 0 : index
    %get3A_47 = arith.constant 1 : index
    %get3A_48 = vector.load %arg3[%get3A_45, %get3A_46, %get3A_47] : memref<1x3x3xf32, #tpu.memory_space<vmem>>, vector<1x1x1xf32>
    %get3A_49 = vector.extract %get3A_48[0, 0, 0] : f32 from vector<1x1x1xf32>
    %convert_element_type3A_50 = arith.truncf %get3A_49 : f32 to bf16
    %convert_element_type3A_51 = arith.extf %convert_element_type3A_50 : bf16 to f32
    %mul3A_52 = vector.broadcast %convert_element_type3A_51 : f32 to vector<1x2048xf32>
    %mul3A_53 = arith.mulf %convert_element_type3A_4, %mul3A_52 : vector<1x2048xf32>
    %get3A_54 = arith.constant 0 : index
    %get3A_55 = arith.constant 1 : index
    %get3A_56 = arith.constant 1 : index
    %get3A_57 = vector.load %arg3[%get3A_54, %get3A_55, %get3A_56] : memref<1x3x3xf32, #tpu.memory_space<vmem>>, vector<1x1x1xf32>
    %get3A_58 = vector.extract %get3A_57[0, 0, 0] : f32 from vector<1x1x1xf32>
    %convert_element_type3A_59 = arith.truncf %get3A_58 : f32 to bf16
    %convert_element_type3A_60 = arith.extf %convert_element_type3A_59 : bf16 to f32
    %mul3A_61 = vector.broadcast %convert_element_type3A_60 : f32 to vector<1x2048xf32>
    %mul3A_62 = arith.mulf %convert_element_type3A_7, %mul3A_61 : vector<1x2048xf32>
    %get3A_63 = arith.constant 0 : index
    %get3A_64 = arith.constant 2 : index
    %get3A_65 = arith.constant 1 : index
    %get3A_66 = vector.load %arg3[%get3A_63, %get3A_64, %get3A_65] : memref<1x3x3xf32, #tpu.memory_space<vmem>>, vector<1x1x1xf32>
    %get3A_67 = vector.extract %get3A_66[0, 0, 0] : f32 from vector<1x1x1xf32>
    %convert_element_type3A_68 = arith.truncf %get3A_67 : f32 to bf16
    %convert_element_type3A_69 = arith.extf %convert_element_type3A_68 : bf16 to f32
    %mul3A_70 = vector.broadcast %convert_element_type3A_69 : f32 to vector<1x2048xf32>
    %mul3A_71 = arith.mulf %convert_element_type3A_10, %mul3A_70 : vector<1x2048xf32>
    %add3A_72 = arith.addf %mul3A_62, %mul3A_71 : vector<1x2048xf32>
    %add3A_73 = arith.addf %mul3A_53, %add3A_72 : vector<1x2048xf32>
    %get3A_74 = arith.constant 0 : index
    %get3A_75 = arith.constant 0 : index
    %get3A_76 = arith.constant 1 : index
    %get3A_77 = vector.load %arg4[%get3A_74, %get3A_75, %get3A_76] : memref<1x1x3xf32, #tpu.memory_space<vmem>>, vector<1x1x1xf32>
    %get3A_78 = vector.extract %get3A_77[0, 0, 0] : f32 from vector<1x1x1xf32>
    %add3A_79 = vector.broadcast %get3A_78 : f32 to vector<1x2048xf32>
    %add3A_80 = arith.addf %add3A_73, %add3A_79 : vector<1x2048xf32>
    %get3A_81 = arith.constant 0 : index
    %get3A_82 = arith.constant 0 : index
    %get3A_83 = arith.constant 2 : index
    %get3A_84 = vector.load %arg3[%get3A_81, %get3A_82, %get3A_83] : memref<1x3x3xf32, #tpu.memory_space<vmem>>, vector<1x1x1xf32>
    %get3A_85 = vector.extract %get3A_84[0, 0, 0] : f32 from vector<1x1x1xf32>
    %convert_element_type3A_86 = arith.truncf %get3A_85 : f32 to bf16
    %convert_element_type3A_87 = arith.extf %convert_element_type3A_86 : bf16 to f32
    %mul3A_88 = vector.broadcast %convert_element_type3A_87 : f32 to vector<1x2048xf32>
    %mul3A_89 = arith.mulf %convert_element_type3A_4, %mul3A_88 : vector<1x2048xf32>
    %get3A_90 = arith.constant 0 : index
    %get3A_91 = arith.constant 1 : index
    %get3A_92 = arith.constant 2 : index
    %get3A_93 = vector.load %arg3[%get3A_90, %get3A_91, %get3A_92] : memref<1x3x3xf32, #tpu.memory_space<vmem>>, vector<1x1x1xf32>
    %get3A_94 = vector.extract %get3A_93[0, 0, 0] : f32 from vector<1x1x1xf32>
    %convert_element_type3A_95 = arith.truncf %get3A_94 : f32 to bf16
    %convert_element_type3A_96 = arith.extf %convert_element_type3A_95 : bf16 to f32
    %mul3A_97 = vector.broadcast %convert_element_type3A_96 : f32 to vector<1x2048xf32>
    %mul3A_98 = arith.mulf %convert_element_type3A_7, %mul3A_97 : vector<1x2048xf32>
    %get3A_99 = arith.constant 0 : index
    %get3A_100 = arith.constant 2 : index
    %get3A_101 = arith.constant 2 : index
    %get3A_102 = vector.load %arg3[%get3A_99, %get3A_100, %get3A_101] : memref<1x3x3xf32, #tpu.memory_space<vmem>>, vector<1x1x1xf32>
    %get3A_103 = vector.extract %get3A_102[0, 0, 0] : f32 from vector<1x1x1xf32>
    %convert_element_type3A_104 = arith.truncf %get3A_103 : f32 to bf16
    %convert_element_type3A_105 = arith.extf %convert_element_type3A_104 : bf16 to f32
    %mul3A_106 = vector.broadcast %convert_element_type3A_105 : f32 to vector<1x2048xf32>
    %mul3A_107 = arith.mulf %convert_element_type3A_10, %mul3A_106 : vector<1x2048xf32>
    %add3A_108 = arith.addf %mul3A_98, %mul3A_107 : vector<1x2048xf32>
    %add3A_109 = arith.addf %mul3A_89, %add3A_108 : vector<1x2048xf32>
    %get3A_110 = arith.constant 0 : index
    %get3A_111 = arith.constant 0 : index
    %get3A_112 = arith.constant 2 : index
    %get3A_113 = vector.load %arg4[%get3A_110, %get3A_111, %get3A_112] : memref<1x1x3xf32, #tpu.memory_space<vmem>>, vector<1x1x1xf32>
    %get3A_114 = vector.extract %get3A_113[0, 0, 0] : f32 from vector<1x1x1xf32>
    %add3A_115 = vector.broadcast %get3A_114 : f32 to vector<1x2048xf32>
    %add3A_116 = arith.addf %add3A_109, %add3A_115 : vector<1x2048xf32>
    %get3A_117 = arith.constant 0 : index
    %get3A_118 = arith.constant 0 : index
    %get3A_119 = arith.constant 0 : index
    %get3A_120 = vector.load %arg5[%get3A_117, %get3A_118, %get3A_119] : memref<1x1x2xf32, #tpu.memory_space<vmem>>, vector<1x1x1xf32>
    %get3A_121 = vector.extract %get3A_120[0, 0, 0] : f32 from vector<1x1x1xf32>
    %mul3A_122 = vector.broadcast %get3A_121 : f32 to vector<1x2048xf32>
    %mul3A_123 = arith.mulf %mul3A_122, %add3A_44 : vector<1x2048xf32>
    %div3A = arith.divf %mul3A_123, %add3A_116 : vector<1x2048xf32>
    %get3A_124 = arith.constant 0 : index
    %get3A_125 = arith.constant 0 : index
    %get3A_126 = arith.constant 0 : index
    %get3A_127 = vector.load %arg6[%get3A_124, %get3A_125, %get3A_126] : memref<1x1x2xf32, #tpu.memory_space<vmem>>, vector<1x1x1xf32>
    %get3A_128 = vector.extract %get3A_127[0, 0, 0] : f32 from vector<1x1x1xf32>
    %add3A_129 = vector.broadcast %get3A_128 : f32 to vector<1x2048xf32>
    %add3A_130 = arith.addf %div3A, %add3A_129 : vector<1x2048xf32>
    %get3A_131 = arith.constant 0 : index
    %get3A_132 = arith.constant 0 : index
    %get3A_133 = arith.constant 1 : index
    %get3A_134 = vector.load %arg5[%get3A_131, %get3A_132, %get3A_133] : memref<1x1x2xf32, #tpu.memory_space<vmem>>, vector<1x1x1xf32>
    %get3A_135 = vector.extract %get3A_134[0, 0, 0] : f32 from vector<1x1x1xf32>
    %mul3A_136 = vector.broadcast %get3A_135 : f32 to vector<1x2048xf32>
    %mul3A_137 = arith.mulf %mul3A_136, %add3A_80 : vector<1x2048xf32>
    %div3A_138 = arith.divf %mul3A_137, %add3A_116 : vector<1x2048xf32>
    %get3A_139 = arith.constant 0 : index
    %get3A_140 = arith.constant 0 : index
    %get3A_141 = arith.constant 1 : index
    %get3A_142 = vector.load %arg6[%get3A_139, %get3A_140, %get3A_141] : memref<1x1x2xf32, #tpu.memory_space<vmem>>, vector<1x1x1xf32>
    %get3A_143 = vector.extract %get3A_142[0, 0, 0] : f32 from vector<1x1x1xf32>
    %add3A_144 = vector.broadcast %get3A_143 : f32 to vector<1x2048xf32>
    %add3A_145 = arith.addf %div3A_138, %add3A_144 : vector<1x2048xf32>
    %mul3A_146 = arith.constant 2.555000e+02 : f32
    %mul3A_147 = vector.broadcast %mul3A_146 : f32 to vector<1x2048xf32>
    %mul3A_148 = arith.mulf %mul3A_147, %add3A_130 : vector<1x2048xf32>
    %add3A_149 = arith.constant -2.555000e+02 : f32
    %add3A_150 = vector.broadcast %add3A_149 : f32 to vector<1x2048xf32>
    %add3A_151 = arith.addf %mul3A_148, %add3A_150 : vector<1x2048xf32>
    %neg3A = arith.constant 0.000000e+00 : f32
    %neg3A_152 = vector.broadcast %neg3A : f32 to vector<1x2048xf32>
    %neg3A_153 = arith.subf %neg3A_152, %add3A_151 : vector<1x2048xf32>
    %mul3A_154 = arith.constant 2.555000e+02 : f32
    %mul3A_155 = vector.broadcast %mul3A_154 : f32 to vector<1x2048xf32>
    %mul3A_156 = arith.mulf %mul3A_155, %add3A_145 : vector<1x2048xf32>
    %add3A_157 = arith.constant -2.555000e+02 : f32
    %add3A_158 = vector.broadcast %add3A_157 : f32 to vector<1x2048xf32>
    %add3A_159 = arith.addf %mul3A_156, %add3A_158 : vector<1x2048xf32>
    %neg3A_160 = arith.constant 0.000000e+00 : f32
    %neg3A_161 = vector.broadcast %neg3A_160 : f32 to vector<1x2048xf32>
    %neg3A_162 = arith.subf %neg3A_161, %add3A_159 : vector<1x2048xf32>
    %sub3A = arith.constant 9.99999997E-7 : f32
    %sub3A_163 = vector.broadcast %sub3A : f32 to vector<1x2048xf32>
    %sub3A_164 = arith.subf %neg3A_153, %sub3A_163 : vector<1x2048xf32>
    %add3A_165 = arith.constant 5.000000e-01 : f32
    %add3A_166 = vector.broadcast %add3A_165 : f32 to vector<1x2048xf32>
    %add3A_167 = arith.addf %sub3A_164, %add3A_166 : vector<1x2048xf32>
    %lt3A = arith.constant 0.000000e+00 : f32
    %lt3A_168 = vector.broadcast %lt3A : f32 to vector<1x2048xf32>
    %lt3A_169 = arith.cmpf olt, %add3A_167, %lt3A_168 : vector<1x2048xf32>
    %ceil3A = math.ceil %add3A_167 : vector<1x2048xf32>
    %floor3A = math.floor %add3A_167 : vector<1x2048xf32>
    %select_n3A = arith.select %lt3A_169, %ceil3A, %floor3A : vector<1x2048xi1>, vector<1x2048xf32>
    %sub3A_170 = arith.constant 9.99999997E-7 : f32
    %sub3A_171 = vector.broadcast %sub3A_170 : f32 to vector<1x2048xf32>
    %sub3A_172 = arith.subf %neg3A_162, %sub3A_171 : vector<1x2048xf32>
    %add3A_173 = arith.constant 5.000000e-01 : f32
    %add3A_174 = vector.broadcast %add3A_173 : f32 to vector<1x2048xf32>
    %add3A_175 = arith.addf %sub3A_172, %add3A_174 : vector<1x2048xf32>
    %lt3A_176 = arith.constant 0.000000e+00 : f32
    %lt3A_177 = vector.broadcast %lt3A_176 : f32 to vector<1x2048xf32>
    %lt3A_178 = arith.cmpf olt, %add3A_175, %lt3A_177 : vector<1x2048xf32>
    %ceil3A_179 = math.ceil %add3A_175 : vector<1x2048xf32>
    %floor3A_180 = math.floor %add3A_175 : vector<1x2048xf32>
    %select_n3A_181 = arith.select %lt3A_178, %ceil3A_179, %floor3A_180 : vector<1x2048xi1>, vector<1x2048xf32>
    %ge3A = arith.constant 0.000000e+00 : f32
    %ge3A_182 = vector.broadcast %ge3A : f32 to vector<1x2048xf32>
    %ge3A_183 = arith.cmpf oge, %select_n3A, %ge3A_182 : vector<1x2048xf32>
    %lt3A_184 = arith.constant 5.120000e+02 : f32
    %lt3A_185 = vector.broadcast %lt3A_184 : f32 to vector<1x2048xf32>
    %lt3A_186 = arith.cmpf olt, %select_n3A, %lt3A_185 : vector<1x2048xf32>
    %and3A = arith.andi %ge3A_183, %lt3A_186 : vector<1x2048xi1>
    %ge3A_187 = arith.constant 0.000000e+00 : f32
    %ge3A_188 = vector.broadcast %ge3A_187 : f32 to vector<1x2048xf32>
    %ge3A_189 = arith.cmpf oge, %select_n3A_181, %ge3A_188 : vector<1x2048xf32>
    %and3A_190 = arith.andi %and3A, %ge3A_189 : vector<1x2048xi1>
    %lt3A_191 = arith.constant 5.120000e+02 : f32
    %lt3A_192 = vector.broadcast %lt3A_191 : f32 to vector<1x2048xf32>
    %lt3A_193 = arith.cmpf olt, %select_n3A_181, %lt3A_192 : vector<1x2048xf32>
    %and3A_194 = arith.andi %and3A_190, %lt3A_193 : vector<1x2048xi1>
    %gt3A = arith.constant 0.000000e+00 : f32
    %gt3A_195 = vector.broadcast %gt3A : f32 to vector<1x2048xf32>
    %gt3A_196 = arith.cmpf ogt, %add3A_116, %gt3A_195 : vector<1x2048xf32>
    %mul3A_197 = arith.constant 2048 : i32
    %mul3A_198 = arith.muli %arg1, %mul3A_197 : i32
    %iota3A = tpu.iota {dimensions = array<i32: 1>} : vector<1x2048xi32>
    %add3A_199 = vector.broadcast %mul3A_198 : i32 to vector<1x2048xi32>
    %add3A_200 = arith.addi %add3A_199, %iota3A : vector<1x2048xi32>
    %and3A_201 = arith.andi %and3A_194, %gt3A_196 : vector<1x2048xi1>
    %lt3A_202 = arith.constant 100000 : i32
    %lt3A_203 = vector.broadcast %lt3A_202 : i32 to vector<1x2048xi32>
    %lt3A_204 = arith.cmpi slt, %add3A_200, %lt3A_203 : vector<1x2048xi32>
    %and3A_205 = arith.andi %and3A_201, %lt3A_204 : vector<1x2048xi1>
    %jit3A = arith.constant 0.000000e+00 : f32
    %jit3A_206 = arith.constant 5.110000e+02 : f32
    %max3A = vector.broadcast %jit3A : f32 to vector<1x2048xf32>
    %max3A_207 = arith.maximumf %max3A, %select_n3A : vector<1x2048xf32>
    %min3A = vector.broadcast %jit3A_206 : f32 to vector<1x2048xf32>
    %min3A_208 = arith.minimumf %min3A, %max3A_207 : vector<1x2048xf32>
    %jit3A_209 = arith.constant 0.000000e+00 : f32
    %jit3A_210 = arith.constant 5.110000e+02 : f32
    %max3A_211 = vector.broadcast %jit3A_209 : f32 to vector<1x2048xf32>
    %max3A_212 = arith.maximumf %max3A_211, %select_n3A_181 : vector<1x2048xf32>
    %min3A_213 = vector.broadcast %jit3A_210 : f32 to vector<1x2048xf32>
    %min3A_214 = arith.minimumf %min3A_213, %max3A_212 : vector<1x2048xf32>
    %mul3A_215 = arith.constant 5.120000e+02 : f32
    %mul3A_216 = vector.broadcast %mul3A_215 : f32 to vector<1x2048xf32>
    %mul3A_217 = arith.mulf %min3A_214, %mul3A_216 : vector<1x2048xf32>
    %add3A_218 = arith.addf %mul3A_217, %min3A_208 : vector<1x2048xf32>
    %convert_element_type3A_219 = arith.fptosi %add3A_218 : vector<1x2048xf32> to vector<1x2048xi32>
    %jit3A_220 = arith.constant 262144 : i32
    %broadcast_in_dim3A = vector.broadcast %jit3A_220 : i32 to vector<1x2048xi32>
    %select_n3A_221 = arith.select %and3A_205, %convert_element_type3A_219, %broadcast_in_dim3A : vector<1x2048xi1>, vector<1x2048xi32>
    %broadcast_in_dim3A_222 = vector.shape_cast %select_n3A_221 : vector<1x2048xi32> to vector<1x1x2048xi32>
    %swap3A = arith.constant 0 : index
    %swap3A_223 = arith.constant 0 : index
    %swap3A_224 = arith.constant 0 : index
    %swap3A_225 = vector.load %arg7[%swap3A, %swap3A_223, %swap3A_224] : memref<1x1x2048xi32, #tpu.memory_space<vmem>>, vector<1x1x2048xi32>
    tpu.vector_store %arg7[%swap3A, %swap3A_223, %swap3A_224], %broadcast_in_dim3A_222 {strides = array<i32>} : memref<1x1x2048xi32, #tpu.memory_space<vmem>>, vector<1x1x2048xi32>,
    %broadcast_in_dim3A_226 = vector.shape_cast %add3A_116 : vector<1x2048xf32> to vector<1x1x2048xf32>
    %swap3A_227 = arith.constant 0 : index
    %swap3A_228 = arith.constant 0 : index
    %swap3A_229 = arith.constant 0 : index
    %swap3A_230 = vector.load %arg8[%swap3A_227, %swap3A_228, %swap3A_229] : memref<1x1x2048xf32, #tpu.memory_space<vmem>>, vector<1x1x2048xf32>
    tpu.vector_store %arg8[%swap3A_227, %swap3A_228, %swap3A_229], %broadcast_in_dim3A_226 {strides = array<i32>} : memref<1x1x2048xf32, #tpu.memory_space<vmem>>, vector<1x1x2048xf32>,
    return
  }
  func.func @transform_0(%arg0: i32, %arg1: i32) -> (i32, i32, i32) {
    %c0_i32 = arith.constant 0 : i32
    %c0_i32_0 = arith.constant 0 : i32
    return %arg0, %c0_i32, %arg1 : i32, i32, i32
  }
  func.func @transform_1(%arg0: i32, %arg1: i32) -> (i32, i32, i32) {
    %c0_i32 = arith.constant 0 : i32
    %c0_i32_0 = arith.constant 0 : i32
    %c0_i32_1 = arith.constant 0 : i32
    return %arg0, %c0_i32, %c0_i32_0 : i32, i32, i32
  }
  func.func @transform_2(%arg0: i32, %arg1: i32) -> (i32, i32, i32) {
    %c0_i32 = arith.constant 0 : i32
    %c0_i32_0 = arith.constant 0 : i32
    %c0_i32_1 = arith.constant 0 : i32
    return %arg0, %c0_i32, %c0_i32_0 : i32, i32, i32
  }
  func.func @transform_3(%arg0: i32, %arg1: i32) -> (i32, i32, i32) {
    %c0_i32 = arith.constant 0 : i32
    %c0_i32_0 = arith.constant 0 : i32
    %c0_i32_1 = arith.constant 0 : i32
    return %arg0, %c0_i32, %c0_i32_0 : i32, i32, i32
  }
  func.func @transform_4(%arg0: i32, %arg1: i32) -> (i32, i32, i32) {
    %c0_i32 = arith.constant 0 : i32
    %c0_i32_0 = arith.constant 0 : i32
    %c0_i32_1 = arith.constant 0 : i32
    return %arg0, %c0_i32, %c0_i32_0 : i32, i32, i32
  }
  func.func @transform_5(%arg0: i32, %arg1: i32) -> (i32, i32, i32) {
    %mul3A = arith.constant 50 : i32
    %mul3A_0 = arith.muli %arg0, %mul3A : i32
    %add3A = arith.addi %mul3A_0, %arg1 : i32
    %c0_i32 = arith.constant 0 : i32
    %c0_i32_1 = arith.constant 0 : i32
    %c0_i32_2 = arith.constant 0 : i32
    return %add3A, %c0_i32, %c0_i32_1 : i32, i32, i32
  }
  func.func @transform_6(%arg0: i32, %arg1: i32) -> (i32, i32, i32) {
    %mul3A = arith.constant 50 : i32
    %mul3A_0 = arith.muli %arg0, %mul3A : i32
    %add3A = arith.addi %mul3A_0, %arg1 : i32
    %c0_i32 = arith.constant 0 : i32
    %c0_i32_1 = arith.constant 0 : i32
    %c0_i32_2 = arith.constant 0 : i32
    return %add3A, %c0_i32, %c0_i32_1 : i32, i32, i32
  }
}

</mosaic_0001>

<sc_bundles>
// kernel: kernel.4.cloned.1.call-start
scs
__scs_entry_jumppad:
0x0: {  	(pc) =	sbr.rel $0x88, $3  }
0x1: {  	(tag) =	ssettag $0x0;
	lr =	simm.s32 $0x1  }
0x2: {  	[smem:$0x3F98] =	sst lr;
	_ =	strace $0xD0000000  }
0x3: {  	_ = 	snop  }
0x4: {  	_ = 	snop  }
0x5: {  	_ = 	snop  }
0x6: {  	_ = 	snop  }
0x7: {  	_ = 	snop  }
__scs_overlays_trampoline_lowered:
0x8: {  	[smem:$0x3FA7] =	sst s0  }
0x9: {  	[smem:$0x3FA8] =	sst s1  }
0xa: {  	[smem:$0x3FA9] =	sst s2  }
0xb: {  	[smem:$0x3FAA] =	sst s3  }
0xc: {  	[smem:$0x3FAB] =	sst s4  }
0xd: {  	[smem:$0x3FAC] =	sst s5  }
0xe: {  	[smem:$0x3FAD] =	sst s6  }
0xf: {  	[smem:$0x3FAE] =	sst s7  }
0x10: {  	[smem:$0x3FAF] =	sst s8  }
0x11: {  	[smem:$0x3FB0] =	sst s9;
	s0 =	simm.s32 @!p0 $0x0  }
0x12: {  	s1 =	sld [smem:$0x3F96];
	s0 =	simm.s32 @p0 $0x1  }
0x13: {  	[smem:$0x3FB1] =	sst s0;
	s0 =	simm.s32 @!p1 $0x0  }
0x14: {  	s2 =	sld [smem:$0x3F95];
	s0 =	simm.s32 @p1 $0x1  }
0x15: {  	[smem:$0x3FB2] =	sst s0;
	s0 =	simm.s32 @!p2 $0x0  }
0x16: {  	s3 =	sld [smem:$0x3FDB];
	s0 =	simm.s32 @p2 $0x1  }
0x17: {  	s4 =	simm.s32 $0x1BF5;
	[smem:$0x3FB4] =	sst s0  }
0x18: {  	s0 =	sld [smem:$0x3F97];
	_ =	swait.ge [sflag:s4], $0x0  }
0x19: {  	s7 =	sld [smem:$0x3F98]  }
0x1a: {  	s8 =	sadd.s32 $0xFFFFE003, lr  }
0x1b: {  	s9 =	sadd.s32 $0xFFFFFEF7, lr;
	s5 =	simm.s32 $0xFFFFFFFF;
	p2 =	slt.u32 s8, $0xFFFFF086  }
0x1c: {  	p1 =	slt.u32 s9, $0xF7A;
	s5 =	simm.s32 @!p2 $0x0  }
0x1d: {  	s5 =	simm.s32 @p1 $0x1;
	p0 =	seq.s32 s7, s2  }
0x1e: {  	s7 =	smul.u32 @!p0 $0xF7A, s2;
	p2 =	seq.s32 @!p0 s5, $0x0  }
0x1f: {  	s9 =	smul.u32 $0xF7A, s1;
	s8 =	simm.s32 @!p0 $0x1BF5;
	p2 =	por !p2, p0  }
0x20: {  	[sflag:s8] =	ssyncset.s32 @!p0 $0xFFFFF086;
	s6 =	sadd.s32 @!p0 s3, s7;
	s7 =	simm.s32 @!p0 $0x108  }
0x21: {  	s3 =	sadd.s32 s3, s9;
	s6 =	sadd.s32 @!p0 $0x88, s6;
	s7 =	simm.s32 @p2 $0x1082  }
0x22: {  	[simem:s7], [sflag:s8] =	dma.local @!p0 [hbm:s6], $0xF7A  }
0x23: {  	s9 =	sor.u32 $0xD0000000, s2;
	s6 =	simm.s32 $0x108;
	_ =	swait.ge @!p0 [sflag:s8], $0x0  }
0x24: {  	s3 =	sadd.s32 $0x88, s3;
	s6 =	simm.s32 @!p1 $0x1082;
	[sflag:s4] =	ssyncset.s32 $0xFFFFF086  }
0x25: {  	[simem:s6], [sflag:s4] =	dma.local [hbm:s3], $0xF7A  }
0x26: {  	[smem:$0x3F98] =	sst s1;
	(tag) =	ssettag s2;
	_ =	strace s9  }
0x27: {  	s1 =	sld [smem:$0x3FA8]  }
0x28: {  	s2 =	sld [smem:$0x3FA9]  }
0x29: {  	s4 =	sld [smem:$0x3FAB]  }
0x2a: {  	p0 =	seq.s32 s5, $0x0;
	s5 =	sld [smem:$0x3FAC]  }
0x2b: {  	s6 =	sld [smem:$0x3FAD]  }
0x2c: {  	s7 =	sld [smem:$0x3FAE]  }
0x2d: {  	s3 =	simm.s32 $0x108;
	s8 =	sld [smem:$0x3FAF]  }
0x2e: {  	s3 =	simm.s32 @!p0 $0x1082;
	s9 =	sld [smem:$0x3FB0]  }
0x2f: {  	lr =	sadd.s32 s0, s3;
	s0 =	sld [smem:$0x3FA7]  }
0x30: {  	s3 =	sld [smem:$0x3FAA]  }
0x31: {  	[smem:$0x3FB3] =	sst s10  }
0x32: {  	s10 =	sld [smem:$0x3FB1];
	_ =	sdelay $0x3  }
0x33: {  	p0 =	seq.s32 s10, $0x1;
	s10 =	sld [smem:$0x3FB3];
	_ =	sdelay $0x3  }
0x34: {  	[smem:$0x3FB3] =	sst s10  }
0x35: {  	s10 =	sld [smem:$0x3FB2];
	_ =	sdelay $0x3  }
0x36: {  	p1 =	seq.s32 s10, $0x1;
	s10 =	sld [smem:$0x3FB3];
	_ =	sdelay $0x3  }
0x37: {  	[smem:$0x3FB3] =	sst s10  }
0x38: {  	s10 =	sld [smem:$0x3FB4]  }
0x39: {  	_ = 	snop;
	(pc) =	sbr.ind lr, $3  }
0x3a: {  	_ = 	snop  }
0x3b: {  	_ = 	snop  }
0x3c: {  	p2 =	seq.s32 s10, $0x1;
	s10 =	sld [smem:$0x3FB3]  }
0x3d: {  	_ =	shalt  }
0x3e: {  	_ =	shalt  }
0x3f: {  	_ =	shalt  }
0x40: {  	_ =	shalt  }
0x41: {  	_ =	shalt  }
0x42: {  	_ =	shalt  }
0x43: {  	_ =	shalt  }
0x44: {  	_ =	shalt  }
0x45: {  	_ =	shalt  }
0x46: {  	_ =	shalt  }
0x47: {  	_ =	shalt  }
0x48: {  	_ =	shalt  }
0x49: {  	_ =	shalt  }
0x4a: {  	_ =	shalt  }
0x4b: {  	_ =	shalt  }
0x4c: {  	_ =	shalt  }
0x4d: {  	_ =	shalt  }
0x4e: {  	_ =	shalt  }
0x4f: {  	_ =	shalt  }
0x50: {  	_ =	shalt  }
0x51: {  	_ =	shalt  }
0x52: {  	_ =	shalt  }
0x53: {  	_ =	shalt  }
0x54: {  	_ =	shalt  }
0x55: {  	_ =	shalt  }
0x56: {  	_ =	shalt  }
0x57: {  	_ =	shalt  }
0x58: {  	_ =	shalt  }
0x59: {  	_ =	shalt  }
0x5a: {  	_ =	shalt  }
0x5b: {  	_ =	shalt  }
0x5c: {  	_ =	shalt  }
0x5d: {  	_ =	shalt  }
0x5e: {  	_ =	shalt  }
0x5f: {  	_ =	shalt  }
0x60: {  	_ =	shalt  }
0x61: {  	_ =	shalt  }
0x62: {  	_ =	shalt  }
0x63: {  	_ =	shalt  }
0x64: {  	_ =	shalt  }
0x65: {  	_ =	shalt  }
0x66: {  	_ =	shalt  }
0x67: {  	_ =	shalt  }
0x68: {  	_ =	shalt  }
0x69: {  	_ =	shalt  }
0x6a: {  	_ =	shalt  }
0x6b: {  	_ =	shalt  }
0x6c: {  	_ =	shalt  }
0x6d: {  	_ =	shalt  }
0x6e: {  	_ =	shalt  }
0x6f: {  	_ =	shalt  }
0x70: {  	_ =	shalt  }
0x71: {  	_ =	shalt  }
0x72: {  	_ =	shalt  }
0x73: {  	_ =	shalt  }
0x74: {  	_ =	shalt  }
0x75: {  	_ =	shalt  }
0x76: {  	_ =	shalt  }
0x77: {  	_ =	shalt  }
0x78: {  	_ =	shalt  }
0x79: {  	_ =	shalt  }
0x7a: {  	_ =	shalt  }
0x7b: {  	_ =	shalt  }
0x7c: {  	_ =	shalt  }
0x7d: {  	_ =	shalt  }
0x7e: {  	_ =	shalt  }
0x7f: {  	_ =	shalt  }
0x80: {  	_ =	shalt  }
0x81: {  	_ =	shalt  }
0x82: {  	_ =	shalt  }
0x83: {  	_ =	shalt  }
0x84: {  	_ =	shalt  }
0x85: {  	_ =	shalt  }
0x86: {  	_ =	shalt  }
0x87: {  	_ =	shalt  }
.Lfunc_end0:
.L_simem_size_0:
called_computation_lowered:
.L_overlay_start_0:
0x88: {  	s2 =	sld [smem:$0x3FD9]  }
0x89: {  	s3 =	sld [smem:$0x3FFE];
	_ =	sdelay $0x1  }
0x8a: {  	s1 =	srdreg.scid  }
0x8b: {  	s0 =	sand.u32 $0x1, s1  }
0x8c: {  	s17 =	sshll.u32 s0, $0xA;
	s2 =	sadd.s32 s3, s2  }
0x8d: {  	s2 =	sadd.s32 s2, s17  }
0x8e: {  	[smem:$0x3FBF] =	sst s2  }
0x8f: {  	_ = 	snop  }
0x90: {  	s2 =	sld [smem:$0x3FD0];
	(tm) =	ssettm $0x1  }
0x91: {  	s18 =	sld [smem:$0x3FFB];
	_ =	sdelay $0x3  }
0x92: {  	_ =	strace s18  }
0x93: {  	s3 =	sld [smem:$0x3FFC];
	_ =	sdelay $0x3  }
0x94: {  	_ =	strace s3  }
0x95: {  	s3 =	sld [smem:$0x3FFD];
	_ =	sdelay $0x3  }
0x96: {  	_ =	strace s3  }
0x97: {  	_ =	strace $0x8FFFFFFF  }
0x98: {  	s19 =	sld [smem:$0x3FDB];
	_ =	sdelay $0x1  }
0x99: {  	s4 =	simm.s32 $_scs_section_size  }
0x9a: {  	s5 =	simm.s32 $_size__tile_overlayer_lowered;
	s6 =	simm.s32 $_tile_overlayer_lowered  }
0x9b: {  	s22 =	simm.s32 $0x1BFF;
	s21 =	sshll.u32 s6, $0x1;
	s3 =	sadd.s32 s4, s19  }
0x9c: {  	s7 =	simm.s32 $0x0;
	s20 =	sshll.u32 s5, $0x1;
	s5 =	sadd.s32 s21, s3  }
0x9d: {  	[timem:s7], [sflag:s22] =	dma.local [hbm:s5], s20  }
0x9e: {  	_ =	swait.ge [sflag:s22], s20  }
0x9f: {  	s4 =	ssub.s32 $0x0, s20;
	[sflag:s22] =	ssyncset.done $0x0  }
0xa0: {  	[sflag:s22] =	ssyncadd.s32 s4;
	_ =	sdelay $0x1  }
0xa1: {  	s23 =	simm.s32 $0x1B8B  }
0xa2: {  	_ =	swait.ge [sflag:s23], $0x1  }
0xa3: {  	[sflag:s23] =	ssyncset.done $0x0  }
0xa4: {  	s25 =	simm.s32 $0x1B8E;
	s24 =	sld [smem:$0x3FFE];
	[sflag:s23] =	ssyncadd.s32 $0xFFFFFFFF  }
0xa5: {  	s26 =	simm.s32 $execute0_lowered;
	[smem:$0x3FD2] =	sst s25  }
0xa6: {  	s5 =	sshll.u32 s26, $0x1;
	_ =	strace $0x80000046;
	[dreg:$0x1] =	wrdreg $0xFFFFFFFF  }
0xa7: {  	s28 =	simm.s32 $_size_execute0_lowered;
	s3 =	sadd.s32 s3, s5;
	[dreg:$0x0] =	wrdreg $0x0  }
0xa8: {  	s5 =	sshll.u32 s28, $0x1;
	[dreg:$0x2] =	wrdreg s3  }
0xa9: {  	[dreg:$0x3] =	wrdreg s5  }
0xaa: {  	[dreg:$0x4] =	wrdreg $0xC0  }
0xab: {  	_ =	task [dreg:s7], $0x5FFFF  }
0xac: {  	[dreg:$0x1] =	wrdreg $0xFFFFFFFF  }
0xad: {  	[dreg:$0x0] =	wrdreg $0x60  }
0xae: {  	[dreg:$0x2] =	wrdreg s24  }
0xaf: {  	[dreg:$0x3] =	wrdreg s2  }
0xb0: {  	[dreg:$0x4] =	wrdreg $0x9  }
0xb1: {  	_ =	task.clear_ibuf [dreg:s7], $0x5FFFF;
	_ =	strace $0x90000046  }
0xb2: {  	s29 =	simm.s32 $0x9;
	_ =	strace $0x80000048  }
0xb3: {  	_ =	swait.ge [sflag:s29], $0x1  }
0xb4: {  	[sflag:s29] =	ssyncadd.s32 $0xFFFFFFFF  }
0xb5: {  	_ =	strace $0x90000048  }
0xb6: {  	_ =	sfence  }
0xb7: {  	s30 =	sld [smem:$0x0];
	_ =	sdelay $0x2  }
0xb8: {  	s31 =	sshll.u32 s1, $0xD;
	s1 =	sshrl.u32 s1, $0x2  }
0xb9: {  	s3 =	sand.u32 $0x4000, s31;
	s1 =	sadd.s32 s1, s30  }
0xba: {  	s0 =	sor.u32 s3, s0;
	s1 =	sshll.u32 s1, $0x11  }
0xbb: {  	s0 =	sor.u32 s1, s0  }
0xbc: {  	s0 =	sadd.s32 $0x8F2B, s0  }
0xbd: {  	[sflag:s0] =	ssyncadd.remote.s32 $0x1  }
0xbe: {  	_ =	sfence.sel $0xFFFF  }
0xbf: {  	[dreg:$0x0] =	wrdreg $0xFFFFFFFF;
	(pc) =	sbr.abs _section_cstart, $3  }
0xc0: {  	[dreg:$0x1] =	wrdreg $0xFFFFFFFF  }
0xc1: {  	_ =	task.clear_ibuf [dreg:s7], $0x2FFFF;
	_ =	strace $0x9FFFFFFF  }
0xc2: {  	(tm) =	ssettm $0x7FFFFFFF  }
0xc3: {  	_ =	shalt  }
tec
execute0_lowered:
.L_overlay_start_1:
0x0: {  	(tag) =	ssettag $0x1  }
0x1: {  	s0 =	rddreg [dreg:$0x0]  }
0x2: {  	s1 =	rddreg [dreg:$0x1];
	s2 =	simm.s32 $0x0;
	s3 =	srdreg.scid  }
0x3: {  	s11 =	stileid.u32;
	s15 =	simm.s32 $0x5;
	s17 =	simm.s32 $0x10000  }
0x4: {  	s20 =	simm.s32 $0x11000;
	s18 =	simm.s32 $0x8000;
	s19 =	simm.s32 $0x80  }
0x5: {  	s21 =	simm.s32 $0x12200;
	s28 =	simm.s32 $0x15200;
	s29 =	simm.s32 $0x1  }
0x6: {  	s30 =	simm.s32 $0x100;
	s31 =	simm.s32 $0x40000;
	s14 =	simm.s32 $0x18300  }
0x7: {  	s12 =	simm.s32 $0x0;
	[smem:$0x7FF] =	sst s2;
	s4 =	sadd.s32 $0xD400, s0  }
0x8: {  	s5 =	sadd.s32 $0xC00, s0;
	s6 =	sadd.s32 $0xA00, s0;
	s3 =	sand.u32 $0x1, s3  }
0x9: {  	s7 =	sadd.s32 $0x19C00, s0;
	s25 =	sshll.u32 s11, $0x1;
	s9 =	sshrl.u32 s11, $0x2  }
0xa: {  	s11 =	sand.u32 $0x3, s11;
	_ =	strace $0x80000047;
	[dreg:$0x3] =	wrdreg s6  }
0xb: {  	s24 =	ssub.s32 $0x2, s3;
	s6 =	sand.u32 $0x6, s25;
	s10 =	smul.u32 $0x840000, s9  }
0xc: {  	s11 =	sshll.u32 s11, $0x10;
	s25 =	simm.s32 $0x14200;
	s8 =	sshrl.u32 s24, $0x1  }
0xd: {  	s6 =	sor.u32 s3, s6;
	s3 =	sshll.u32 s3, $0xF;
	s0 =	ssub.s32 s24, s8  }
0xe: {  	s8 =	smul.u32 $0x19000, s9;
	s6 =	sshll.u32 s6, $0xF;
	s26 =	sor.u32 s3, s11  }
0xf: {  	s9 =	smul.u32 $0x186A0, s9;
	s0 =	smax.u32 s0, $0x1;
	[dreg:$0x5] =	wrdreg s26  }
0x10: {  	v1 =	vimm.f32 $+Inf;
	v2 =	vlaneseq.u32;
	v3 =	vimm.s32 $0x7FFFFFFF;
	s3 =	simm.s32 $0x2;
	[dreg:$0x4] =	wrdreg s0;
	s0 =	sor.u32 $0x100, s26  }
0x11: {  	v4 =	vimm.f32 $0.0e+00;
	v5 =	vmul.u32 $0x20, v2;
	s10 =	sor.u32 s10, s6;
	v0 =	vmov s6;
	[dreg:$0x6] =	wrdreg s0;
	s0 =	simm.s32 $0x16200  }
.LBB2_1:
0x12: {  	[dreg:$0x7] =	wrdreg s12  }
0x13: {  	s6 =	rddreg [dreg:$0x3];
	s11 =	simm.s32 $0x1A400  }
0x14: {  	[tilespmem:s11], [sflag:$0x5] =	stream.linear.gather [hbm4b:s6+s2], $0x200, $0x38;
	[tilespmem:$0x1A600] =	vst v63  }
0x15: {  	_ =	swait.ge [sflag:s15], $0x200  }
0x16: {  	[sflag:s15] =	ssyncset.done $0x0  }
0x17: {  	s6 =	simm.s32 $0x40;
	s11 =	simm.s32 $0x0;
	[sflag:s15] =	ssyncadd.s32 $0xFFFFFE00  }
.LBB2_2:
0x18: {  	p0 =	sne.s32 s6, $0x1FFC0;
	[tilespmem:s11+$0x0] =	vst v1;
	s12 =	smov.u32 s6;
	s6 =	sadd.s32 $0x40, s6  }
.Ltmp0:
0x19: {  	[tilespmem:s11+$0x8000] =	vst v3;
	(pc) =	sbr.rel @p0 .LBB2_2-.Ltmp0, $2  }
0x1a: {  	_ =	sdelay $0x2  }
0x1b: {  	s11 =	sshra.s32 s12, $0x2  }
.Ltmp1:
0x1c: {  	(pc) =	sbr.rel .LBB2_4-.Ltmp1, $3  }
0x1d: {  	_ =	sdelay $0x1  }
0x1e: {  	[tilespmem:s11+$0x0] =	vst v1  }
0x1f: {  	s6 =	simm.s32 $0x0;
	[tilespmem:s11+$0x8000] =	vst v3;
	s11 =	simm.s32 $0x0  }
.LBB2_8:
0x20: {  	s11 =	sadd.s32 $0x1, s11  }
0x21: {  	p0 =	sne.s32 s11, $0x19  }
.Ltmp2:
0x22: {  	_ = 	snop;
	(pc) =	sbr.rel @!p0 .LBB2_9-.Ltmp2, $1  }
0x23: {  	_ =	sdelay $0x3  }
.LBB2_4:
0x24: {  	s12 =	sshll.u32 s11, $0xC  }
0x25: {  	s13 =	sadd.s32 s8, s12  }
0x26: {  	s13 =	sshrl.u32 s13, $0x3  }
0x27: {  	s16 =	sadd.s32 s4, s13  }
0x28: {  	[tilespmem:s17], [sflag:$0x5] =	stream.linear.gather [hbm4b:s16+s6], $0x1000, $0x38;
	[tilespmem:$0x1A600] =	vst v63  }
0x29: {  	_ =	swait.ge [sflag:s15], $0x1000  }
0x2a: {  	[sflag:s15] =	ssyncset.done $0x0  }
.Ltmp3:
0x2b: {  	s13 =	sadd.s32 s5, s13;
	[sflag:s15] =	ssyncadd.s32 $0xFFFFF000;
	(pc) =	sbr.rel .LBB2_5-.Ltmp3, $4  }
0x2c: {  	[tilespmem:s20], [sflag:$0x5] =	stream.linear.gather [hbm4b:s13+s6], $0x1000, $0x38;
	[tilespmem:$0x1A600] =	vst v63  }
0x2d: {  	_ =	swait.ge [sflag:s15], $0x1000  }
0x2e: {  	[sflag:s15] =	ssyncset.done $0x0  }
0x2f: {  	s12 =	sadd.s32 s9, s12;
	s13 =	simm.s32 $0x0;
	[sflag:s15] =	ssyncadd.s32 $0xFFFFF000  }
.LBB2_7:
0x30: {  	s13 =	sadd.s32 $0x1, s13  }
0x31: {  	p0 =	sne.s32 s13, $0x100  }
.Ltmp4:
0x32: {  	_ = 	snop;
	(pc) =	sbr.rel @!p0 .LBB2_8-.Ltmp4, $1  }
0x33: {  	_ =	sdelay $0x3  }
.LBB2_5:
0x34: {  	s16 =	sshll.u32 s13, $0x4  }
0x35: {  	v6 =	vld [tilespmem:s16+$0x10000];
	_ =	sdelay $0x4  }
0x36: {  	v6 =	vsub.s32 v6, v0  }
0x37: {  	vm0 =	vlt.u32 v6, $0x8000  }
0x38: {  	v6 =	vnsel vm0, $0x0, v6;
	_ =	sdelay $0x3  }
0x39: {  	v7 =	vld [tilespmem:s16+$0x11000]  }
0x3a: {  	v9 =	vld.idx.msk [tilespmem:v6+s2+$0x0], vm0  }
0x3b: {  	v10 =	vld.idx.msk [tilespmem:v6+s18+$0x0], vm0;
	_ =	sdelay $0x2  }
0x3c: {  	s16 =	sadd.s32 s16, s12  }
0x3d: {  	v8 =	vor.u32 s16, v2  }
0x3e: {  	vm1 =	veq.f32 v7, v9;
	vm2 =	vlt.s32 v8, v10  }
0x3f: {  	vm3 =	vlt.f32 v7, v9;
	vm1 =	vmand vm1, vm2  }
0x40: {  	vm1 =	vmor vm3, vm1  }
0x41: {  	vm0 =	vmand vm0, vm1  }
0x42: {  	v9 =	vsel vm0, $0x3F800000, v4  }
0x43: {  	(xrf0) =	vmax.scan.msk.f32 $0xffff, v9;
	_ =	sdelay $0x5  }
0x44: {  	v9, _, _ =	vpop (xrf0)  }
0x45: {  	(v2sf) =	vpush v9, $0xF;
	_ =	sdelay $0xe  }
0x46: {  	s26 =	spop (v2sf)  }
0x47: {  	p0 =	sgt.f32 s26, $0.0e+00  }
.Ltmp5:
0x48: {  	_ = 	snop;
	(pc) =	sbr.rel @!p0 .LBB2_7-.Ltmp5, $1  }
0x49: {  	_ =	sdelay $0x3  }
.LBB2_6:
0x4a: {  	[tilespmem:v6+s2+$0x0] =	vst.idx.msk vm0, v7  }
0x4b: {  	[tilespmem:v6+s18+$0x0] =	vst.idx.msk vm0, v8  }
0x4c: {  	v9 =	vld.idx.msk [tilespmem:v6+s2+$0x0], vm0  }
0x4d: {  	v10 =	vld.idx.msk [tilespmem:v6+s18+$0x0], vm0;
	_ =	sdelay $0x4  }
0x4e: {  	vm1 =	veq.f32 v7, v9;
	vm2 =	vlt.s32 v8, v10  }
0x4f: {  	vm3 =	vlt.f32 v7, v9;
	vm1 =	vmand vm1, vm2  }
0x50: {  	vm1 =	vmor vm3, vm1  }
0x51: {  	vm0 =	vmand vm0, vm1  }
0x52: {  	v9 =	vsel vm0, $0x3F800000, v4  }
0x53: {  	(xrf0) =	vmax.scan.msk.f32 $0xffff, v9;
	_ =	sdelay $0x5  }
0x54: {  	v9, _, _ =	vpop (xrf0)  }
0x55: {  	(v2sf) =	vpush v9, $0xF;
	_ =	sdelay $0xe  }
0x56: {  	s16 =	spop (v2sf)  }
0x57: {  	p0 =	sgt.f32 s16, $0.0e+00  }
.Ltmp6:
0x58: {  	_ = 	snop;
	(pc) =	sbr.rel @p0 .LBB2_6-.Ltmp6, $1  }
0x59: {  	_ =	sdelay $0x3  }
.Ltmp7:
0x5a: {  	_ = 	snop;
	(pc) =	sbr.rel .LBB2_7-.Ltmp7, $1  }
0x5b: {  	_ =	sdelay $0x3  }
.LBB2_9:
0x5c: {  	s12 =	simm.s32 $0x0;
	s13 =	rddreg [dreg:$0x6]  }
0x5d: {  	s24 =	simm.s32 $0x8000;
	s11 =	simm.s32 $0x8100;
	s16 =	rddreg [dreg:$0x5]  }
.LBB2_10:
0x5e: {  	v6 =	vmov s24;
	_ =	sdelay $0x3  }
0x5f: {  	s17 =	simm.s32 $0x0  }
0x60: {  	v7 =	vld.idx.msk [tilespmem:v6+s17+$0x0 ss:$0x1], $0xffff;
	_ =	sdelay $0x4  }
0x61: {  	v8 =	vor.u32 s16, v2;
	vm0 =	veq.s32 v7, $0x7FFFFFFF  }
0x62: {  	s20 =	sshll.u32 s12, $0x9;
	v7 =	vsel vm0, v8, v7  }
0x63: {  	s6 =	simm.s32 $0x10;
	s22 =	simm.s32 $0x80;
	[tilespmem:s17+$0x12000] =	vst v7;
	s17 =	smov.u32 s16  }
.LBB2_11:
0x64: {  	p0 =	sne.s32 s22, $0x3C0;
	v7 =	vld.idx.msk [tilespmem:v6+s6+$0x0 ss:$0x1], $0xffff;
	_ =	sdelay $0x3  }
.Ltmp8:
0x65: {  	(pc) =	sbr.rel @p0 .LBB2_11-.Ltmp8, $4  }
0x66: {  	s17 =	sadd.s32 $0x10, s17  }
0x67: {  	v8 =	vor.u32 s17, v2;
	vm0 =	veq.s32 v7, $0x7FFFFFFF  }
0x68: {  	v7 =	vsel vm0, v8, v7  }
0x69: {  	[tilespmem:s6+$0x12000] =	vst v7;
	s6 =	sshra.s32 s22, $0x2;
	s22 =	sadd.s32 $0x40, s22  }
0x6a: {  	_ =	sdelay $0x3  }
0x6b: {  	v6 =	vld.idx.msk [tilespmem:v6+s6+$0x0 ss:$0x1], $0xffff;
	_ =	sdelay $0x3  }
0x6c: {  	s17 =	sadd.s32 $0x10, s17  }
0x6d: {  	v7 =	vor.u32 s17, v2;
	vm0 =	veq.s32 v6, $0x7FFFFFFF  }
0x6e: {  	v6 =	vsel vm0, v7, v6  }
0x6f: {  	[tilespmem:s6+$0x12000] =	vst v6;
	v6 =	vmov s11  }
0x70: {  	s22 =	simm.s32 $0x12000  }
0x71: {  	[tilespmem:s21], [sflag:$0x1] =	stream.indirect.gather [hbm4b:s1+s19], $0x20, s22, s19, $0xb8;
	[tilespmem:$0x1A600] =	vst v63  }
0x72: {  	s23 =	simm.s32 $0x12080;
	s26 =	simm.s32 $0x13200;
	s22 =	simm.s32 $0x0  }
0x73: {  	[tilespmem:s26], [sflag:$0x1] =	stream.indirect.gather [hbm4b:s1+s19], $0x20, s23, s19, $0xb8;
	[tilespmem:$0x1A600] =	vst v63  }
0x74: {  	v7 =	vld.idx.msk [tilespmem:v6+s22+$0x0 ss:$0x1], $0xffff;
	_ =	sdelay $0x4  }
0x75: {  	v8 =	vor.u32 s13, v2;
	vm15 =	veq.s32 v7, $0x7FFFFFFF  }
0x76: {  	s17 =	sor.u32 $0x100, s20;
	v7 =	vsel vm15, v8, v7  }
0x77: {  	s6 =	simm.s32 $0x10;
	s23 =	simm.s32 $0x80;
	[tilespmem:s22+$0x12100] =	vst v7;
	s22 =	smov.u32 s13  }
.LBB2_13:
0x78: {  	p0 =	sne.s32 s23, $0x3C0;
	v7 =	vld.idx.msk [tilespmem:v6+s6+$0x0 ss:$0x1], $0xffff;
	_ =	sdelay $0x3  }
.Ltmp9:
0x79: {  	(pc) =	sbr.rel @p0 .LBB2_13-.Ltmp9, $4  }
0x7a: {  	s22 =	sadd.s32 $0x10, s22  }
0x7b: {  	v8 =	vor.u32 s22, v2;
	vm0 =	veq.s32 v7, $0x7FFFFFFF  }
0x7c: {  	v7 =	vsel vm0, v8, v7  }
0x7d: {  	[tilespmem:s6+$0x12100] =	vst v7;
	s6 =	sshra.s32 s23, $0x2;
	s23 =	sadd.s32 $0x40, s23  }
0x7e: {  	_ =	sdelay $0x3  }
0x7f: {  	v6 =	vld.idx.msk [tilespmem:v6+s6+$0x0 ss:$0x1], $0xffff;
	_ =	sdelay $0x3  }
0x80: {  	s22 =	sadd.s32 $0x10, s22  }
0x81: {  	v7 =	vor.u32 s22, v2;
	vm0 =	veq.s32 v6, $0x7FFFFFFF  }
0x82: {  	v6 =	vsel vm0, v7, v6  }
0x83: {  	p0 =	seq.s32 s12, $0x0;
	s22 =	simm.s32 $0x12100;
	[tilespmem:s6+$0x12100] =	vst v6  }
0x84: {  	[tilespmem:s25], [sflag:$0x2] =	stream.indirect.gather [hbm4b:s1+s19], $0x20, s22, s19, $0xb8;
	[tilespmem:$0x1A600] =	vst v63  }
0x85: {  	s23 =	simm.s32 $0x12180;
	s6 =	simm.s32 @!p0 $0x3  }
0x86: {  	[tilespmem:s28], [sflag:$0x2] =	stream.indirect.gather [hbm4b:s1+s19], $0x20, s23, s19, $0xb8;
	[tilespmem:$0x1A600] =	vst v63  }
0x87: {  	_ =	swait.ge @!p0 [sflag:s6], $0x2100  }
0x88: {  	[sflag:s6] =	ssyncset.done @!p0 $0x0  }
0x89: {  	[sflag:s6] =	ssyncadd.s32 @!p0 $0xFFFFDF00  }
0x8a: {  	_ =	swait.ge [sflag:s29], $0x1000  }
0x8b: {  	[sflag:s29] =	ssyncset.done $0x0  }
0x8c: {  	[sflag:s29] =	ssyncadd.s32 $0xFFFFF000  }
0x8d: {  	_ =	swait.ge [sflag:s29], $0x1000  }
0x8e: {  	[sflag:s29] =	ssyncset.done $0x0  }
0x8f: {  	[sflag:s29] =	ssyncadd.s32 $0xFFFFF000  }
0x90: {  	v6 =	vld [tilespmem:s24+$0x0];
	_ =	sdelay $0x2  }
0x91: {  	s26 =	simm.s32 $0x0  }
0x92: {  	v7 =	vmov s26  }
0x93: {  	vm15 =	vne.s32 v6, $0x7FFFFFFF;
	v6 =	vshll.u32 v7, $0x5  }
0x94: {  	v6 =	vor.u32 v5, v6;
	_ =	sdelay $0x3  }
0x95: {  	v8 =	vld [tilespmem:$0x1A400]  }
0x96: {  	v7 =	vld.idx.msk [tilespmem:v6+s21+$0x0], vm15;
	_ =	sdelay $0x1  }
0x97: {  	v9 =	vor.u32 $0x1, v6;
	_ =	sdelay $0x2  }
0x98: {  	s22 =	simm.s32 $0x17200;
	v7 =	vsel vm15, v7, v8  }
0x99: {  	[tilespmem:s22+$0xFFFFF000] =	vst v7  }
0x9a: {  	v7 =	vld.idx.msk [tilespmem:v9+s21+$0x0], vm15  }
0x9b: {  	v8 =	vld [tilespmem:$0x1A410];
	_ =	sdelay $0x1  }
0x9c: {  	v35 =	vor.u32 $0x2, v6;
	_ =	sdelay $0x2  }
0x9d: {  	v7 =	vsel vm15, v7, v8  }
0x9e: {  	[tilespmem:s22+$0xFFFFF100] =	vst v7  }
0x9f: {  	v7 =	vld.idx.msk [tilespmem:v35+s21+$0x0], vm15  }
0xa0: {  	v8 =	vld [tilespmem:$0x1A420];
	_ =	sdelay $0x1  }
0xa1: {  	v36 =	vor.u32 $0x3, v6;
	_ =	sdelay $0x2  }
0xa2: {  	v7 =	vsel vm15, v7, v8  }
0xa3: {  	[tilespmem:s22+$0xFFFFF200] =	vst v7  }
0xa4: {  	v7 =	vld.idx.msk [tilespmem:v36+s21+$0x0], vm15  }
0xa5: {  	v8 =	vld [tilespmem:$0x1A430];
	_ =	sdelay $0x1  }
0xa6: {  	v37 =	vor.u32 $0x4, v6;
	_ =	sdelay $0x2  }
0xa7: {  	v7 =	vsel vm15, v7, v8  }
0xa8: {  	[tilespmem:s22+$0xFFFFF300] =	vst v7  }
0xa9: {  	v7 =	vld.idx.msk [tilespmem:v37+s21+$0x0], vm15  }
0xaa: {  	v8 =	vld [tilespmem:$0x1A440];
	_ =	sdelay $0x1  }
0xab: {  	v38 =	vor.u32 $0x5, v6;
	_ =	sdelay $0x2  }
0xac: {  	v7 =	vsel vm15, v7, v8  }
0xad: {  	[tilespmem:s22+$0xFFFFF400] =	vst v7  }
0xae: {  	v7 =	vld.idx.msk [tilespmem:v38+s21+$0x0], vm15  }
0xaf: {  	v8 =	vld [tilespmem:$0x1A450];
	_ =	sdelay $0x1  }
0xb0: {  	v39 =	vor.u32 $0x6, v6;
	_ =	sdelay $0x2  }
0xb1: {  	v7 =	vsel vm15, v7, v8  }
0xb2: {  	[tilespmem:s22+$0xFFFFF500] =	vst v7  }
0xb3: {  	v7 =	vld.idx.msk [tilespmem:v39+s21+$0x0], vm15  }
0xb4: {  	v8 =	vld [tilespmem:$0x1A460];
	_ =	sdelay $0x1  }
0xb5: {  	v40 =	vor.u32 $0x7, v6;
	_ =	sdelay $0x2  }
0xb6: {  	v7 =	vsel vm15, v7, v8  }
0xb7: {  	[tilespmem:s22+$0xFFFFF600] =	vst v7  }
0xb8: {  	v7 =	vld.idx.msk [tilespmem:v40+s21+$0x0], vm15  }
0xb9: {  	v8 =	vld [tilespmem:$0x1A470];
	_ =	sdelay $0x1  }
0xba: {  	v41 =	vor.u32 $0x8, v6;
	_ =	sdelay $0x2  }
0xbb: {  	v7 =	vsel vm15, v7, v8  }
0xbc: {  	[tilespmem:s22+$0xFFFFF700] =	vst v7  }
0xbd: {  	v7 =	vld.idx.msk [tilespmem:v41+s21+$0x0], vm15  }
0xbe: {  	v8 =	vld [tilespmem:$0x1A480];
	_ =	sdelay $0x1  }
0xbf: {  	v42 =	vor.u32 $0x9, v6;
	_ =	sdelay $0x2  }
0xc0: {  	v7 =	vsel vm15, v7, v8  }
0xc1: {  	[tilespmem:s22+$0xFFFFF800] =	vst v7  }
0xc2: {  	v7 =	vld.idx.msk [tilespmem:v42+s21+$0x0], vm15  }
0xc3: {  	v8 =	vld [tilespmem:$0x1A490];
	_ =	sdelay $0x1  }
0xc4: {  	v43 =	vor.u32 $0xA, v6;
	_ =	sdelay $0x2  }
0xc5: {  	v7 =	vsel vm15, v7, v8  }
0xc6: {  	[tilespmem:s22+$0xFFFFF900] =	vst v7  }
0xc7: {  	v7 =	vld.idx.msk [tilespmem:v43+s21+$0x0], vm15  }
0xc8: {  	v8 =	vld [tilespmem:$0x1A4A0];
	_ =	sdelay $0x1  }
0xc9: {  	v44 =	vor.u32 $0xB, v6;
	_ =	sdelay $0x2  }
0xca: {  	v7 =	vsel vm15, v7, v8  }
0xcb: {  	[tilespmem:s22+$0xFFFFFA00] =	vst v7  }
0xcc: {  	v7 =	vld.idx.msk [tilespmem:v44+s21+$0x0], vm15  }
0xcd: {  	v8 =	vld [tilespmem:$0x1A4B0];
	_ =	sdelay $0x1  }
0xce: {  	v45 =	vor.u32 $0xC, v6;
	_ =	sdelay $0x2  }
0xcf: {  	v7 =	vsel vm15, v7, v8  }
0xd0: {  	[tilespmem:s22+$0xFFFFFB00] =	vst v7  }
0xd1: {  	v7 =	vld.idx.msk [tilespmem:v45+s21+$0x0], vm15  }
0xd2: {  	v8 =	vld [tilespmem:$0x1A4C0];
	_ =	sdelay $0x1  }
0xd3: {  	v46 =	vor.u32 $0xD, v6;
	_ =	sdelay $0x2  }
0xd4: {  	v7 =	vsel vm15, v7, v8  }
0xd5: {  	[tilespmem:s22+$0xFFFFFC00] =	vst v7  }
0xd6: {  	v7 =	vld.idx.msk [tilespmem:v46+s21+$0x0], vm15  }
0xd7: {  	v8 =	vld [tilespmem:$0x1A4D0];
	_ =	sdelay $0x1  }
0xd8: {  	v47 =	vor.u32 $0xE, v6;
	_ =	sdelay $0x2  }
0xd9: {  	v7 =	vsel vm15, v7, v8  }
0xda: {  	[tilespmem:s22+$0xFFFFFD00] =	vst v7  }
0xdb: {  	v7 =	vld.idx.msk [tilespmem:v47+s21+$0x0], vm15  }
0xdc: {  	v8 =	vld [tilespmem:$0x1A4E0];
	_ =	sdelay $0x1  }
0xdd: {  	v48 =	vor.u32 $0xF, v6;
	_ =	sdelay $0x2  }
0xde: {  	v7 =	vsel vm15, v7, v8  }
0xdf: {  	[tilespmem:s22+$0xFFFFFE00] =	vst v7  }
0xe0: {  	v7 =	vld.idx.msk [tilespmem:v48+s21+$0x0], vm15  }
0xe1: {  	v8 =	vld [tilespmem:$0x1A4F0];
	_ =	sdelay $0x1  }
0xe2: {  	v49 =	vor.u32 $0x10, v6;
	_ =	sdelay $0x2  }
0xe3: {  	v7 =	vsel vm15, v7, v8  }
0xe4: {  	[tilespmem:s22+$0xFFFFFF00] =	vst v7  }
0xe5: {  	v7 =	vld.idx.msk [tilespmem:v49+s21+$0x0], vm15  }
0xe6: {  	v8 =	vld [tilespmem:$0x1A500];
	_ =	sdelay $0x1  }
0xe7: {  	v50 =	vor.u32 $0x11, v6;
	_ =	sdelay $0x2  }
0xe8: {  	v7 =	vsel vm15, v7, v8  }
0xe9: {  	[tilespmem:s22+$0x0] =	vst v7  }
0xea: {  	v7 =	vld.idx.msk [tilespmem:v50+s21+$0x0], vm15  }
0xeb: {  	v8 =	vld [tilespmem:$0x1A510];
	_ =	sdelay $0x1  }
0xec: {  	v51 =	vor.u32 $0x12, v6;
	_ =	sdelay $0x2  }
0xed: {  	v7 =	vsel vm15, v7, v8  }
0xee: {  	[tilespmem:s22+$0x100] =	vst v7  }
0xef: {  	v7 =	vld.idx.msk [tilespmem:v51+s21+$0x0], vm15  }
0xf0: {  	v8 =	vld [tilespmem:$0x1A520];
	_ =	sdelay $0x1  }
0xf1: {  	v52 =	vor.u32 $0x13, v6;
	_ =	sdelay $0x2  }
0xf2: {  	v7 =	vsel vm15, v7, v8  }
0xf3: {  	[tilespmem:s22+$0x200] =	vst v7  }
0xf4: {  	v7 =	vld.idx.msk [tilespmem:v52+s21+$0x0], vm15  }
0xf5: {  	v8 =	vld [tilespmem:$0x1A530];
	_ =	sdelay $0x1  }
0xf6: {  	v53 =	vor.u32 $0x14, v6;
	_ =	sdelay $0x2  }
0xf7: {  	v7 =	vsel vm15, v7, v8  }
0xf8: {  	[tilespmem:s22+$0x300] =	vst v7  }
0xf9: {  	v7 =	vld.idx.msk [tilespmem:v53+s21+$0x0], vm15  }
0xfa: {  	v8 =	vld [tilespmem:$0x1A540];
	_ =	sdelay $0x1  }
0xfb: {  	v54 =	vor.u32 $0x15, v6;
	_ =	sdelay $0x2  }
0xfc: {  	v7 =	vsel vm15, v7, v8  }
0xfd: {  	[tilespmem:s22+$0x400] =	vst v7  }
0xfe: {  	v7 =	vld.idx.msk [tilespmem:v54+s21+$0x0], vm15  }
0xff: {  	v8 =	vld [tilespmem:$0x1A550];
	_ =	sdelay $0x1  }
0x100: {  	v55 =	vor.u32 $0x16, v6;
	_ =	sdelay $0x2  }
0x101: {  	v7 =	vsel vm15, v7, v8  }
0x102: {  	[tilespmem:s22+$0x500] =	vst v7  }
0x103: {  	v7 =	vld.idx.msk [tilespmem:v55+s21+$0x0], vm15  }
0x104: {  	v8 =	vld [tilespmem:$0x1A560];
	_ =	sdelay $0x1  }
0x105: {  	v56 =	vor.u32 $0x17, v6;
	_ =	sdelay $0x2  }
0x106: {  	v7 =	vsel vm15, v7, v8  }
0x107: {  	[tilespmem:s22+$0x600] =	vst v7  }
0x108: {  	v7 =	vld.idx.msk [tilespmem:v56+s21+$0x0], vm15  }
0x109: {  	v8 =	vld [tilespmem:$0x1A570];
	_ =	sdelay $0x1  }
0x10a: {  	v57 =	vor.u32 $0x18, v6;
	_ =	sdelay $0x2  }
0x10b: {  	v7 =	vsel vm15, v7, v8  }
0x10c: {  	[tilespmem:s22+$0x700] =	vst v7  }
0x10d: {  	v7 =	vld.idx.msk [tilespmem:v57+s21+$0x0], vm15  }
0x10e: {  	v8 =	vld [tilespmem:$0x1A580];
	_ =	sdelay $0x1  }
0x10f: {  	v58 =	vor.u32 $0x19, v6;
	_ =	sdelay $0x2  }
0x110: {  	v7 =	vsel vm15, v7, v8  }
0x111: {  	[tilespmem:s22+$0x800] =	vst v7  }
0x112: {  	v7 =	vld.idx.msk [tilespmem:v58+s21+$0x0], vm15  }
0x113: {  	v8 =	vld [tilespmem:$0x1A590];
	_ =	sdelay $0x1  }
0x114: {  	v59 =	vor.u32 $0x1A, v6;
	_ =	sdelay $0x2  }
0x115: {  	v7 =	vsel vm15, v7, v8  }
0x116: {  	[tilespmem:s22+$0x900] =	vst v7  }
0x117: {  	v7 =	vld.idx.msk [tilespmem:v59+s21+$0x0], vm15  }
0x118: {  	v8 =	vld [tilespmem:$0x1A5A0];
	_ =	sdelay $0x1  }
0x119: {  	v60 =	vor.u32 $0x1B, v6;
	_ =	sdelay $0x2  }
0x11a: {  	v7 =	vsel vm15, v7, v8  }
0x11b: {  	[tilespmem:s22+$0xA00] =	vst v7  }
0x11c: {  	v7 =	vld.idx.msk [tilespmem:v60+s21+$0x0], vm15  }
0x11d: {  	v8 =	vld [tilespmem:$0x1A5B0];
	_ =	sdelay $0x1  }
0x11e: {  	v61 =	vor.u32 $0x1C, v6;
	_ =	sdelay $0x2  }
0x11f: {  	v7 =	vsel vm15, v7, v8  }
0x120: {  	[tilespmem:s22+$0xB00] =	vst v7  }
0x121: {  	v7 =	vld.idx.msk [tilespmem:v61+s21+$0x0], vm15  }
0x122: {  	v8 =	vld [tilespmem:$0x1A5C0];
	_ =	sdelay $0x1  }
0x123: {  	v62 =	vor.u32 $0x1D, v6;
	_ =	sdelay $0x2  }
0x124: {  	v7 =	vsel vm15, v7, v8  }
0x125: {  	[tilespmem:s22+$0xC00] =	vst v7  }
0x126: {  	v7 =	vld.idx.msk [tilespmem:v62+s21+$0x0], vm15  }
0x127: {  	v8 =	vld [tilespmem:$0x1A5D0];
	_ =	sdelay $0x1  }
0x128: {  	v63 =	vor.u32 $0x1E, v6;
	_ =	sdelay $0x2  }
0x129: {  	v7 =	vsel vm15, v7, v8  }
0x12a: {  	[tilespmem:s22+$0xD00] =	vst v7  }
0x12b: {  	v7 =	vld.idx.msk [tilespmem:v63+s21+$0x0], vm15  }
0x12c: {  	v8 =	vld [tilespmem:$0x1A5E0];
	_ =	sdelay $0x1  }
0x12d: {  	v6 =	vor.u32 $0x1F, v6;
	_ =	sdelay $0x2  }
0x12e: {  	v7 =	vsel vm15, v7, v8  }
0x12f: {  	[tilespmem:s22+$0xE00] =	vst v7  }
0x130: {  	v6 =	vld.idx.msk [tilespmem:v6+s21+$0x0], vm15  }
0x131: {  	v7 =	vld [tilespmem:$0x1A5F0];
	_ =	sdelay $0x3  }
0x132: {  	v8 =	vsel vm15, $0x3F800000, v4  }
0x133: {  	s23 =	simm.s32 $0x10;
	s6 =	smov.u32 s24;
	[tilespmem:s22+$0x1000] =	vst v8;
	v6 =	vsel vm15, v6, v7  }
.LBB2_15:
0x134: {  	p1 =	sne.s32 s23, $0xF0;
	[tilespmem:s22+$0xF00] =	vst v6;
	s6 =	sadd.s32 $0x10, s6;
	s22 =	sadd.s32 $0x10, s22  }
0x135: {  	s26 =	smov.u32 s23;
	s23 =	sadd.s32 $0x10, s23;
	v6 =	vld [tilespmem:s6+$0x0];
	_ =	sdelay $0x3  }
0x136: {  	v7 =	vmov s26  }
0x137: {  	vm0 =	vne.s32 v6, $0x7FFFFFFF;
	v6 =	vshll.u32 v7, $0x5  }
0x138: {  	v6 =	vor.u32 v5, v6;
	_ =	sdelay $0x4  }
0x139: {  	v7 =	vld.idx.msk [tilespmem:v6+s21+$0x0], vm0  }
0x13a: {  	v8 =	vld [tilespmem:$0x1A400];
	_ =	sdelay $0x1  }
0x13b: {  	v9 =	vor.u32 $0x1, v6;
	_ =	sdelay $0x2  }
0x13c: {  	v7 =	vsel vm0, v7, v8  }
0x13d: {  	[tilespmem:s22+$0xFFFFF000] =	vst v7  }
0x13e: {  	v7 =	vld.idx.msk [tilespmem:v9+s21+$0x0], vm0  }
0x13f: {  	v8 =	vld [tilespmem:$0x1A410];
	_ =	sdelay $0x1  }
0x140: {  	v9 =	vor.u32 $0x2, v6;
	_ =	sdelay $0x2  }
0x141: {  	v7 =	vsel vm0, v7, v8  }
0x142: {  	[tilespmem:s22+$0xFFFFF100] =	vst v7  }
0x143: {  	v7 =	vld.idx.msk [tilespmem:v9+s21+$0x0], vm0  }
0x144: {  	v8 =	vld [tilespmem:$0x1A420];
	_ =	sdelay $0x1  }
0x145: {  	v9 =	vor.u32 $0x3, v6;
	_ =	sdelay $0x2  }
0x146: {  	v7 =	vsel vm0, v7, v8  }
0x147: {  	[tilespmem:s22+$0xFFFFF200] =	vst v7  }
0x148: {  	v7 =	vld.idx.msk [tilespmem:v9+s21+$0x0], vm0  }
0x149: {  	v8 =	vld [tilespmem:$0x1A430];
	_ =	sdelay $0x1  }
0x14a: {  	v9 =	vor.u32 $0x4, v6;
	_ =	sdelay $0x2  }
0x14b: {  	v7 =	vsel vm0, v7, v8  }
0x14c: {  	[tilespmem:s22+$0xFFFFF300] =	vst v7  }
0x14d: {  	v7 =	vld.idx.msk [tilespmem:v9+s21+$0x0], vm0  }
0x14e: {  	v8 =	vld [tilespmem:$0x1A440];
	_ =	sdelay $0x1  }
0x14f: {  	v9 =	vor.u32 $0x5, v6;
	_ =	sdelay $0x2  }
0x150: {  	v7 =	vsel vm0, v7, v8  }
0x151: {  	[tilespmem:s22+$0xFFFFF400] =	vst v7  }
0x152: {  	v7 =	vld.idx.msk [tilespmem:v9+s21+$0x0], vm0  }
0x153: {  	v8 =	vld [tilespmem:$0x1A450];
	_ =	sdelay $0x1  }
0x154: {  	v9 =	vor.u32 $0x6, v6;
	_ =	sdelay $0x2  }
0x155: {  	v7 =	vsel vm0, v7, v8  }
0x156: {  	[tilespmem:s22+$0xFFFFF500] =	vst v7  }
0x157: {  	v7 =	vld.idx.msk [tilespmem:v9+s21+$0x0], vm0  }
0x158: {  	v8 =	vld [tilespmem:$0x1A460];
	_ =	sdelay $0x1  }
0x159: {  	v9 =	vor.u32 $0x7, v6;
	_ =	sdelay $0x2  }
0x15a: {  	v7 =	vsel vm0, v7, v8  }
0x15b: {  	[tilespmem:s22+$0xFFFFF600] =	vst v7  }
0x15c: {  	v7 =	vld.idx.msk [tilespmem:v9+s21+$0x0], vm0  }
0x15d: {  	v8 =	vld [tilespmem:$0x1A470];
	_ =	sdelay $0x1  }
0x15e: {  	v9 =	vor.u32 $0x8, v6;
	_ =	sdelay $0x2  }
0x15f: {  	v7 =	vsel vm0, v7, v8  }
0x160: {  	[tilespmem:s22+$0xFFFFF700] =	vst v7  }
0x161: {  	v7 =	vld.idx.msk [tilespmem:v9+s21+$0x0], vm0  }
0x162: {  	v8 =	vld [tilespmem:$0x1A480];
	_ =	sdelay $0x1  }
0x163: {  	v9 =	vor.u32 $0x9, v6;
	_ =	sdelay $0x2  }
0x164: {  	v7 =	vsel vm0, v7, v8  }
0x165: {  	[tilespmem:s22+$0xFFFFF800] =	vst v7  }
0x166: {  	v7 =	vld.idx.msk [tilespmem:v9+s21+$0x0], vm0  }
0x167: {  	v8 =	vld [tilespmem:$0x1A490];
	_ =	sdelay $0x1  }
0x168: {  	v9 =	vor.u32 $0xA, v6;
	_ =	sdelay $0x2  }
0x169: {  	v7 =	vsel vm0, v7, v8  }
0x16a: {  	[tilespmem:s22+$0xFFFFF900] =	vst v7  }
0x16b: {  	v7 =	vld.idx.msk [tilespmem:v9+s21+$0x0], vm0  }
0x16c: {  	v8 =	vld [tilespmem:$0x1A4A0];
	_ =	sdelay $0x1  }
0x16d: {  	v9 =	vor.u32 $0xB, v6;
	_ =	sdelay $0x2  }
0x16e: {  	v7 =	vsel vm0, v7, v8  }
0x16f: {  	[tilespmem:s22+$0xFFFFFA00] =	vst v7  }
0x170: {  	v7 =	vld.idx.msk [tilespmem:v9+s21+$0x0], vm0  }
0x171: {  	v8 =	vld [tilespmem:$0x1A4B0];
	_ =	sdelay $0x1  }
0x172: {  	v9 =	vor.u32 $0xC, v6;
	_ =	sdelay $0x2  }
0x173: {  	v7 =	vsel vm0, v7, v8  }
0x174: {  	[tilespmem:s22+$0xFFFFFB00] =	vst v7  }
0x175: {  	v7 =	vld.idx.msk [tilespmem:v9+s21+$0x0], vm0  }
0x176: {  	v8 =	vld [tilespmem:$0x1A4C0];
	_ =	sdelay $0x1  }
0x177: {  	v9 =	vor.u32 $0xD, v6;
	_ =	sdelay $0x2  }
0x178: {  	v7 =	vsel vm0, v7, v8  }
0x179: {  	[tilespmem:s22+$0xFFFFFC00] =	vst v7  }
0x17a: {  	v7 =	vld.idx.msk [tilespmem:v9+s21+$0x0], vm0  }
0x17b: {  	v8 =	vld [tilespmem:$0x1A4D0];
	_ =	sdelay $0x1  }
0x17c: {  	v9 =	vor.u32 $0xE, v6;
	_ =	sdelay $0x2  }
0x17d: {  	v7 =	vsel vm0, v7, v8  }
0x17e: {  	[tilespmem:s22+$0xFFFFFD00] =	vst v7  }
0x17f: {  	v7 =	vld.idx.msk [tilespmem:v9+s21+$0x0], vm0  }
0x180: {  	v8 =	vld [tilespmem:$0x1A4E0];
	_ =	sdelay $0x1  }
0x181: {  	v9 =	vor.u32 $0xF, v6;
	_ =	sdelay $0x2  }
0x182: {  	v7 =	vsel vm0, v7, v8  }
0x183: {  	[tilespmem:s22+$0xFFFFFE00] =	vst v7  }
0x184: {  	v7 =	vld.idx.msk [tilespmem:v9+s21+$0x0], vm0  }
0x185: {  	v8 =	vld [tilespmem:$0x1A4F0];
	_ =	sdelay $0x1  }
0x186: {  	v9 =	vor.u32 $0x10, v6;
	_ =	sdelay $0x2  }
0x187: {  	v7 =	vsel vm0, v7, v8  }
0x188: {  	[tilespmem:s22+$0xFFFFFF00] =	vst v7  }
0x189: {  	v7 =	vld.idx.msk [tilespmem:v9+s21+$0x0], vm0  }
0x18a: {  	v8 =	vld [tilespmem:$0x1A500];
	_ =	sdelay $0x1  }
0x18b: {  	v9 =	vor.u32 $0x11, v6;
	_ =	sdelay $0x2  }
0x18c: {  	v7 =	vsel vm0, v7, v8  }
0x18d: {  	[tilespmem:s22+$0x0] =	vst v7  }
0x18e: {  	v7 =	vld.idx.msk [tilespmem:v9+s21+$0x0], vm0  }
0x18f: {  	v8 =	vld [tilespmem:$0x1A510];
	_ =	sdelay $0x1  }
0x190: {  	v9 =	vor.u32 $0x12, v6;
	_ =	sdelay $0x2  }
0x191: {  	v7 =	vsel vm0, v7, v8  }
0x192: {  	[tilespmem:s22+$0x100] =	vst v7  }
0x193: {  	v7 =	vld.idx.msk [tilespmem:v9+s21+$0x0], vm0  }
0x194: {  	v8 =	vld [tilespmem:$0x1A520];
	_ =	sdelay $0x1  }
0x195: {  	v9 =	vor.u32 $0x13, v6;
	_ =	sdelay $0x2  }
0x196: {  	v7 =	vsel vm0, v7, v8  }
0x197: {  	[tilespmem:s22+$0x200] =	vst v7  }
0x198: {  	v7 =	vld.idx.msk [tilespmem:v9+s21+$0x0], vm0  }
0x199: {  	v8 =	vld [tilespmem:$0x1A530];
	_ =	sdelay $0x1  }
0x19a: {  	v9 =	vor.u32 $0x14, v6;
	_ =	sdelay $0x2  }
0x19b: {  	v7 =	vsel vm0, v7, v8  }
0x19c: {  	[tilespmem:s22+$0x300] =	vst v7  }
0x19d: {  	v7 =	vld.idx.msk [tilespmem:v9+s21+$0x0], vm0  }
0x19e: {  	v8 =	vld [tilespmem:$0x1A540];
	_ =	sdelay $0x1  }
0x19f: {  	v9 =	vor.u32 $0x15, v6;
	_ =	sdelay $0x2  }
0x1a0: {  	v7 =	vsel vm0, v7, v8  }
0x1a1: {  	[tilespmem:s22+$0x400] =	vst v7  }
0x1a2: {  	v7 =	vld.idx.msk [tilespmem:v9+s21+$0x0], vm0  }
0x1a3: {  	v8 =	vld [tilespmem:$0x1A550];
	_ =	sdelay $0x1  }
0x1a4: {  	v9 =	vor.u32 $0x16, v6;
	_ =	sdelay $0x2  }
0x1a5: {  	v7 =	vsel vm0, v7, v8  }
0x1a6: {  	[tilespmem:s22+$0x500] =	vst v7  }
0x1a7: {  	v7 =	vld.idx.msk [tilespmem:v9+s21+$0x0], vm0  }
0x1a8: {  	v8 =	vld [tilespmem:$0x1A560];
	_ =	sdelay $0x1  }
0x1a9: {  	v9 =	vor.u32 $0x17, v6;
	_ =	sdelay $0x2  }
0x1aa: {  	v7 =	vsel vm0, v7, v8  }
0x1ab: {  	[tilespmem:s22+$0x600] =	vst v7  }
0x1ac: {  	v7 =	vld.idx.msk [tilespmem:v9+s21+$0x0], vm0  }
0x1ad: {  	v8 =	vld [tilespmem:$0x1A570];
	_ =	sdelay $0x1  }
0x1ae: {  	v9 =	vor.u32 $0x18, v6;
	_ =	sdelay $0x2  }
0x1af: {  	v7 =	vsel vm0, v7, v8  }
0x1b0: {  	[tilespmem:s22+$0x700] =	vst v7  }
0x1b1: {  	v7 =	vld.idx.msk [tilespmem:v9+s21+$0x0], vm0  }
0x1b2: {  	v8 =	vld [tilespmem:$0x1A580];
	_ =	sdelay $0x1  }
0x1b3: {  	v9 =	vor.u32 $0x19, v6;
	_ =	sdelay $0x2  }
0x1b4: {  	v7 =	vsel vm0, v7, v8  }
0x1b5: {  	[tilespmem:s22+$0x800] =	vst v7  }
0x1b6: {  	v7 =	vld.idx.msk [tilespmem:v9+s21+$0x0], vm0  }
0x1b7: {  	v8 =	vld [tilespmem:$0x1A590];
	_ =	sdelay $0x1  }
0x1b8: {  	v9 =	vor.u32 $0x1A, v6;
	_ =	sdelay $0x2  }
0x1b9: {  	v7 =	vsel vm0, v7, v8  }
0x1ba: {  	[tilespmem:s22+$0x900] =	vst v7  }
0x1bb: {  	v7 =	vld.idx.msk [tilespmem:v9+s21+$0x0], vm0  }
0x1bc: {  	v8 =	vld [tilespmem:$0x1A5A0];
	_ =	sdelay $0x1  }
0x1bd: {  	v9 =	vor.u32 $0x1B, v6;
	_ =	sdelay $0x2  }
0x1be: {  	v7 =	vsel vm0, v7, v8  }
0x1bf: {  	[tilespmem:s22+$0xA00] =	vst v7  }
0x1c0: {  	v7 =	vld.idx.msk [tilespmem:v9+s21+$0x0], vm0  }
0x1c1: {  	v8 =	vld [tilespmem:$0x1A5B0];
	_ =	sdelay $0x1  }
0x1c2: {  	v9 =	vor.u32 $0x1C, v6;
	_ =	sdelay $0x2  }
0x1c3: {  	v7 =	vsel vm0, v7, v8  }
0x1c4: {  	[tilespmem:s22+$0xB00] =	vst v7  }
0x1c5: {  	v7 =	vld.idx.msk [tilespmem:v9+s21+$0x0], vm0  }
0x1c6: {  	v8 =	vld [tilespmem:$0x1A5C0];
	_ =	sdelay $0x1  }
0x1c7: {  	v9 =	vor.u32 $0x1D, v6;
	_ =	sdelay $0x2  }
0x1c8: {  	v7 =	vsel vm0, v7, v8  }
0x1c9: {  	[tilespmem:s22+$0xC00] =	vst v7  }
0x1ca: {  	v7 =	vld.idx.msk [tilespmem:v9+s21+$0x0], vm0  }
0x1cb: {  	v8 =	vld [tilespmem:$0x1A5D0];
	_ =	sdelay $0x1  }
0x1cc: {  	v9 =	vor.u32 $0x1E, v6;
	_ =	sdelay $0x2  }
0x1cd: {  	v7 =	vsel vm0, v7, v8  }
0x1ce: {  	[tilespmem:s22+$0xD00] =	vst v7  }
0x1cf: {  	v7 =	vld.idx.msk [tilespmem:v9+s21+$0x0], vm0  }
0x1d0: {  	v8 =	vld [tilespmem:$0x1A5E0];
	_ =	sdelay $0x1  }
0x1d1: {  	v6 =	vor.u32 $0x1F, v6;
	_ =	sdelay $0x2  }
0x1d2: {  	v7 =	vsel vm0, v7, v8  }
0x1d3: {  	[tilespmem:s22+$0xE00] =	vst v7  }
0x1d4: {  	v6 =	vld.idx.msk [tilespmem:v6+s21+$0x0], vm0  }
0x1d5: {  	v8 =	vsel vm0, $0x3F800000, v4;
	v7 =	vld [tilespmem:$0x1A5F0]  }
.Ltmp10:
0x1d6: {  	[tilespmem:s22+$0x1000] =	vst v8;
	(pc) =	sbr.rel @p1 .LBB2_15-.Ltmp10, $2  }
0x1d7: {  	_ =	sdelay $0x2  }
0x1d8: {  	v6 =	vsel vm0, v6, v7  }
0x1d9: {  	s6 =	sor.u32 s20, s10  }
0x1da: {  	s6 =	sshrl.u32 s6, $0x3  }
0x1db: {  	[tilespmem:s22+$0xF00] =	vst v6;
	s6 =	sadd.s32 s7, s6  }
0x1dc: {  	[hbm4b:s6+s30] =	stream.strided.scatter [tilespmem:s0], [sflag:$0x3], $0x2100, s31, s30, $0x38;
	[tilespmem:$0x1A600] =	vst v63  }
0x1dd: {  	s6 =	simm.s32 @!p0 $0x4  }
0x1de: {  	_ =	swait.ge @!p0 [sflag:s6], $0x2100  }
0x1df: {  	[sflag:s6] =	ssyncset.done @!p0 $0x0  }
0x1e0: {  	[sflag:s6] =	ssyncadd.s32 @!p0 $0xFFFFDF00  }
0x1e1: {  	_ =	swait.ge [sflag:s3], $0x1000  }
0x1e2: {  	[sflag:s3] =	ssyncset.done $0x0  }
0x1e3: {  	[sflag:s3] =	ssyncadd.s32 $0xFFFFF000  }
0x1e4: {  	_ =	swait.ge [sflag:s3], $0x1000  }
0x1e5: {  	[sflag:s3] =	ssyncset.done $0x0  }
0x1e6: {  	[sflag:s3] =	ssyncadd.s32 $0xFFFFF000  }
0x1e7: {  	v6 =	vld [tilespmem:s11+$0x0];
	_ =	sdelay $0x2  }
0x1e8: {  	s26 =	simm.s32 $0x0  }
0x1e9: {  	v7 =	vmov s26  }
0x1ea: {  	vm0 =	vne.s32 v6, $0x7FFFFFFF;
	v6 =	vshll.u32 v7, $0x5  }
0x1eb: {  	v6 =	vor.u32 v5, v6;
	_ =	sdelay $0x3  }
0x1ec: {  	v8 =	vld [tilespmem:$0x1A400]  }
0x1ed: {  	v7 =	vld.idx.msk [tilespmem:v6+s25+$0x0], vm0;
	_ =	sdelay $0x1  }
0x1ee: {  	v9 =	vor.u32 $0x1, v6;
	_ =	sdelay $0x2  }
0x1ef: {  	s20 =	simm.s32 $0x19300;
	v7 =	vsel vm0, v7, v8  }
0x1f0: {  	[tilespmem:s20+$0xFFFFF000] =	vst v7  }
0x1f1: {  	v7 =	vld.idx.msk [tilespmem:v9+s25+$0x0], vm0  }
0x1f2: {  	v8 =	vld [tilespmem:$0x1A410];
	_ =	sdelay $0x1  }
0x1f3: {  	v35 =	vor.u32 $0x2, v6;
	_ =	sdelay $0x2  }
0x1f4: {  	v7 =	vsel vm0, v7, v8  }
0x1f5: {  	[tilespmem:s20+$0xFFFFF100] =	vst v7  }
0x1f6: {  	v7 =	vld.idx.msk [tilespmem:v35+s25+$0x0], vm0  }
0x1f7: {  	v8 =	vld [tilespmem:$0x1A420];
	_ =	sdelay $0x1  }
0x1f8: {  	v36 =	vor.u32 $0x3, v6;
	_ =	sdelay $0x2  }
0x1f9: {  	v7 =	vsel vm0, v7, v8  }
0x1fa: {  	[tilespmem:s20+$0xFFFFF200] =	vst v7  }
0x1fb: {  	v7 =	vld.idx.msk [tilespmem:v36+s25+$0x0], vm0  }
0x1fc: {  	v8 =	vld [tilespmem:$0x1A430];
	_ =	sdelay $0x1  }
0x1fd: {  	v37 =	vor.u32 $0x4, v6;
	_ =	sdelay $0x2  }
0x1fe: {  	v7 =	vsel vm0, v7, v8  }
0x1ff: {  	[tilespmem:s20+$0xFFFFF300] =	vst v7  }
0x200: {  	v7 =	vld.idx.msk [tilespmem:v37+s25+$0x0], vm0  }
0x201: {  	v8 =	vld [tilespmem:$0x1A440];
	_ =	sdelay $0x1  }
0x202: {  	v38 =	vor.u32 $0x5, v6;
	_ =	sdelay $0x2  }
0x203: {  	v7 =	vsel vm0, v7, v8  }
0x204: {  	[tilespmem:s20+$0xFFFFF400] =	vst v7  }
0x205: {  	v7 =	vld.idx.msk [tilespmem:v38+s25+$0x0], vm0  }
0x206: {  	v8 =	vld [tilespmem:$0x1A450];
	_ =	sdelay $0x1  }
0x207: {  	v39 =	vor.u32 $0x6, v6;
	_ =	sdelay $0x2  }
0x208: {  	v7 =	vsel vm0, v7, v8  }
0x209: {  	[tilespmem:s20+$0xFFFFF500] =	vst v7  }
0x20a: {  	v7 =	vld.idx.msk [tilespmem:v39+s25+$0x0], vm0  }
0x20b: {  	v8 =	vld [tilespmem:$0x1A460];
	_ =	sdelay $0x1  }
0x20c: {  	v40 =	vor.u32 $0x7, v6;
	_ =	sdelay $0x2  }
0x20d: {  	v7 =	vsel vm0, v7, v8  }
0x20e: {  	[tilespmem:s20+$0xFFFFF600] =	vst v7  }
0x20f: {  	v7 =	vld.idx.msk [tilespmem:v40+s25+$0x0], vm0  }
0x210: {  	v8 =	vld [tilespmem:$0x1A470];
	_ =	sdelay $0x1  }
0x211: {  	v41 =	vor.u32 $0x8, v6;
	_ =	sdelay $0x2  }
0x212: {  	v7 =	vsel vm0, v7, v8  }
0x213: {  	[tilespmem:s20+$0xFFFFF700] =	vst v7  }
0x214: {  	v7 =	vld.idx.msk [tilespmem:v41+s25+$0x0], vm0  }
0x215: {  	v8 =	vld [tilespmem:$0x1A480];
	_ =	sdelay $0x1  }
0x216: {  	v42 =	vor.u32 $0x9, v6;
	_ =	sdelay $0x2  }
0x217: {  	v7 =	vsel vm0, v7, v8  }
0x218: {  	[tilespmem:s20+$0xFFFFF800] =	vst v7  }
0x219: {  	v7 =	vld.idx.msk [tilespmem:v42+s25+$0x0], vm0  }
0x21a: {  	v8 =	vld [tilespmem:$0x1A490];
	_ =	sdelay $0x1  }
0x21b: {  	v43 =	vor.u32 $0xA, v6;
	_ =	sdelay $0x2  }
0x21c: {  	v7 =	vsel vm0, v7, v8  }
0x21d: {  	[tilespmem:s20+$0xFFFFF900] =	vst v7  }
0x21e: {  	v7 =	vld.idx.msk [tilespmem:v43+s25+$0x0], vm0  }
0x21f: {  	v8 =	vld [tilespmem:$0x1A4A0];
	_ =	sdelay $0x1  }
0x220: {  	v44 =	vor.u32 $0xB, v6;
	_ =	sdelay $0x2  }
0x221: {  	v7 =	vsel vm0, v7, v8  }
0x222: {  	[tilespmem:s20+$0xFFFFFA00] =	vst v7  }
0x223: {  	v7 =	vld.idx.msk [tilespmem:v44+s25+$0x0], vm0  }
0x224: {  	v8 =	vld [tilespmem:$0x1A4B0];
	_ =	sdelay $0x1  }
0x225: {  	v45 =	vor.u32 $0xC, v6;
	_ =	sdelay $0x2  }
0x226: {  	v7 =	vsel vm0, v7, v8  }
0x227: {  	[tilespmem:s20+$0xFFFFFB00] =	vst v7  }
0x228: {  	v7 =	vld.idx.msk [tilespmem:v45+s25+$0x0], vm0  }
0x229: {  	v8 =	vld [tilespmem:$0x1A4C0];
	_ =	sdelay $0x1  }
0x22a: {  	v46 =	vor.u32 $0xD, v6;
	_ =	sdelay $0x2  }
0x22b: {  	v7 =	vsel vm0, v7, v8  }
0x22c: {  	[tilespmem:s20+$0xFFFFFC00] =	vst v7  }
0x22d: {  	v7 =	vld.idx.msk [tilespmem:v46+s25+$0x0], vm0  }
0x22e: {  	v8 =	vld [tilespmem:$0x1A4D0];
	_ =	sdelay $0x1  }
0x22f: {  	v47 =	vor.u32 $0xE, v6;
	_ =	sdelay $0x2  }
0x230: {  	v7 =	vsel vm0, v7, v8  }
0x231: {  	[tilespmem:s20+$0xFFFFFD00] =	vst v7  }
0x232: {  	v7 =	vld.idx.msk [tilespmem:v47+s25+$0x0], vm0  }
0x233: {  	v8 =	vld [tilespmem:$0x1A4E0];
	_ =	sdelay $0x1  }
0x234: {  	v48 =	vor.u32 $0xF, v6;
	_ =	sdelay $0x2  }
0x235: {  	v7 =	vsel vm0, v7, v8  }
0x236: {  	[tilespmem:s20+$0xFFFFFE00] =	vst v7  }
0x237: {  	v7 =	vld.idx.msk [tilespmem:v48+s25+$0x0], vm0  }
0x238: {  	v8 =	vld [tilespmem:$0x1A4F0];
	_ =	sdelay $0x1  }
0x239: {  	v49 =	vor.u32 $0x10, v6;
	_ =	sdelay $0x2  }
0x23a: {  	v7 =	vsel vm0, v7, v8  }
0x23b: {  	[tilespmem:s20+$0xFFFFFF00] =	vst v7  }
0x23c: {  	v7 =	vld.idx.msk [tilespmem:v49+s25+$0x0], vm0  }
0x23d: {  	v8 =	vld [tilespmem:$0x1A500];
	_ =	sdelay $0x1  }
0x23e: {  	v50 =	vor.u32 $0x11, v6;
	_ =	sdelay $0x2  }
0x23f: {  	v7 =	vsel vm0, v7, v8  }
0x240: {  	[tilespmem:s20+$0x0] =	vst v7  }
0x241: {  	v7 =	vld.idx.msk [tilespmem:v50+s25+$0x0], vm0  }
0x242: {  	v8 =	vld [tilespmem:$0x1A510];
	_ =	sdelay $0x1  }
0x243: {  	v51 =	vor.u32 $0x12, v6;
	_ =	sdelay $0x2  }
0x244: {  	v7 =	vsel vm0, v7, v8  }
0x245: {  	[tilespmem:s20+$0x100] =	vst v7  }
0x246: {  	v7 =	vld.idx.msk [tilespmem:v51+s25+$0x0], vm0  }
0x247: {  	v8 =	vld [tilespmem:$0x1A520];
	_ =	sdelay $0x1  }
0x248: {  	v52 =	vor.u32 $0x13, v6;
	_ =	sdelay $0x2  }
0x249: {  	v7 =	vsel vm0, v7, v8  }
0x24a: {  	[tilespmem:s20+$0x200] =	vst v7  }
0x24b: {  	v7 =	vld.idx.msk [tilespmem:v52+s25+$0x0], vm0  }
0x24c: {  	v8 =	vld [tilespmem:$0x1A530];
	_ =	sdelay $0x1  }
0x24d: {  	v53 =	vor.u32 $0x14, v6;
	_ =	sdelay $0x2  }
0x24e: {  	v7 =	vsel vm0, v7, v8  }
0x24f: {  	[tilespmem:s20+$0x300] =	vst v7  }
0x250: {  	v7 =	vld.idx.msk [tilespmem:v53+s25+$0x0], vm0  }
0x251: {  	v8 =	vld [tilespmem:$0x1A540];
	_ =	sdelay $0x1  }
0x252: {  	v54 =	vor.u32 $0x15, v6;
	_ =	sdelay $0x2  }
0x253: {  	v7 =	vsel vm0, v7, v8  }
0x254: {  	[tilespmem:s20+$0x400] =	vst v7  }
0x255: {  	v7 =	vld.idx.msk [tilespmem:v54+s25+$0x0], vm0  }
0x256: {  	v8 =	vld [tilespmem:$0x1A550];
	_ =	sdelay $0x1  }
0x257: {  	v55 =	vor.u32 $0x16, v6;
	_ =	sdelay $0x2  }
0x258: {  	v7 =	vsel vm0, v7, v8  }
0x259: {  	[tilespmem:s20+$0x500] =	vst v7  }
0x25a: {  	v7 =	vld.idx.msk [tilespmem:v55+s25+$0x0], vm0  }
0x25b: {  	v8 =	vld [tilespmem:$0x1A560];
	_ =	sdelay $0x1  }
0x25c: {  	v56 =	vor.u32 $0x17, v6;
	_ =	sdelay $0x2  }
0x25d: {  	v7 =	vsel vm0, v7, v8  }
0x25e: {  	[tilespmem:s20+$0x600] =	vst v7  }
0x25f: {  	v7 =	vld.idx.msk [tilespmem:v56+s25+$0x0], vm0  }
0x260: {  	v8 =	vld [tilespmem:$0x1A570];
	_ =	sdelay $0x1  }
0x261: {  	v57 =	vor.u32 $0x18, v6;
	_ =	sdelay $0x2  }
0x262: {  	v7 =	vsel vm0, v7, v8  }
0x263: {  	[tilespmem:s20+$0x700] =	vst v7  }
0x264: {  	v7 =	vld.idx.msk [tilespmem:v57+s25+$0x0], vm0  }
0x265: {  	v8 =	vld [tilespmem:$0x1A580];
	_ =	sdelay $0x1  }
0x266: {  	v58 =	vor.u32 $0x19, v6;
	_ =	sdelay $0x2  }
0x267: {  	v7 =	vsel vm0, v7, v8  }
0x268: {  	[tilespmem:s20+$0x800] =	vst v7  }
0x269: {  	v7 =	vld.idx.msk [tilespmem:v58+s25+$0x0], vm0  }
0x26a: {  	v8 =	vld [tilespmem:$0x1A590];
	_ =	sdelay $0x1  }
0x26b: {  	v59 =	vor.u32 $0x1A, v6;
	_ =	sdelay $0x2  }
0x26c: {  	v7 =	vsel vm0, v7, v8  }
0x26d: {  	[tilespmem:s20+$0x900] =	vst v7  }
0x26e: {  	v7 =	vld.idx.msk [tilespmem:v59+s25+$0x0], vm0  }
0x26f: {  	v8 =	vld [tilespmem:$0x1A5A0];
	_ =	sdelay $0x1  }
0x270: {  	v60 =	vor.u32 $0x1B, v6;
	_ =	sdelay $0x2  }
0x271: {  	v7 =	vsel vm0, v7, v8  }
0x272: {  	[tilespmem:s20+$0xA00] =	vst v7  }
0x273: {  	v7 =	vld.idx.msk [tilespmem:v60+s25+$0x0], vm0  }
0x274: {  	v8 =	vld [tilespmem:$0x1A5B0];
	_ =	sdelay $0x1  }
0x275: {  	v61 =	vor.u32 $0x1C, v6;
	_ =	sdelay $0x2  }
0x276: {  	v7 =	vsel vm0, v7, v8  }
0x277: {  	[tilespmem:s20+$0xB00] =	vst v7  }
0x278: {  	v7 =	vld.idx.msk [tilespmem:v61+s25+$0x0], vm0  }
0x279: {  	v8 =	vld [tilespmem:$0x1A5C0];
	_ =	sdelay $0x1  }
0x27a: {  	v62 =	vor.u32 $0x1D, v6;
	_ =	sdelay $0x2  }
0x27b: {  	v7 =	vsel vm0, v7, v8  }
0x27c: {  	[tilespmem:s20+$0xC00] =	vst v7  }
0x27d: {  	v7 =	vld.idx.msk [tilespmem:v62+s25+$0x0], vm0  }
0x27e: {  	v8 =	vld [tilespmem:$0x1A5D0];
	_ =	sdelay $0x1  }
0x27f: {  	v63 =	vor.u32 $0x1E, v6;
	_ =	sdelay $0x2  }
0x280: {  	v7 =	vsel vm0, v7, v8  }
0x281: {  	[tilespmem:s20+$0xD00] =	vst v7  }
0x282: {  	v7 =	vld.idx.msk [tilespmem:v63+s25+$0x0], vm0  }
0x283: {  	v8 =	vld [tilespmem:$0x1A5E0];
	_ =	sdelay $0x1  }
0x284: {  	v6 =	vor.u32 $0x1F, v6;
	_ =	sdelay $0x2  }
0x285: {  	v7 =	vsel vm0, v7, v8  }
0x286: {  	[tilespmem:s20+$0xE00] =	vst v7  }
0x287: {  	v6 =	vld.idx.msk [tilespmem:v6+s25+$0x0], vm0  }
0x288: {  	v7 =	vld [tilespmem:$0x1A5F0];
	_ =	sdelay $0x3  }
0x289: {  	v8 =	vsel vm0, $0x3F800000, v4  }
0x28a: {  	s22 =	simm.s32 $0x10;
	s6 =	smov.u32 s11;
	[tilespmem:s20+$0x1000] =	vst v8;
	v6 =	vsel vm0, v6, v7  }
.LBB2_17:
0x28b: {  	p0 =	sne.s32 s22, $0xF0;
	[tilespmem:s20+$0xF00] =	vst v6;
	s6 =	sadd.s32 $0x10, s6;
	s20 =	sadd.s32 $0x10, s20  }
0x28c: {  	s23 =	smov.u32 s22;
	s22 =	sadd.s32 $0x10, s22;
	v6 =	vld [tilespmem:s6+$0x0];
	_ =	sdelay $0x3  }
0x28d: {  	v7 =	vmov s23  }
0x28e: {  	vm0 =	vne.s32 v6, $0x7FFFFFFF;
	v6 =	vshll.u32 v7, $0x5  }
0x28f: {  	v6 =	vor.u32 v5, v6;
	_ =	sdelay $0x4  }
0x290: {  	v7 =	vld.idx.msk [tilespmem:v6+s25+$0x0], vm0  }
0x291: {  	v8 =	vld [tilespmem:$0x1A400];
	_ =	sdelay $0x1  }
0x292: {  	v9 =	vor.u32 $0x1, v6;
	_ =	sdelay $0x2  }
0x293: {  	v7 =	vsel vm0, v7, v8  }
0x294: {  	[tilespmem:s20+$0xFFFFF000] =	vst v7  }
0x295: {  	v7 =	vld.idx.msk [tilespmem:v9+s25+$0x0], vm0  }
0x296: {  	v8 =	vld [tilespmem:$0x1A410];
	_ =	sdelay $0x1  }
0x297: {  	v9 =	vor.u32 $0x2, v6;
	_ =	sdelay $0x2  }
0x298: {  	v7 =	vsel vm0, v7, v8  }
0x299: {  	[tilespmem:s20+$0xFFFFF100] =	vst v7  }
0x29a: {  	v7 =	vld.idx.msk [tilespmem:v9+s25+$0x0], vm0  }
0x29b: {  	v8 =	vld [tilespmem:$0x1A420];
	_ =	sdelay $0x1  }
0x29c: {  	v9 =	vor.u32 $0x3, v6;
	_ =	sdelay $0x2  }
0x29d: {  	v7 =	vsel vm0, v7, v8  }
0x29e: {  	[tilespmem:s20+$0xFFFFF200] =	vst v7  }
0x29f: {  	v7 =	vld.idx.msk [tilespmem:v9+s25+$0x0], vm0  }
0x2a0: {  	v8 =	vld [tilespmem:$0x1A430];
	_ =	sdelay $0x1  }
0x2a1: {  	v9 =	vor.u32 $0x4, v6;
	_ =	sdelay $0x2  }
0x2a2: {  	v7 =	vsel vm0, v7, v8  }
0x2a3: {  	[tilespmem:s20+$0xFFFFF300] =	vst v7  }
0x2a4: {  	v7 =	vld.idx.msk [tilespmem:v9+s25+$0x0], vm0  }
0x2a5: {  	v8 =	vld [tilespmem:$0x1A440];
	_ =	sdelay $0x1  }
0x2a6: {  	v9 =	vor.u32 $0x5, v6;
	_ =	sdelay $0x2  }
0x2a7: {  	v7 =	vsel vm0, v7, v8  }
0x2a8: {  	[tilespmem:s20+$0xFFFFF400] =	vst v7  }
0x2a9: {  	v7 =	vld.idx.msk [tilespmem:v9+s25+$0x0], vm0  }
0x2aa: {  	v8 =	vld [tilespmem:$0x1A450];
	_ =	sdelay $0x1  }
0x2ab: {  	v9 =	vor.u32 $0x6, v6;
	_ =	sdelay $0x2  }
0x2ac: {  	v7 =	vsel vm0, v7, v8  }
0x2ad: {  	[tilespmem:s20+$0xFFFFF500] =	vst v7  }
0x2ae: {  	v7 =	vld.idx.msk [tilespmem:v9+s25+$0x0], vm0  }
0x2af: {  	v8 =	vld [tilespmem:$0x1A460];
	_ =	sdelay $0x1  }
0x2b0: {  	v9 =	vor.u32 $0x7, v6;
	_ =	sdelay $0x2  }
0x2b1: {  	v7 =	vsel vm0, v7, v8  }
0x2b2: {  	[tilespmem:s20+$0xFFFFF600] =	vst v7  }
0x2b3: {  	v7 =	vld.idx.msk [tilespmem:v9+s25+$0x0], vm0  }
0x2b4: {  	v8 =	vld [tilespmem:$0x1A470];
	_ =	sdelay $0x1  }
0x2b5: {  	v9 =	vor.u32 $0x8, v6;
	_ =	sdelay $0x2  }
0x2b6: {  	v7 =	vsel vm0, v7, v8  }
0x2b7: {  	[tilespmem:s20+$0xFFFFF700] =	vst v7  }
0x2b8: {  	v7 =	vld.idx.msk [tilespmem:v9+s25+$0x0], vm0  }
0x2b9: {  	v8 =	vld [tilespmem:$0x1A480];
	_ =	sdelay $0x1  }
0x2ba: {  	v9 =	vor.u32 $0x9, v6;
	_ =	sdelay $0x2  }
0x2bb: {  	v7 =	vsel vm0, v7, v8  }
0x2bc: {  	[tilespmem:s20+$0xFFFFF800] =	vst v7  }
0x2bd: {  	v7 =	vld.idx.msk [tilespmem:v9+s25+$0x0], vm0  }
0x2be: {  	v8 =	vld [tilespmem:$0x1A490];
	_ =	sdelay $0x1  }
0x2bf: {  	v9 =	vor.u32 $0xA, v6;
	_ =	sdelay $0x2  }
0x2c0: {  	v7 =	vsel vm0, v7, v8  }
0x2c1: {  	[tilespmem:s20+$0xFFFFF900] =	vst v7  }
0x2c2: {  	v7 =	vld.idx.msk [tilespmem:v9+s25+$0x0], vm0  }
0x2c3: {  	v8 =	vld [tilespmem:$0x1A4A0];
	_ =	sdelay $0x1  }
0x2c4: {  	v9 =	vor.u32 $0xB, v6;
	_ =	sdelay $0x2  }
0x2c5: {  	v7 =	vsel vm0, v7, v8  }
0x2c6: {  	[tilespmem:s20+$0xFFFFFA00] =	vst v7  }
0x2c7: {  	v7 =	vld.idx.msk [tilespmem:v9+s25+$0x0], vm0  }
0x2c8: {  	v8 =	vld [tilespmem:$0x1A4B0];
	_ =	sdelay $0x1  }
0x2c9: {  	v9 =	vor.u32 $0xC, v6;
	_ =	sdelay $0x2  }
0x2ca: {  	v7 =	vsel vm0, v7, v8  }
0x2cb: {  	[tilespmem:s20+$0xFFFFFB00] =	vst v7  }
0x2cc: {  	v7 =	vld.idx.msk [tilespmem:v9+s25+$0x0], vm0  }
0x2cd: {  	v8 =	vld [tilespmem:$0x1A4C0];
	_ =	sdelay $0x1  }
0x2ce: {  	v9 =	vor.u32 $0xD, v6;
	_ =	sdelay $0x2  }
0x2cf: {  	v7 =	vsel vm0, v7, v8  }
0x2d0: {  	[tilespmem:s20+$0xFFFFFC00] =	vst v7  }
0x2d1: {  	v7 =	vld.idx.msk [tilespmem:v9+s25+$0x0], vm0  }
0x2d2: {  	v8 =	vld [tilespmem:$0x1A4D0];
	_ =	sdelay $0x1  }
0x2d3: {  	v9 =	vor.u32 $0xE, v6;
	_ =	sdelay $0x2  }
0x2d4: {  	v7 =	vsel vm0, v7, v8  }
0x2d5: {  	[tilespmem:s20+$0xFFFFFD00] =	vst v7  }
0x2d6: {  	v7 =	vld.idx.msk [tilespmem:v9+s25+$0x0], vm0  }
0x2d7: {  	v8 =	vld [tilespmem:$0x1A4E0];
	_ =	sdelay $0x1  }
0x2d8: {  	v9 =	vor.u32 $0xF, v6;
	_ =	sdelay $0x2  }
0x2d9: {  	v7 =	vsel vm0, v7, v8  }
0x2da: {  	[tilespmem:s20+$0xFFFFFE00] =	vst v7  }
0x2db: {  	v7 =	vld.idx.msk [tilespmem:v9+s25+$0x0], vm0  }
0x2dc: {  	v8 =	vld [tilespmem:$0x1A4F0];
	_ =	sdelay $0x1  }
0x2dd: {  	v9 =	vor.u32 $0x10, v6;
	_ =	sdelay $0x2  }
0x2de: {  	v7 =	vsel vm0, v7, v8  }
0x2df: {  	[tilespmem:s20+$0xFFFFFF00] =	vst v7  }
0x2e0: {  	v7 =	vld.idx.msk [tilespmem:v9+s25+$0x0], vm0  }
0x2e1: {  	v8 =	vld [tilespmem:$0x1A500];
	_ =	sdelay $0x1  }
0x2e2: {  	v9 =	vor.u32 $0x11, v6;
	_ =	sdelay $0x2  }
0x2e3: {  	v7 =	vsel vm0, v7, v8  }
0x2e4: {  	[tilespmem:s20+$0x0] =	vst v7  }
0x2e5: {  	v7 =	vld.idx.msk [tilespmem:v9+s25+$0x0], vm0  }
0x2e6: {  	v8 =	vld [tilespmem:$0x1A510];
	_ =	sdelay $0x1  }
0x2e7: {  	v9 =	vor.u32 $0x12, v6;
	_ =	sdelay $0x2  }
0x2e8: {  	v7 =	vsel vm0, v7, v8  }
0x2e9: {  	[tilespmem:s20+$0x100] =	vst v7  }
0x2ea: {  	v7 =	vld.idx.msk [tilespmem:v9+s25+$0x0], vm0  }
0x2eb: {  	v8 =	vld [tilespmem:$0x1A520];
	_ =	sdelay $0x1  }
0x2ec: {  	v9 =	vor.u32 $0x13, v6;
	_ =	sdelay $0x2  }
0x2ed: {  	v7 =	vsel vm0, v7, v8  }
0x2ee: {  	[tilespmem:s20+$0x200] =	vst v7  }
0x2ef: {  	v7 =	vld.idx.msk [tilespmem:v9+s25+$0x0], vm0  }
0x2f0: {  	v8 =	vld [tilespmem:$0x1A530];
	_ =	sdelay $0x1  }
0x2f1: {  	v9 =	vor.u32 $0x14, v6;
	_ =	sdelay $0x2  }
0x2f2: {  	v7 =	vsel vm0, v7, v8  }
0x2f3: {  	[tilespmem:s20+$0x300] =	vst v7  }
0x2f4: {  	v7 =	vld.idx.msk [tilespmem:v9+s25+$0x0], vm0  }
0x2f5: {  	v8 =	vld [tilespmem:$0x1A540];
	_ =	sdelay $0x1  }
0x2f6: {  	v9 =	vor.u32 $0x15, v6;
	_ =	sdelay $0x2  }
0x2f7: {  	v7 =	vsel vm0, v7, v8  }
0x2f8: {  	[tilespmem:s20+$0x400] =	vst v7  }
0x2f9: {  	v7 =	vld.idx.msk [tilespmem:v9+s25+$0x0], vm0  }
0x2fa: {  	v8 =	vld [tilespmem:$0x1A550];
	_ =	sdelay $0x1  }
0x2fb: {  	v9 =	vor.u32 $0x16, v6;
	_ =	sdelay $0x2  }
0x2fc: {  	v7 =	vsel vm0, v7, v8  }
0x2fd: {  	[tilespmem:s20+$0x500] =	vst v7  }
0x2fe: {  	v7 =	vld.idx.msk [tilespmem:v9+s25+$0x0], vm0  }
0x2ff: {  	v8 =	vld [tilespmem:$0x1A560];
	_ =	sdelay $0x1  }
0x300: {  	v9 =	vor.u32 $0x17, v6;
	_ =	sdelay $0x2  }
0x301: {  	v7 =	vsel vm0, v7, v8  }
0x302: {  	[tilespmem:s20+$0x600] =	vst v7  }
0x303: {  	v7 =	vld.idx.msk [tilespmem:v9+s25+$0x0], vm0  }
0x304: {  	v8 =	vld [tilespmem:$0x1A570];
	_ =	sdelay $0x1  }
0x305: {  	v9 =	vor.u32 $0x18, v6;
	_ =	sdelay $0x2  }
0x306: {  	v7 =	vsel vm0, v7, v8  }
0x307: {  	[tilespmem:s20+$0x700] =	vst v7  }
0x308: {  	v7 =	vld.idx.msk [tilespmem:v9+s25+$0x0], vm0  }
0x309: {  	v8 =	vld [tilespmem:$0x1A580];
	_ =	sdelay $0x1  }
0x30a: {  	v9 =	vor.u32 $0x19, v6;
	_ =	sdelay $0x2  }
0x30b: {  	v7 =	vsel vm0, v7, v8  }
0x30c: {  	[tilespmem:s20+$0x800] =	vst v7  }
0x30d: {  	v7 =	vld.idx.msk [tilespmem:v9+s25+$0x0], vm0  }
0x30e: {  	v8 =	vld [tilespmem:$0x1A590];
	_ =	sdelay $0x1  }
0x30f: {  	v9 =	vor.u32 $0x1A, v6;
	_ =	sdelay $0x2  }
0x310: {  	v7 =	vsel vm0, v7, v8  }
0x311: {  	[tilespmem:s20+$0x900] =	vst v7  }
0x312: {  	v7 =	vld.idx.msk [tilespmem:v9+s25+$0x0], vm0  }
0x313: {  	v8 =	vld [tilespmem:$0x1A5A0];
	_ =	sdelay $0x1  }
0x314: {  	v9 =	vor.u32 $0x1B, v6;
	_ =	sdelay $0x2  }
0x315: {  	v7 =	vsel vm0, v7, v8  }
0x316: {  	[tilespmem:s20+$0xA00] =	vst v7  }
0x317: {  	v7 =	vld.idx.msk [tilespmem:v9+s25+$0x0], vm0  }
0x318: {  	v8 =	vld [tilespmem:$0x1A5B0];
	_ =	sdelay $0x1  }
0x319: {  	v9 =	vor.u32 $0x1C, v6;
	_ =	sdelay $0x2  }
0x31a: {  	v7 =	vsel vm0, v7, v8  }
0x31b: {  	[tilespmem:s20+$0xB00] =	vst v7  }
0x31c: {  	v7 =	vld.idx.msk [tilespmem:v9+s25+$0x0], vm0  }
0x31d: {  	v8 =	vld [tilespmem:$0x1A5C0];
	_ =	sdelay $0x1  }
0x31e: {  	v9 =	vor.u32 $0x1D, v6;
	_ =	sdelay $0x2  }
0x31f: {  	v7 =	vsel vm0, v7, v8  }
0x320: {  	[tilespmem:s20+$0xC00] =	vst v7  }
0x321: {  	v7 =	vld.idx.msk [tilespmem:v9+s25+$0x0], vm0  }
0x322: {  	v8 =	vld [tilespmem:$0x1A5D0];
	_ =	sdelay $0x1  }
0x323: {  	v9 =	vor.u32 $0x1E, v6;
	_ =	sdelay $0x2  }
0x324: {  	v7 =	vsel vm0, v7, v8  }
0x325: {  	[tilespmem:s20+$0xD00] =	vst v7  }
0x326: {  	v7 =	vld.idx.msk [tilespmem:v9+s25+$0x0], vm0  }
0x327: {  	v8 =	vld [tilespmem:$0x1A5E0];
	_ =	sdelay $0x1  }
0x328: {  	v6 =	vor.u32 $0x1F, v6;
	_ =	sdelay $0x2  }
0x329: {  	v7 =	vsel vm0, v7, v8  }
0x32a: {  	[tilespmem:s20+$0xE00] =	vst v7  }
0x32b: {  	v6 =	vld.idx.msk [tilespmem:v6+s25+$0x0], vm0  }
0x32c: {  	v8 =	vsel vm0, $0x3F800000, v4;
	v7 =	vld [tilespmem:$0x1A5F0]  }
.Ltmp11:
0x32d: {  	[tilespmem:s20+$0x1000] =	vst v8;
	(pc) =	sbr.rel @p0 .LBB2_17-.Ltmp11, $2  }
0x32e: {  	_ =	sdelay $0x2  }
0x32f: {  	v6 =	vsel vm0, v6, v7  }
0x330: {  	s12 =	sadd.s32 $0x1, s12  }
0x331: {  	p0 =	sne.s32 s12, $0x40  }
.Ltmp12:
0x332: {  	_ = 	snop;
	(pc) =	sbr.rel @p0 .LBB2_10-.Ltmp12, $4  }
0x333: {  	s6 =	sor.u32 s17, s10  }
0x334: {  	s16 =	sadd.s32 $0x200, s16;
	s24 =	sadd.s32 $0x200, s24;
	s6 =	sshrl.u32 s6, $0x3  }
0x335: {  	[tilespmem:s20+$0xF00] =	vst v6;
	s13 =	sadd.s32 $0x200, s13;
	s11 =	sadd.s32 $0x200, s11;
	s6 =	sadd.s32 s7, s6  }
0x336: {  	[hbm4b:s6+s30] =	stream.strided.scatter [tilespmem:s14], [sflag:$0x4], $0x2100, s31, s30, $0x38;
	[tilespmem:$0x1A600] =	vst v63  }
0x337: {  	s6 =	simm.s32 $0x3  }
0x338: {  	_ =	swait.ge [sflag:s6], $0x2100  }
0x339: {  	[sflag:s6] =	ssyncset.done $0x0  }
0x33a: {  	s11 =	simm.s32 $0x4;
	[sflag:s6] =	ssyncadd.s32 $0xFFFFDF00  }
0x33b: {  	_ =	swait.ge [sflag:s11], $0x2100  }
0x33c: {  	s12 =	rddreg [dreg:$0x7]  }
0x33d: {  	s26 =	rddreg [dreg:$0x4];
	s12 =	sadd.s32 $0x1, s12  }
0x33e: {  	p0 =	sne.s32 s12, s26  }
.Ltmp13:
0x33f: {  	_ = 	snop;
	(pc) =	sbr.rel @p0 .LBB2_1-.Ltmp13, $3  }
0x340: {  	_ =	sdelay $0x1  }
0x341: {  	[sflag:s11] =	ssyncset.done $0x0  }
0x342: {  	s17 =	simm.s32 $0x10000;
	s20 =	simm.s32 $0x11000;
	[sflag:s11] =	ssyncadd.s32 $0xFFFFDF00  }
0x343: {  	_ =	sfence.sel $0x180000  }
0x344: {  	[bflag:$0x0] =	sbarrier.arrive $0xFFFF  }
0x345: {  	_ =	strace $0x90000047  }
0x346: {  	s0 =	stileid.u32;
	[bflag:$0x2] =	sbarrier.arrive $0xFFFF  }
0x347: {  	p0 =	sne.s32 s0, $0x0;
	s0 =	rddreg [dreg:$0x2]  }
0x348: {  	s0 =	sadd.s32 @!p0 $0x100000, s0  }
0x349: {  	[sflag:s0] =	ssyncadd.tile.s32 @!p0 $0x1;
	_ =	shalt  }
.Lfunc_end2:
_tile_overlayer_lowered:
.L_overlay_start_2:
0x34a: {  	(tag) =	ssettag $0x2  }
0x34b: {  	s0 =	rddreg [dreg:$0x0];
	s2 =	stileid.u32  }
0x34c: {  	s1 =	rddreg [dreg:$0x1];
	p0 =	sne.s32 s2, $0x0  }
0x34d: {  	s3 =	rddreg [dreg:$0x2];
	[bflag:$0x3] =	sbarrier.arrive $0xFFFF;
	s2 =	simm.s32 @!p0 $0x1C05  }
0x34e: {  	[timem:s3], [sflag:s2] =	dma.local @!p0 [hbm:s0], s1  }
0x34f: {  	s0 =	simm.s32 @!p0 $0x5  }
0x350: {  	_ =	swait.ge @!p0 [sflag:s0], s1  }
0x351: {  	s1 =	ssub.s32 @!p0 $0x0, s1;
	[sflag:s0] =	ssyncset.done @!p0 $0x0  }
0x352: {  	[sflag:s0] =	ssyncadd.s32 @!p0 s1  }
0x353: {  	[bflag:$0x3] =	sbarrier.arrive $0xFFFF  }
0x354: {  	_ =	shalt  }

</sc_bundles>
